<compile_context>
chip_gen: v7x
topology: tpu7x:2x2x1
jax: 0.10.2.dev20260603
libtpu: 0.0.44.dev20260713+nightly
codegen_flags: <defaults>
</compile_context>

<pallas_src>
import jax
import jax.numpy as jnp
from jax import lax
from jax.experimental import pallas as pl
from jax.experimental.pallas import tpu as pltpu
from jax.experimental.pallas import tpu_sc as plsc

N = 10000
E = 320000
NODE_DIM = 128
EDGE_DIM = 16
EMBED = 128
EPS = 1e-5

NC = 2
NS = 16
NW = NC * NS
CHUNK = 128
NCHUNK = E // CHUNK
BASE_CHUNKS = NCHUNK // NW
EXTRA_CHUNKS = NCHUNK - NW * BASE_CHUNKS
HALVES = (40, 38)
N_PAD = 10240
ROWS_PER_TILE = N_PAD // NS


def _sc_mesh():
    return plsc.VectorSubcoreMesh(core_axis_name="c", subcore_axis_name="s")


def _edge_sum_body(ea_hbm, ei3_hbm, ones_hbm, zeros_hbm, out_hbm, cnt_hbm,
                   row_v, ones_v, buf0, buf1, acc_sh, cnt_sh, sem0, sem1):
    ci = lax.axis_index("c")
    si = lax.axis_index("s")
    wid = ci * NS + si
    r0 = si * ROWS_PER_TILE
    pltpu.sync_copy(zeros_hbm, acc_sh.at[pl.ds(r0, ROWS_PER_TILE)])
    pltpu.sync_copy(zeros_hbm, cnt_sh.at[pl.ds(r0, ROWS_PER_TILE)])
    pltpu.sync_copy(ones_hbm, ones_v)
    cbase = wid * BASE_CHUNKS
    pltpu.sync_copy(ei3_hbm.at[0, pl.ds(cbase, BASE_CHUNKS)], row_v)
    plsc.subcore_barrier()

    def start(k, buf, sem):
        return pltpu.async_copy(ea_hbm.at[pl.ds(k * CHUNK, CHUNK)], buf, sem)

    def scatter(j, buf):
        pltpu.sync_copy(buf, acc_sh.at[row_v.at[j]], add=True)
        pltpu.sync_copy(ones_v, cnt_sh.at[row_v.at[j]], add=True)

    start(cbase, buf0, sem0)

    @pl.loop(0, BASE_CHUNKS, step=2)
    def _(j):
        start(cbase + j + 1, buf1, sem1)
        pltpu.make_async_copy(ea_hbm.at[pl.ds(0, CHUNK)], buf0, sem0).wait()
        scatter(j, buf0)

        @pl.when(j + 2 < BASE_CHUNKS)
        def _():
            start(cbase + j + 2, buf0, sem0)

        pltpu.make_async_copy(ea_hbm.at[pl.ds(0, CHUNK)], buf1, sem1).wait()
        scatter(j + 1, buf1)

    @pl.when(wid < EXTRA_CHUNKS)
    def _():
        k = NW * BASE_CHUNKS + wid
        pltpu.sync_copy(ei3_hbm.at[0, k], row_v.at[0])
        pltpu.async_copy(ea_hbm.at[pl.ds(k * CHUNK, CHUNK)], buf0, sem0).wait()
        scatter(0, buf0)

    plsc.subcore_barrier()
    pltpu.sync_copy(acc_sh.at[pl.ds(r0, ROWS_PER_TILE)],
                    out_hbm.at[ci, pl.ds(r0, ROWS_PER_TILE)])
    pltpu.sync_copy(cnt_sh.at[pl.ds(r0, ROWS_PER_TILE)],
                    cnt_hbm.at[ci, pl.ds(r0, ROWS_PER_TILE)])


_edge_sum = pl.kernel(
    _edge_sum_body,
    out_type=(jax.ShapeDtypeStruct((NC, N_PAD, EDGE_DIM), jnp.float32),
              jax.ShapeDtypeStruct((NC, N_PAD, EDGE_DIM), jnp.float32)),
    mesh=_sc_mesh(),
    scratch_types=[
        pltpu.VMEM((BASE_CHUNKS, CHUNK), jnp.int32),
        pltpu.VMEM((CHUNK, EDGE_DIM), jnp.float32),
        pltpu.VMEM((CHUNK, EDGE_DIM), jnp.float32),
        pltpu.VMEM((CHUNK, EDGE_DIM), jnp.float32),
        pltpu.VMEM_SHARED((N_PAD, EDGE_DIM), jnp.float32),
        pltpu.VMEM_SHARED((N_PAD, EDGE_DIM), jnp.float32),
        pltpu.SemaphoreType.DMA,
        pltpu.SemaphoreType.DMA,
    ],
    compiler_params=pltpu.CompilerParams(use_tc_tiling_on_sc=False),
)


def _spmm_body(h_hbm, ei3_hbm, zeros_hbm, out_hbm,
               col_v, row_v, buf0, buf1, acc_sh, sem0, sem1):
    ci = lax.axis_index("c")
    si = lax.axis_index("s")
    wid = ci * NS + si
    r0 = si * ROWS_PER_TILE
    pltpu.sync_copy(zeros_hbm, acc_sh.at[pl.ds(r0, ROWS_PER_TILE)])
    cbase = wid * BASE_CHUNKS
    plsc.subcore_barrier()

    def start(j, buf, sem):
        return pltpu.async_copy(h_hbm.at[col_v.at[j]], buf, sem)

    off = 0
    for hc in HALVES:
        pltpu.sync_copy(ei3_hbm.at[1, pl.ds(cbase + off, hc)],
                        col_v.at[pl.ds(0, hc)])
        pltpu.sync_copy(ei3_hbm.at[0, pl.ds(cbase + off, hc)],
                        row_v.at[pl.ds(0, hc)])
        start(0, buf0, sem0)

        @pl.loop(0, hc, step=2)
        def _(j):
            start(j + 1, buf1, sem1)
            pltpu.make_async_copy(h_hbm.at[pl.ds(0, CHUNK)], buf0, sem0).wait()
            pltpu.sync_copy(buf0, acc_sh.at[row_v.at[j]], add=True)

            @pl.when(j + 2 < hc)
            def _():
                start(j + 2, buf0, sem0)

            pltpu.make_async_copy(h_hbm.at[pl.ds(0, CHUNK)], buf1, sem1).wait()
            pltpu.sync_copy(buf1, acc_sh.at[row_v.at[j + 1]], add=True)

        off += hc

    @pl.when(wid < EXTRA_CHUNKS)
    def _():
        k = NW * BASE_CHUNKS + wid
        pltpu.sync_copy(ei3_hbm.at[1, k], col_v.at[0])
        pltpu.sync_copy(ei3_hbm.at[0, k], row_v.at[0])
        start(0, buf0, sem0).wait()
        pltpu.sync_copy(buf0, acc_sh.at[row_v.at[0]], add=True)

    plsc.subcore_barrier()
    pltpu.sync_copy(acc_sh.at[pl.ds(r0, ROWS_PER_TILE)],
                    out_hbm.at[ci, pl.ds(r0, ROWS_PER_TILE)])


_spmm = pl.kernel(
    _spmm_body,
    out_type=jax.ShapeDtypeStruct((NC, N_PAD, EMBED), jnp.float32),
    mesh=_sc_mesh(),
    scratch_types=[
        pltpu.VMEM((HALVES[0], CHUNK), jnp.int32),
        pltpu.VMEM((HALVES[0], CHUNK), jnp.int32),
        pltpu.VMEM((CHUNK, EMBED), jnp.float32),
        pltpu.VMEM((CHUNK, EMBED), jnp.float32),
        pltpu.VMEM_SHARED((N_PAD, EMBED), jnp.float32),
        pltpu.SemaphoreType.DMA,
        pltpu.SemaphoreType.DMA,
    ],
    compiler_params=pltpu.CompilerParams(use_tc_tiling_on_sc=False),
)


def _bn(y, g, b):
    m = jnp.mean(y, axis=0, keepdims=True)
    v = jnp.mean((y - m) ** 2, axis=0, keepdims=True)
    return g * (y - m) / jnp.sqrt(v + EPS) + b


def _mm(x, w):
    return jnp.dot(x, w, preferred_element_type=jnp.float32)


def _dense1_body(node_ref, w0, b0, g0, beta0, wn, bn_, gnode, bnode, wh, bh,
                 h1_out, xn1_out):
    x = jax.nn.relu(_bn(_mm(node_ref[...], w0[...]) + b0[...], g0[...], beta0[...]))
    h1_out[...] = _mm(x, wh[...]) + bh[...]
    xn1_out[...] = _bn(_mm(x, wn[...]) + bn_[...], gnode[...], bnode[...])


def _mid_a_body(xn_ref, part_ref, spart_ref, cpart_ref,
                we, be, gedge, bedge, gnb, bnb, w1, b1, g1, bb1,
                we_n, be_n, gedge_n, bedge_n,
                z2_out, e2_out):
    s = part_ref[0, :N, :] + part_ref[1, :N, :]
    aggr = _bn(s, gnb[...], bnb[...])
    se = spart_ref[0, :N, :] + spart_ref[1, :N, :]
    cnt = cpart_ref[0, :N, :1] + cpart_ref[1, :N, :1]
    e = _bn(_mm(se, we[...]) + cnt * be[...], gedge[...], bedge[...])
    z = jax.nn.relu(xn_ref[...] + aggr + e)
    z2_out[...] = jax.nn.relu(_bn(_mm(z, w1[...]) + b1[...], g1[...], bb1[...]))
    e2_out[...] = _bn(_mm(se, we_n[...]) + cnt * be_n[...], gedge_n[...], bedge_n[...])


def _mid_b_body(z2_ref, w2, b2, g2, bb2, wn, bn_, gnode, bnode, wh, bh,
                h2_out, xn2_out):
    x = jax.nn.relu(_bn(_mm(z2_ref[...], w2[...]) + b2[...], g2[...], bb2[...]))
    h2_out[...] = _mm(x, wh[...]) + bh[...]
    xn2_out[...] = _bn(_mm(x, wn[...]) + bn_[...], gnode[...], bnode[...])


def _dense_final_body(xn_ref, e_ref, part_ref,
                      gnb, bnb, w1, b1, g1, bb1, w2, b2, g2, bb2,
                      x_out):
    s = part_ref[0, :N, :] + part_ref[1, :N, :]
    aggr = _bn(s, gnb[...], bnb[...])
    z = jax.nn.relu(xn_ref[...] + aggr + e_ref[...])
    z = jax.nn.relu(_bn(_mm(z, w1[...]) + b1[...], g1[...], bb1[...]))
    x_out[...] = jax.nn.relu(_bn(_mm(z, w2[...]) + b2[...], g2[...], bb2[...]))


def _row(v):
    return v.reshape(1, -1)


_TC_PARAMS = pltpu.CompilerParams(vmem_limit_bytes=63 * 1024 * 1024)


def kernel(node_attr, edge_index, edge_attr, params):
    ei3 = edge_index.reshape(2, NCHUNK, CHUNK)
    zeros128 = jnp.zeros((ROWS_PER_TILE, EMBED), jnp.float32)
    zeros16 = jnp.zeros((ROWS_PER_TILE, EDGE_DIM), jnp.float32)
    ones16 = jnp.ones((CHUNK, EDGE_DIM), jnp.float32)

    p0 = params["mlp0"]
    L1, L2 = params["layers"][0], params["layers"][1]

    h1, xn1 = pl.pallas_call(
        _dense1_body,
        out_shape=(jax.ShapeDtypeStruct((N, EMBED), jnp.float32),
                   jax.ShapeDtypeStruct((N, EMBED), jnp.float32)),
        compiler_params=_TC_PARAMS,
    )(node_attr, p0["W"], _row(p0["b"]), _row(p0["g"]), _row(p0["beta"]),
      L1["Wn"], _row(L1["bn"]), _row(L1["g_node"]), _row(L1["b_node"]),
      L1["Wh"], _row(L1["bh"]))

    sparts, cparts = _edge_sum(edge_attr, ei3, ones16, zeros16)
    parts1 = _spmm(h1, ei3, zeros128)

    z2, e2 = pl.pallas_call(
        _mid_a_body,
        out_shape=(jax.ShapeDtypeStruct((N, EMBED), jnp.float32),
                   jax.ShapeDtypeStruct((N, EMBED), jnp.float32)),
        compiler_params=_TC_PARAMS,
    )(xn1, parts1, sparts, cparts,
      L1["We"], _row(L1["be"]), _row(L1["g_edge"]), _row(L1["b_edge"]),
      _row(L1["g_nb"]), _row(L1["b_nb"]),
      L1["W1"], _row(L1["b1"]), _row(L1["g1"]), _row(L1["bb1"]),
      L2["We"], _row(L2["be"]), _row(L2["g_edge"]), _row(L2["b_edge"]))

    h2, xn2 = pl.pallas_call(
        _mid_b_body,
        out_shape=(jax.ShapeDtypeStruct((N, EMBED), jnp.float32),
                   jax.ShapeDtypeStruct((N, EMBED), jnp.float32)),
        compiler_params=_TC_PARAMS,
    )(z2, L1["W2"], _row(L1["b2"]), _row(L1["g2"]), _row(L1["bb2"]),
      L2["Wn"], _row(L2["bn"]), _row(L2["g_node"]), _row(L2["b_node"]),
      L2["Wh"], _row(L2["bh"]))

    parts2 = _spmm(h2, ei3, zeros128)

    x_out = pl.pallas_call(
        _dense_final_body,
        out_shape=jax.ShapeDtypeStruct((N, EMBED), jnp.float32),
        compiler_params=_TC_PARAMS,
    )(xn2, e2, parts2,
      _row(L2["g_nb"]), _row(L2["b_nb"]),
      L2["W1"], _row(L2["b1"]), _row(L2["g1"]), _row(L2["bb1"]),
      L2["W2"], _row(L2["b2"]), _row(L2["g2"]), _row(L2["bb2"]))

    return x_out

# --- scband reference (transcript-rebuilt; emitter-appended) ---
"""Pipeline reference for scband-gnn-89885075570707 (READ-ONLY COPY).

The authoritative reference and input builder live on the scoring server;
editing this copy changes nothing except your own understanding.
"""

import jax, jax.numpy as jnp
import numpy as np

N = 10000
E = 320000
NODE_DIM = 128
EDGE_DIM = 16
EMBED = 128
LAYERS = 2
EPS = 1e-5


def _lin_params(key, din, dout):
    k1, k2 = jax.random.split(key)
    s = 1.0 / np.sqrt(din)
    W = jax.random.uniform(k1, (din, dout), jnp.float32, -s, s)
    b = jax.random.uniform(k2, (dout,), jnp.float32, -s, s)
    return W, b


def setup_inputs(seed: int = 0):
    key = jax.random.key(seed)
    ks = jax.random.split(key, 4 + LAYERS)
    node_attr = jax.random.normal(ks[0], (N, NODE_DIM), jnp.float32)
    edge_index = jax.random.randint(ks[1], (2, E), 0, N, jnp.int32)
    edge_attr = jax.random.normal(ks[2], (E, EDGE_DIM), jnp.float32)
    W0, b0 = _lin_params(ks[3], NODE_DIM, EMBED)
    params = {"mlp0": {"W": W0, "b": b0, "g": jnp.ones((EMBED,), jnp.float32), "beta": jnp.zeros((EMBED,), jnp.float32)}, "layers": []}
    for i in range(LAYERS):
        kk = jax.random.split(ks[4 + i], 5)
        Wn, bn_ = _lin_params(kk[0], EMBED, EMBED)
        We, be = _lin_params(kk[1], EDGE_DIM, EMBED)
        Wh, bh = _lin_params(kk[2], EMBED, EMBED)
        W1, b1 = _lin_params(kk[3], EMBED, EMBED)
        W2, b2 = _lin_params(kk[4], EMBED, EMBED)
        params["layers"].append({
            "Wn": Wn, "bn": bn_, "We": We, "be": be, "Wh": Wh, "bh": bh,
            "g_node": jnp.ones((EMBED,), jnp.float32), "b_node": jnp.zeros((EMBED,), jnp.float32),
            "g_edge": jnp.ones((EMBED,), jnp.float32), "b_edge": jnp.zeros((EMBED,), jnp.float32),
            "g_nb": jnp.ones((EMBED,), jnp.float32), "b_nb": jnp.zeros((EMBED,), jnp.float32),
            "W1": W1, "b1": b1, "g1": jnp.ones((EMBED,), jnp.float32), "bb1": jnp.zeros((EMBED,), jnp.float32),
            "W2": W2, "b2": b2, "g2": jnp.ones((EMBED,), jnp.float32), "bb2": jnp.zeros((EMBED,), jnp.float32)})
    return {"node_attr": node_attr, "edge_index": edge_index, "edge_attr": edge_attr, "params": params}


def _bn(x, g, b):
    m = jnp.mean(x, axis=0)
    v = jnp.var(x, axis=0)
    return g * (x - m) / jnp.sqrt(v + EPS) + b


def _forward(node_attr, edge_attr, params, edge_index):
    row = edge_index[0]
    col = edge_index[1]
    x = node_attr
    for i in range(LAYERS):
        if i == 0:
            p0 = params["mlp0"]
            x = jax.nn.relu(_bn(x @ p0["W"] + p0["b"], p0["g"], p0["beta"]))
        L = params["layers"][i]
        # edge branch: linear -> scatter-add to row -> batchnorm
        e = edge_attr @ L["We"] + L["be"]
        e = jax.ops.segment_sum(e, row, num_segments=N)
        e = _bn(e, L["g_edge"], L["b_edge"])
        # neighbor and self transforms
        h = x @ L["Wh"] + L["bh"]
        xn = _bn(x @ L["Wn"] + L["bn"], L["g_node"], L["b_node"])
        # message passing: gather h at col, scatter-add to row (old PyG convention)
        aggr = jax.ops.segment_sum(jnp.take(h, col, axis=0), row, num_segments=N)
        aggr = _bn(aggr, L["g_nb"], L["b_nb"])
        # update MLP: ReLU, Linear, BN, ReLU, Linear, BN, ReLU
        z = jax.nn.relu(xn + aggr + e)
        z = jax.nn.relu(_bn(z @ L["W1"] + L["b1"], L["g1"], L["bb1"]))
        x = jax.nn.relu(_bn(z @ L["W2"] + L["b2"], L["g2"], L["bb2"]))
    return x


def reference(node_attr, edge_index, edge_attr, params):
    return _forward(node_attr, edge_attr, params, edge_index)

if __name__ == "__main__":
    import jax
    _d = setup_inputs()
    print(jax.jit(kernel)(*tuple(_d.values())))

</pallas_src>

<mosaic_0001>
#map = affine_map<(d0, d1) -> (0, 0)>
#map1 = affine_map<(d0, d1) -> (0, 0, 0)>
module attributes {stable_mosaic.version = 14 : i64} {
  func.func @_spmm_body(%arg0: i32, %arg1: i32, %arg2: memref<10000x128xf32, #tpu.memory_space<hbm>>, %arg3: memref<2x2500x128xi32, #tpu.memory_space<hbm>>, %arg4: memref<640x128xf32, #tpu.memory_space<hbm>>, %arg5: memref<2x10240x128xf32, #tpu.memory_space<hbm>>, %arg6: memref<40x128xi32, #tpu.memory_space<vmem>>, %arg7: memref<40x128xi32, #tpu.memory_space<vmem>>, %arg8: memref<128x128xf32, #tpu.memory_space<vmem>>, %arg9: memref<128x128xf32, #tpu.memory_space<vmem>>, %arg10: memref<10240x128xf32, #tpu.memory_space<vmem_shared>>, %arg11: memref<!tpu.dma_semaphore, #tpu.memory_space<semaphore_mem>>, %arg12: memref<!tpu.dma_semaphore, #tpu.memory_space<semaphore_mem>>) attributes {dimension_semantics = [#tpu.dimension_semantics<core_parallel>, #tpu.dimension_semantics<subcore_parallel>], iteration_bounds = array<i64: 2, 16>, scalar_prefetch = 0 : i64, scratch_operands = 7 : i64, tpu.core_type = #tpu.core_type<sc_vector_subcore>, window_params = [{transform_indices = #map}, {transform_indices = #map1}, {transform_indices = #map}, {transform_indices = #map1}]} {
    %mul3A = arith.constant 16 : i32
    %mul3A_0 = arith.muli %arg0, %mul3A : i32
    %add3A = arith.addi %mul3A_0, %arg1 : i32
    %mul3A_1 = arith.constant 640 : i32
    %mul3A_2 = arith.muli %arg1, %mul3A_1 : i32
    "tpu.region"() ({
      %run_scoped3A_41 = tpu.sem_alloc : memref<!tpu.dma_semaphore, #tpu.memory_space<semaphore_mem>>
      %dma_start3A_42 = arith.constant 0 : i32
      %dma_start3A_43 = tpu.memref_slice %arg10[%mul3A_2, %dma_start3A_42] : memref<10240x128xf32, #tpu.memory_space<vmem_shared>> -> memref<640x128xf32, #tpu.memory_space<vmem_shared>>
      tpu.enqueue_dma source(%arg4 : memref<640x128xf32, #tpu.memory_space<hbm>>) target(%dma_start3A_43 : memref<640x128xf32, #tpu.memory_space<vmem_shared>>) target_semaphore(%run_scoped3A_41 : memref<!tpu.dma_semaphore, #tpu.memory_space<semaphore_mem>>)
      %dma_wait3A = arith.constant 0 : i32
      %dma_wait3A_44 = tpu.memref_slice %arg10[%mul3A_2, %dma_wait3A] : memref<10240x128xf32, #tpu.memory_space<vmem_shared>> -> memref<640x128xf32, #tpu.memory_space<vmem_shared>>
      tpu.wait_dma2 semaphore(%run_scoped3A_41 : memref<!tpu.dma_semaphore, #tpu.memory_space<semaphore_mem>>) src(%arg4 : memref<640x128xf32, #tpu.memory_space<hbm>>) dst(%dma_wait3A_44 : memref<640x128xf32, #tpu.memory_space<vmem_shared>>)
      tpu.yield
    }) : () -> ()
    %mul3A_3 = arith.constant 78 : i32
    %mul3A_4 = arith.muli %add3A, %mul3A_3 : i32
    %barrier3A = arith.constant 0 : index
    tpu.barrier barrier_id(%barrier3A)
    %add3A_5 = arith.constant 0 : i32
    %add3A_6 = arith.addi %mul3A_4, %add3A_5 : i32
    %run_scoped3A = arith.constant 1 : i32
    "tpu.region"() ({
      %run_scoped3A_41 = tpu.sem_alloc : memref<!tpu.dma_semaphore, #tpu.memory_space<semaphore_mem>>
      %dma_start3A_42 = arith.constant 0 : i32
      %dma_start3A_43 = arith.constant 0 : i32
      %dma_start3A_44 = tpu.memref_slice %arg6[%dma_start3A_42, %dma_start3A_43] : memref<40x128xi32, #tpu.memory_space<vmem>> -> memref<40x128xi32, #tpu.memory_space<vmem>>
      %dma_start3A_45 = arith.constant 0 : i32
      %dma_start3A_46 = tpu.memref_slice %arg3[%run_scoped3A, %add3A_6, %dma_start3A_45] : memref<2x2500x128xi32, #tpu.memory_space<hbm>> -> memref<1x40x128xi32, #tpu.memory_space<hbm>>
      %dma_start3A_47 = tpu.memref_squeeze %dma_start3A_46 : memref<1x40x128xi32, #tpu.memory_space<hbm>> -> memref<40x128xi32, #tpu.memory_space<hbm>>
      %dma_start3A_48 = arith.constant 0 : i32
      %dma_start3A_49 = arith.constant 0 : i32
      %dma_start3A_50 = tpu.memref_slice %arg6[%dma_start3A_48, %dma_start3A_49] : memref<40x128xi32, #tpu.memory_space<vmem>> -> memref<40x128xi32, #tpu.memory_space<vmem>>
      %dma_start3A_51 = arith.constant 0 : i32
      %dma_start3A_52 = tpu.memref_slice %arg3[%run_scoped3A, %add3A_6, %dma_start3A_51] : memref<2x2500x128xi32, #tpu.memory_space<hbm>> -> memref<1x40x128xi32, #tpu.memory_space<hbm>>
      %dma_start3A_53 = tpu.memref_squeeze %dma_start3A_52 : memref<1x40x128xi32, #tpu.memory_space<hbm>> -> memref<40x128xi32, #tpu.memory_space<hbm>>
      tpu.enqueue_dma source(%dma_start3A_53 : memref<40x128xi32, #tpu.memory_space<hbm>>) target(%dma_start3A_50 : memref<40x128xi32, #tpu.memory_space<vmem>>) target_semaphore(%run_scoped3A_41 : memref<!tpu.dma_semaphore, #tpu.memory_space<semaphore_mem>>)
      %dma_wait3A = arith.constant 0 : i32
      %dma_wait3A_54 = arith.constant 0 : i32
      %dma_wait3A_55 = tpu.memref_slice %arg6[%dma_wait3A, %dma_wait3A_54] : memref<40x128xi32, #tpu.memory_space<vmem>> -> memref<40x128xi32, #tpu.memory_space<vmem>>
      %dma_wait3A_56 = arith.constant 0 : i32
      %dma_wait3A_57 = tpu.memref_slice %arg3[%run_scoped3A, %add3A_6, %dma_wait3A_56] : memref<2x2500x128xi32, #tpu.memory_space<hbm>> -> memref<1x40x128xi32, #tpu.memory_space<hbm>>
      %dma_wait3A_58 = tpu.memref_squeeze %dma_wait3A_57 : memref<1x40x128xi32, #tpu.memory_space<hbm>> -> memref<40x128xi32, #tpu.memory_space<hbm>>
      %dma_wait3A_59 = arith.constant 0 : i32
      %dma_wait3A_60 = arith.constant 0 : i32
      %dma_wait3A_61 = tpu.memref_slice %arg6[%dma_wait3A_59, %dma_wait3A_60] : memref<40x128xi32, #tpu.memory_space<vmem>> -> memref<40x128xi32, #tpu.memory_space<vmem>>
      %dma_wait3A_62 = arith.constant 0 : i32
      %dma_wait3A_63 = tpu.memref_slice %arg3[%run_scoped3A, %add3A_6, %dma_wait3A_62] : memref<2x2500x128xi32, #tpu.memory_space<hbm>> -> memref<1x40x128xi32, #tpu.memory_space<hbm>>
      %dma_wait3A_64 = tpu.memref_squeeze %dma_wait3A_63 : memref<1x40x128xi32, #tpu.memory_space<hbm>> -> memref<40x128xi32, #tpu.memory_space<hbm>>
      tpu.wait_dma2 semaphore(%run_scoped3A_41 : memref<!tpu.dma_semaphore, #tpu.memory_space<semaphore_mem>>) src(%dma_wait3A_64 : memref<40x128xi32, #tpu.memory_space<hbm>>) dst(%dma_wait3A_61 : memref<40x128xi32, #tpu.memory_space<vmem>>)
      tpu.yield
    }) : () -> ()
    %add3A_7 = arith.constant 0 : i32
    %add3A_8 = arith.addi %mul3A_4, %add3A_7 : i32
    %run_scoped3A_9 = arith.constant 0 : i32
    "tpu.region"() ({
      %run_scoped3A_41 = tpu.sem_alloc : memref<!tpu.dma_semaphore, #tpu.memory_space<semaphore_mem>>
      %dma_start3A_42 = arith.constant 0 : i32
      %dma_start3A_43 = arith.constant 0 : i32
      %dma_start3A_44 = tpu.memref_slice %arg7[%dma_start3A_42, %dma_start3A_43] : memref<40x128xi32, #tpu.memory_space<vmem>> -> memref<40x128xi32, #tpu.memory_space<vmem>>
      %dma_start3A_45 = arith.constant 0 : i32
      %dma_start3A_46 = tpu.memref_slice %arg3[%run_scoped3A_9, %add3A_8, %dma_start3A_45] : memref<2x2500x128xi32, #tpu.memory_space<hbm>> -> memref<1x40x128xi32, #tpu.memory_space<hbm>>
      %dma_start3A_47 = tpu.memref_squeeze %dma_start3A_46 : memref<1x40x128xi32, #tpu.memory_space<hbm>> -> memref<40x128xi32, #tpu.memory_space<hbm>>
      %dma_start3A_48 = arith.constant 0 : i32
      %dma_start3A_49 = arith.constant 0 : i32
      %dma_start3A_50 = tpu.memref_slice %arg7[%dma_start3A_48, %dma_start3A_49] : memref<40x128xi32, #tpu.memory_space<vmem>> -> memref<40x128xi32, #tpu.memory_space<vmem>>
      %dma_start3A_51 = arith.constant 0 : i32
      %dma_start3A_52 = tpu.memref_slice %arg3[%run_scoped3A_9, %add3A_8, %dma_start3A_51] : memref<2x2500x128xi32, #tpu.memory_space<hbm>> -> memref<1x40x128xi32, #tpu.memory_space<hbm>>
      %dma_start3A_53 = tpu.memref_squeeze %dma_start3A_52 : memref<1x40x128xi32, #tpu.memory_space<hbm>> -> memref<40x128xi32, #tpu.memory_space<hbm>>
      tpu.enqueue_dma source(%dma_start3A_53 : memref<40x128xi32, #tpu.memory_space<hbm>>) target(%dma_start3A_50 : memref<40x128xi32, #tpu.memory_space<vmem>>) target_semaphore(%run_scoped3A_41 : memref<!tpu.dma_semaphore, #tpu.memory_space<semaphore_mem>>)
      %dma_wait3A = arith.constant 0 : i32
      %dma_wait3A_54 = arith.constant 0 : i32
      %dma_wait3A_55 = tpu.memref_slice %arg7[%dma_wait3A, %dma_wait3A_54] : memref<40x128xi32, #tpu.memory_space<vmem>> -> memref<40x128xi32, #tpu.memory_space<vmem>>
      %dma_wait3A_56 = arith.constant 0 : i32
      %dma_wait3A_57 = tpu.memref_slice %arg3[%run_scoped3A_9, %add3A_8, %dma_wait3A_56] : memref<2x2500x128xi32, #tpu.memory_space<hbm>> -> memref<1x40x128xi32, #tpu.memory_space<hbm>>
      %dma_wait3A_58 = tpu.memref_squeeze %dma_wait3A_57 : memref<1x40x128xi32, #tpu.memory_space<hbm>> -> memref<40x128xi32, #tpu.memory_space<hbm>>
      %dma_wait3A_59 = arith.constant 0 : i32
      %dma_wait3A_60 = arith.constant 0 : i32
      %dma_wait3A_61 = tpu.memref_slice %arg7[%dma_wait3A_59, %dma_wait3A_60] : memref<40x128xi32, #tpu.memory_space<vmem>> -> memref<40x128xi32, #tpu.memory_space<vmem>>
      %dma_wait3A_62 = arith.constant 0 : i32
      %dma_wait3A_63 = tpu.memref_slice %arg3[%run_scoped3A_9, %add3A_8, %dma_wait3A_62] : memref<2x2500x128xi32, #tpu.memory_space<hbm>> -> memref<1x40x128xi32, #tpu.memory_space<hbm>>
      %dma_wait3A_64 = tpu.memref_squeeze %dma_wait3A_63 : memref<1x40x128xi32, #tpu.memory_space<hbm>> -> memref<40x128xi32, #tpu.memory_space<hbm>>
      tpu.wait_dma2 semaphore(%run_scoped3A_41 : memref<!tpu.dma_semaphore, #tpu.memory_space<semaphore_mem>>) src(%dma_wait3A_64 : memref<40x128xi32, #tpu.memory_space<hbm>>) dst(%dma_wait3A_61 : memref<40x128xi32, #tpu.memory_space<vmem>>)
      tpu.yield
    }) : () -> ()
    %dma_start3A = arith.constant 0 : i32
    %dma_start3A_10 = arith.constant 0 : i32
    %dma_start3A_11 = tpu.memref_slice %arg6[%dma_start3A, %dma_start3A_10] : memref<40x128xi32, #tpu.memory_space<vmem>> -> memref<1x128xi32, #tpu.memory_space<vmem>>
    %dma_start3A_12 = tpu.memref_squeeze %dma_start3A_11 : memref<1x128xi32, #tpu.memory_space<vmem>> -> memref<128xi32, #tpu.memory_space<vmem>>
    %dma_start3A_13 = arith.constant 0 : i32
    %dma_start3A_14 = arith.constant 0 : i32
    %dma_start3A_15 = tpu.memref_slice %arg2[%dma_start3A_13, %dma_start3A_14] : memref<10000x128xf32, #tpu.memory_space<hbm>> -> memref<10000x128xf32, #tpu.memory_space<hbm>>
    tpu.enqueue_indirect_dma source(%dma_start3A_15 : memref<10000x128xf32, #tpu.memory_space<hbm>>) target(%arg8 : memref<128x128xf32, #tpu.memory_space<vmem>>) offsets(%dma_start3A_12 : memref<128xi32, #tpu.memory_space<vmem>>) semaphore(%arg11 : memref<!tpu.dma_semaphore, #tpu.memory_space<semaphore_mem>>)
    %scan3A = arith.constant 0 : i32
    %scan3A_16 = arith.constant 20 : i32
    %scan3A_17 = arith.addi %scan3A, %scan3A_16 : i32
    %scan3A_18 = arith.constant 1 : i32
    scf.for %scan3A_41 = %scan3A to %scan3A_17 step %scan3A_18  : i32 {
      %mul3A_42 = arith.constant 2 : i32
      %mul3A_43 = arith.muli %scan3A_41, %mul3A_42 : i32
      %add3A_44 = arith.constant 0 : i32
      %add3A_45 = arith.addi %add3A_44, %mul3A_43 : i32
      %add3A_46 = arith.constant 1 : i32
      %add3A_47 = arith.addi %add3A_45, %add3A_46 : i32
      %dma_start3A_48 = arith.constant 0 : i32
      %dma_start3A_49 = tpu.memref_slice %arg6[%add3A_47, %dma_start3A_48] : memref<40x128xi32, #tpu.memory_space<vmem>> -> memref<1x128xi32, #tpu.memory_space<vmem>>
      %dma_start3A_50 = tpu.memref_squeeze %dma_start3A_49 : memref<1x128xi32, #tpu.memory_space<vmem>> -> memref<128xi32, #tpu.memory_space<vmem>>
      %dma_start3A_51 = arith.constant 0 : i32
      %dma_start3A_52 = arith.constant 0 : i32
      %dma_start3A_53 = tpu.memref_slice %arg2[%dma_start3A_51, %dma_start3A_52] : memref<10000x128xf32, #tpu.memory_space<hbm>> -> memref<10000x128xf32, #tpu.memory_space<hbm>>
      tpu.enqueue_indirect_dma source(%dma_start3A_53 : memref<10000x128xf32, #tpu.memory_space<hbm>>) target(%arg9 : memref<128x128xf32, #tpu.memory_space<vmem>>) offsets(%dma_start3A_50 : memref<128xi32, #tpu.memory_space<vmem>>) semaphore(%arg12 : memref<!tpu.dma_semaphore, #tpu.memory_space<semaphore_mem>>)
      %dma_wait3A = arith.constant 0 : i32
      %dma_wait3A_54 = arith.constant 0 : i32
      %dma_wait3A_55 = tpu.memref_slice %arg2[%dma_wait3A, %dma_wait3A_54] : memref<10000x128xf32, #tpu.memory_space<hbm>> -> memref<128x128xf32, #tpu.memory_space<hbm>>
      %dma_wait3A_56 = arith.constant 0 : i32
      %dma_wait3A_57 = arith.constant 0 : i32
      %dma_wait3A_58 = tpu.memref_slice %arg2[%dma_wait3A_56, %dma_wait3A_57] : memref<10000x128xf32, #tpu.memory_space<hbm>> -> memref<128x128xf32, #tpu.memory_space<hbm>>
      tpu.wait_dma2 semaphore(%arg11 : memref<!tpu.dma_semaphore, #tpu.memory_space<semaphore_mem>>) src(%dma_wait3A_58 : memref<128x128xf32, #tpu.memory_space<hbm>>) dst(%arg8 : memref<128x128xf32, #tpu.memory_space<vmem>>)
      "tpu.region"() ({
        %run_scoped3A_74 = tpu.sem_alloc : memref<!tpu.dma_semaphore, #tpu.memory_space<semaphore_mem>>
        %dma_start3A_75 = arith.constant 0 : i32
        %dma_start3A_76 = tpu.memref_slice %arg7[%add3A_45, %dma_start3A_75] : memref<40x128xi32, #tpu.memory_space<vmem>> -> memref<1x128xi32, #tpu.memory_space<vmem>>
        %dma_start3A_77 = tpu.memref_squeeze %dma_start3A_76 : memref<1x128xi32, #tpu.memory_space<vmem>> -> memref<128xi32, #tpu.memory_space<vmem>>
        %dma_start3A_78 = arith.constant 0 : i32
        %dma_start3A_79 = arith.constant 0 : i32
        %dma_start3A_80 = tpu.memref_slice %arg10[%dma_start3A_78, %dma_start3A_79] : memref<10240x128xf32, #tpu.memory_space<vmem_shared>> -> memref<10240x128xf32, #tpu.memory_space<vmem_shared>>
        tpu.enqueue_indirect_dma source(%arg8 : memref<128x128xf32, #tpu.memory_space<vmem>>) target(%dma_start3A_80 : memref<10240x128xf32, #tpu.memory_space<vmem_shared>>) offsets(%dma_start3A_77 : memref<128xi32, #tpu.memory_space<vmem>>) semaphore(%run_scoped3A_74 : memref<!tpu.dma_semaphore, #tpu.memory_space<semaphore_mem>>) {add = true}
        %dma_wait3A_81 = arith.constant 0 : i32
        %dma_wait3A_82 = tpu.memref_slice %arg7[%add3A_45, %dma_wait3A_81] : memref<40x128xi32, #tpu.memory_space<vmem>> -> memref<1x128xi32, #tpu.memory_space<vmem>>
        %dma_wait3A_83 = tpu.memref_squeeze %dma_wait3A_82 : memref<1x128xi32, #tpu.memory_space<vmem>> -> memref<128xi32, #tpu.memory_space<vmem>>
        %dma_wait3A_84 = arith.constant 0 : i32
        %dma_wait3A_85 = arith.constant 0 : i32
        %dma_wait3A_86 = tpu.memref_slice %arg10[%dma_wait3A_84, %dma_wait3A_85] : memref<10240x128xf32, #tpu.memory_space<vmem_shared>> -> memref<10240x128xf32, #tpu.memory_space<vmem_shared>>
        tpu.wait_indirect_dma semaphore(%run_scoped3A_74 : memref<!tpu.dma_semaphore, #tpu.memory_space<semaphore_mem>>) src(%arg8 : memref<128x128xf32, #tpu.memory_space<vmem>>) dst(%dma_wait3A_86 : memref<10240x128xf32, #tpu.memory_space<vmem_shared>>)
        tpu.yield
      }) : () -> ()
      %add3A_59 = arith.constant 2 : i32
      %add3A_60 = arith.addi %add3A_45, %add3A_59 : i32
      %lt3A_61 = arith.constant 40 : i32
      %lt3A_62 = arith.cmpi slt, %add3A_60, %lt3A_61 : i32
      %convert_element_type3A_63 = arith.extui %lt3A_62 : i1 to i32
      %cond3A_64 = arith.constant 0 : i32
      %cond3A_65 = arith.cmpi ne, %convert_element_type3A_63, %cond3A_64 : i32
      scf.if %cond3A_65 {
        %add3A_74 = arith.constant 2 : i32
        %add3A_75 = arith.addi %add3A_45, %add3A_74 : i32
        %dma_start3A_76 = arith.constant 0 : i32
        %dma_start3A_77 = tpu.memref_slice %arg6[%add3A_75, %dma_start3A_76] : memref<40x128xi32, #tpu.memory_space<vmem>> -> memref<1x128xi32, #tpu.memory_space<vmem>>
        %dma_start3A_78 = tpu.memref_squeeze %dma_start3A_77 : memref<1x128xi32, #tpu.memory_space<vmem>> -> memref<128xi32, #tpu.memory_space<vmem>>
        %dma_start3A_79 = arith.constant 0 : i32
        %dma_start3A_80 = arith.constant 0 : i32
        %dma_start3A_81 = tpu.memref_slice %arg2[%dma_start3A_79, %dma_start3A_80] : memref<10000x128xf32, #tpu.memory_space<hbm>> -> memref<10000x128xf32, #tpu.memory_space<hbm>>
        tpu.enqueue_indirect_dma source(%dma_start3A_81 : memref<10000x128xf32, #tpu.memory_space<hbm>>) target(%arg8 : memref<128x128xf32, #tpu.memory_space<vmem>>) offsets(%dma_start3A_78 : memref<128xi32, #tpu.memory_space<vmem>>) semaphore(%arg11 : memref<!tpu.dma_semaphore, #tpu.memory_space<semaphore_mem>>)
      } else {
      }
      %dma_wait3A_66 = arith.constant 0 : i32
      %dma_wait3A_67 = arith.constant 0 : i32
      %dma_wait3A_68 = tpu.memref_slice %arg2[%dma_wait3A_66, %dma_wait3A_67] : memref<10000x128xf32, #tpu.memory_space<hbm>> -> memref<128x128xf32, #tpu.memory_space<hbm>>
      %dma_wait3A_69 = arith.constant 0 : i32
      %dma_wait3A_70 = arith.constant 0 : i32
      %dma_wait3A_71 = tpu.memref_slice %arg2[%dma_wait3A_69, %dma_wait3A_70] : memref<10000x128xf32, #tpu.memory_space<hbm>> -> memref<128x128xf32, #tpu.memory_space<hbm>>
      tpu.wait_dma2 semaphore(%arg12 : memref<!tpu.dma_semaphore, #tpu.memory_space<semaphore_mem>>) src(%dma_wait3A_71 : memref<128x128xf32, #tpu.memory_space<hbm>>) dst(%arg9 : memref<128x128xf32, #tpu.memory_space<vmem>>)
      %add3A_72 = arith.constant 1 : i32
      %add3A_73 = arith.addi %add3A_45, %add3A_72 : i32
      "tpu.region"() ({
        %run_scoped3A_74 = tpu.sem_alloc : memref<!tpu.dma_semaphore, #tpu.memory_space<semaphore_mem>>
        %dma_start3A_75 = arith.constant 0 : i32
        %dma_start3A_76 = tpu.memref_slice %arg7[%add3A_73, %dma_start3A_75] : memref<40x128xi32, #tpu.memory_space<vmem>> -> memref<1x128xi32, #tpu.memory_space<vmem>>
        %dma_start3A_77 = tpu.memref_squeeze %dma_start3A_76 : memref<1x128xi32, #tpu.memory_space<vmem>> -> memref<128xi32, #tpu.memory_space<vmem>>
        %dma_start3A_78 = arith.constant 0 : i32
        %dma_start3A_79 = arith.constant 0 : i32
        %dma_start3A_80 = tpu.memref_slice %arg10[%dma_start3A_78, %dma_start3A_79] : memref<10240x128xf32, #tpu.memory_space<vmem_shared>> -> memref<10240x128xf32, #tpu.memory_space<vmem_shared>>
        tpu.enqueue_indirect_dma source(%arg9 : memref<128x128xf32, #tpu.memory_space<vmem>>) target(%dma_start3A_80 : memref<10240x128xf32, #tpu.memory_space<vmem_shared>>) offsets(%dma_start3A_77 : memref<128xi32, #tpu.memory_space<vmem>>) semaphore(%run_scoped3A_74 : memref<!tpu.dma_semaphore, #tpu.memory_space<semaphore_mem>>) {add = true}
        %dma_wait3A_81 = arith.constant 0 : i32
        %dma_wait3A_82 = tpu.memref_slice %arg7[%add3A_73, %dma_wait3A_81] : memref<40x128xi32, #tpu.memory_space<vmem>> -> memref<1x128xi32, #tpu.memory_space<vmem>>
        %dma_wait3A_83 = tpu.memref_squeeze %dma_wait3A_82 : memref<1x128xi32, #tpu.memory_space<vmem>> -> memref<128xi32, #tpu.memory_space<vmem>>
        %dma_wait3A_84 = arith.constant 0 : i32
        %dma_wait3A_85 = arith.constant 0 : i32
        %dma_wait3A_86 = tpu.memref_slice %arg10[%dma_wait3A_84, %dma_wait3A_85] : memref<10240x128xf32, #tpu.memory_space<vmem_shared>> -> memref<10240x128xf32, #tpu.memory_space<vmem_shared>>
        tpu.wait_indirect_dma semaphore(%run_scoped3A_74 : memref<!tpu.dma_semaphore, #tpu.memory_space<semaphore_mem>>) src(%arg9 : memref<128x128xf32, #tpu.memory_space<vmem>>) dst(%dma_wait3A_86 : memref<10240x128xf32, #tpu.memory_space<vmem_shared>>)
        tpu.yield
      }) : () -> ()
    }
    %scan3A_19 = arith.constant 20 : i32
    %add3A_20 = arith.constant 40 : i32
    %add3A_21 = arith.addi %mul3A_4, %add3A_20 : i32
    %run_scoped3A_22 = arith.constant 1 : i32
    "tpu.region"() ({
      %run_scoped3A_41 = tpu.sem_alloc : memref<!tpu.dma_semaphore, #tpu.memory_space<semaphore_mem>>
      %dma_start3A_42 = arith.constant 0 : i32
      %dma_start3A_43 = arith.constant 0 : i32
      %dma_start3A_44 = tpu.memref_slice %arg6[%dma_start3A_42, %dma_start3A_43] : memref<40x128xi32, #tpu.memory_space<vmem>> -> memref<38x128xi32, #tpu.memory_space<vmem>>
      %dma_start3A_45 = arith.constant 0 : i32
      %dma_start3A_46 = tpu.memref_slice %arg3[%run_scoped3A_22, %add3A_21, %dma_start3A_45] : memref<2x2500x128xi32, #tpu.memory_space<hbm>> -> memref<1x38x128xi32, #tpu.memory_space<hbm>>
      %dma_start3A_47 = tpu.memref_squeeze %dma_start3A_46 : memref<1x38x128xi32, #tpu.memory_space<hbm>> -> memref<38x128xi32, #tpu.memory_space<hbm>>
      %dma_start3A_48 = arith.constant 0 : i32
      %dma_start3A_49 = arith.constant 0 : i32
      %dma_start3A_50 = tpu.memref_slice %arg6[%dma_start3A_48, %dma_start3A_49] : memref<40x128xi32, #tpu.memory_space<vmem>> -> memref<38x128xi32, #tpu.memory_space<vmem>>
      %dma_start3A_51 = arith.constant 0 : i32
      %dma_start3A_52 = tpu.memref_slice %arg3[%run_scoped3A_22, %add3A_21, %dma_start3A_51] : memref<2x2500x128xi32, #tpu.memory_space<hbm>> -> memref<1x38x128xi32, #tpu.memory_space<hbm>>
      %dma_start3A_53 = tpu.memref_squeeze %dma_start3A_52 : memref<1x38x128xi32, #tpu.memory_space<hbm>> -> memref<38x128xi32, #tpu.memory_space<hbm>>
      tpu.enqueue_dma source(%dma_start3A_53 : memref<38x128xi32, #tpu.memory_space<hbm>>) target(%dma_start3A_50 : memref<38x128xi32, #tpu.memory_space<vmem>>) target_semaphore(%run_scoped3A_41 : memref<!tpu.dma_semaphore, #tpu.memory_space<semaphore_mem>>)
      %dma_wait3A = arith.constant 0 : i32
      %dma_wait3A_54 = arith.constant 0 : i32
      %dma_wait3A_55 = tpu.memref_slice %arg6[%dma_wait3A, %dma_wait3A_54] : memref<40x128xi32, #tpu.memory_space<vmem>> -> memref<38x128xi32, #tpu.memory_space<vmem>>
      %dma_wait3A_56 = arith.constant 0 : i32
      %dma_wait3A_57 = tpu.memref_slice %arg3[%run_scoped3A_22, %add3A_21, %dma_wait3A_56] : memref<2x2500x128xi32, #tpu.memory_space<hbm>> -> memref<1x38x128xi32, #tpu.memory_space<hbm>>
      %dma_wait3A_58 = tpu.memref_squeeze %dma_wait3A_57 : memref<1x38x128xi32, #tpu.memory_space<hbm>> -> memref<38x128xi32, #tpu.memory_space<hbm>>
      %dma_wait3A_59 = arith.constant 0 : i32
      %dma_wait3A_60 = arith.constant 0 : i32
      %dma_wait3A_61 = tpu.memref_slice %arg6[%dma_wait3A_59, %dma_wait3A_60] : memref<40x128xi32, #tpu.memory_space<vmem>> -> memref<38x128xi32, #tpu.memory_space<vmem>>
      %dma_wait3A_62 = arith.constant 0 : i32
      %dma_wait3A_63 = tpu.memref_slice %arg3[%run_scoped3A_22, %add3A_21, %dma_wait3A_62] : memref<2x2500x128xi32, #tpu.memory_space<hbm>> -> memref<1x38x128xi32, #tpu.memory_space<hbm>>
      %dma_wait3A_64 = tpu.memref_squeeze %dma_wait3A_63 : memref<1x38x128xi32, #tpu.memory_space<hbm>> -> memref<38x128xi32, #tpu.memory_space<hbm>>
      tpu.wait_dma2 semaphore(%run_scoped3A_41 : memref<!tpu.dma_semaphore, #tpu.memory_space<semaphore_mem>>) src(%dma_wait3A_64 : memref<38x128xi32, #tpu.memory_space<hbm>>) dst(%dma_wait3A_61 : memref<38x128xi32, #tpu.memory_space<vmem>>)
      tpu.yield
    }) : () -> ()
    %add3A_23 = arith.constant 40 : i32
    %add3A_24 = arith.addi %mul3A_4, %add3A_23 : i32
    %run_scoped3A_25 = arith.constant 0 : i32
    "tpu.region"() ({
      %run_scoped3A_41 = tpu.sem_alloc : memref<!tpu.dma_semaphore, #tpu.memory_space<semaphore_mem>>
      %dma_start3A_42 = arith.constant 0 : i32
      %dma_start3A_43 = arith.constant 0 : i32
      %dma_start3A_44 = tpu.memref_slice %arg7[%dma_start3A_42, %dma_start3A_43] : memref<40x128xi32, #tpu.memory_space<vmem>> -> memref<38x128xi32, #tpu.memory_space<vmem>>
      %dma_start3A_45 = arith.constant 0 : i32
      %dma_start3A_46 = tpu.memref_slice %arg3[%run_scoped3A_25, %add3A_24, %dma_start3A_45] : memref<2x2500x128xi32, #tpu.memory_space<hbm>> -> memref<1x38x128xi32, #tpu.memory_space<hbm>>
      %dma_start3A_47 = tpu.memref_squeeze %dma_start3A_46 : memref<1x38x128xi32, #tpu.memory_space<hbm>> -> memref<38x128xi32, #tpu.memory_space<hbm>>
      %dma_start3A_48 = arith.constant 0 : i32
      %dma_start3A_49 = arith.constant 0 : i32
      %dma_start3A_50 = tpu.memref_slice %arg7[%dma_start3A_48, %dma_start3A_49] : memref<40x128xi32, #tpu.memory_space<vmem>> -> memref<38x128xi32, #tpu.memory_space<vmem>>
      %dma_start3A_51 = arith.constant 0 : i32
      %dma_start3A_52 = tpu.memref_slice %arg3[%run_scoped3A_25, %add3A_24, %dma_start3A_51] : memref<2x2500x128xi32, #tpu.memory_space<hbm>> -> memref<1x38x128xi32, #tpu.memory_space<hbm>>
      %dma_start3A_53 = tpu.memref_squeeze %dma_start3A_52 : memref<1x38x128xi32, #tpu.memory_space<hbm>> -> memref<38x128xi32, #tpu.memory_space<hbm>>
      tpu.enqueue_dma source(%dma_start3A_53 : memref<38x128xi32, #tpu.memory_space<hbm>>) target(%dma_start3A_50 : memref<38x128xi32, #tpu.memory_space<vmem>>) target_semaphore(%run_scoped3A_41 : memref<!tpu.dma_semaphore, #tpu.memory_space<semaphore_mem>>)
      %dma_wait3A = arith.constant 0 : i32
      %dma_wait3A_54 = arith.constant 0 : i32
      %dma_wait3A_55 = tpu.memref_slice %arg7[%dma_wait3A, %dma_wait3A_54] : memref<40x128xi32, #tpu.memory_space<vmem>> -> memref<38x128xi32, #tpu.memory_space<vmem>>
      %dma_wait3A_56 = arith.constant 0 : i32
      %dma_wait3A_57 = tpu.memref_slice %arg3[%run_scoped3A_25, %add3A_24, %dma_wait3A_56] : memref<2x2500x128xi32, #tpu.memory_space<hbm>> -> memref<1x38x128xi32, #tpu.memory_space<hbm>>
      %dma_wait3A_58 = tpu.memref_squeeze %dma_wait3A_57 : memref<1x38x128xi32, #tpu.memory_space<hbm>> -> memref<38x128xi32, #tpu.memory_space<hbm>>
      %dma_wait3A_59 = arith.constant 0 : i32
      %dma_wait3A_60 = arith.constant 0 : i32
      %dma_wait3A_61 = tpu.memref_slice %arg7[%dma_wait3A_59, %dma_wait3A_60] : memref<40x128xi32, #tpu.memory_space<vmem>> -> memref<38x128xi32, #tpu.memory_space<vmem>>
      %dma_wait3A_62 = arith.constant 0 : i32
      %dma_wait3A_63 = tpu.memref_slice %arg3[%run_scoped3A_25, %add3A_24, %dma_wait3A_62] : memref<2x2500x128xi32, #tpu.memory_space<hbm>> -> memref<1x38x128xi32, #tpu.memory_space<hbm>>
      %dma_wait3A_64 = tpu.memref_squeeze %dma_wait3A_63 : memref<1x38x128xi32, #tpu.memory_space<hbm>> -> memref<38x128xi32, #tpu.memory_space<hbm>>
      tpu.wait_dma2 semaphore(%run_scoped3A_41 : memref<!tpu.dma_semaphore, #tpu.memory_space<semaphore_mem>>) src(%dma_wait3A_64 : memref<38x128xi32, #tpu.memory_space<hbm>>) dst(%dma_wait3A_61 : memref<38x128xi32, #tpu.memory_space<vmem>>)
      tpu.yield
    }) : () -> ()
    %dma_start3A_26 = arith.constant 0 : i32
    %dma_start3A_27 = arith.constant 0 : i32
    %dma_start3A_28 = tpu.memref_slice %arg6[%dma_start3A_26, %dma_start3A_27] : memref<40x128xi32, #tpu.memory_space<vmem>> -> memref<1x128xi32, #tpu.memory_space<vmem>>
    %dma_start3A_29 = tpu.memref_squeeze %dma_start3A_28 : memref<1x128xi32, #tpu.memory_space<vmem>> -> memref<128xi32, #tpu.memory_space<vmem>>
    %dma_start3A_30 = arith.constant 0 : i32
    %dma_start3A_31 = arith.constant 0 : i32
    %dma_start3A_32 = tpu.memref_slice %arg2[%dma_start3A_30, %dma_start3A_31] : memref<10000x128xf32, #tpu.memory_space<hbm>> -> memref<10000x128xf32, #tpu.memory_space<hbm>>
    tpu.enqueue_indirect_dma source(%dma_start3A_32 : memref<10000x128xf32, #tpu.memory_space<hbm>>) target(%arg8 : memref<128x128xf32, #tpu.memory_space<vmem>>) offsets(%dma_start3A_29 : memref<128xi32, #tpu.memory_space<vmem>>) semaphore(%arg11 : memref<!tpu.dma_semaphore, #tpu.memory_space<semaphore_mem>>)
    %scan3A_33 = arith.constant 0 : i32
    %scan3A_34 = arith.constant 19 : i32
    %scan3A_35 = arith.addi %scan3A_33, %scan3A_34 : i32
    %scan3A_36 = arith.constant 1 : i32
    scf.for %scan3A_41 = %scan3A_33 to %scan3A_35 step %scan3A_36  : i32 {
      %mul3A_42 = arith.constant 2 : i32
      %mul3A_43 = arith.muli %scan3A_41, %mul3A_42 : i32
      %add3A_44 = arith.constant 0 : i32
      %add3A_45 = arith.addi %add3A_44, %mul3A_43 : i32
      %add3A_46 = arith.constant 1 : i32
      %add3A_47 = arith.addi %add3A_45, %add3A_46 : i32
      %dma_start3A_48 = arith.constant 0 : i32
      %dma_start3A_49 = tpu.memref_slice %arg6[%add3A_47, %dma_start3A_48] : memref<40x128xi32, #tpu.memory_space<vmem>> -> memref<1x128xi32, #tpu.memory_space<vmem>>
      %dma_start3A_50 = tpu.memref_squeeze %dma_start3A_49 : memref<1x128xi32, #tpu.memory_space<vmem>> -> memref<128xi32, #tpu.memory_space<vmem>>
      %dma_start3A_51 = arith.constant 0 : i32
      %dma_start3A_52 = arith.constant 0 : i32
      %dma_start3A_53 = tpu.memref_slice %arg2[%dma_start3A_51, %dma_start3A_52] : memref<10000x128xf32, #tpu.memory_space<hbm>> -> memref<10000x128xf32, #tpu.memory_space<hbm>>
      tpu.enqueue_indirect_dma source(%dma_start3A_53 : memref<10000x128xf32, #tpu.memory_space<hbm>>) target(%arg9 : memref<128x128xf32, #tpu.memory_space<vmem>>) offsets(%dma_start3A_50 : memref<128xi32, #tpu.memory_space<vmem>>) semaphore(%arg12 : memref<!tpu.dma_semaphore, #tpu.memory_space<semaphore_mem>>)
      %dma_wait3A = arith.constant 0 : i32
      %dma_wait3A_54 = arith.constant 0 : i32
      %dma_wait3A_55 = tpu.memref_slice %arg2[%dma_wait3A, %dma_wait3A_54] : memref<10000x128xf32, #tpu.memory_space<hbm>> -> memref<128x128xf32, #tpu.memory_space<hbm>>
      %dma_wait3A_56 = arith.constant 0 : i32
      %dma_wait3A_57 = arith.constant 0 : i32
      %dma_wait3A_58 = tpu.memref_slice %arg2[%dma_wait3A_56, %dma_wait3A_57] : memref<10000x128xf32, #tpu.memory_space<hbm>> -> memref<128x128xf32, #tpu.memory_space<hbm>>
      tpu.wait_dma2 semaphore(%arg11 : memref<!tpu.dma_semaphore, #tpu.memory_space<semaphore_mem>>) src(%dma_wait3A_58 : memref<128x128xf32, #tpu.memory_space<hbm>>) dst(%arg8 : memref<128x128xf32, #tpu.memory_space<vmem>>)
      "tpu.region"() ({
        %run_scoped3A_74 = tpu.sem_alloc : memref<!tpu.dma_semaphore, #tpu.memory_space<semaphore_mem>>
        %dma_start3A_75 = arith.constant 0 : i32
        %dma_start3A_76 = tpu.memref_slice %arg7[%add3A_45, %dma_start3A_75] : memref<40x128xi32, #tpu.memory_space<vmem>> -> memref<1x128xi32, #tpu.memory_space<vmem>>
        %dma_start3A_77 = tpu.memref_squeeze %dma_start3A_76 : memref<1x128xi32, #tpu.memory_space<vmem>> -> memref<128xi32, #tpu.memory_space<vmem>>
        %dma_start3A_78 = arith.constant 0 : i32
        %dma_start3A_79 = arith.constant 0 : i32
        %dma_start3A_80 = tpu.memref_slice %arg10[%dma_start3A_78, %dma_start3A_79] : memref<10240x128xf32, #tpu.memory_space<vmem_shared>> -> memref<10240x128xf32, #tpu.memory_space<vmem_shared>>
        tpu.enqueue_indirect_dma source(%arg8 : memref<128x128xf32, #tpu.memory_space<vmem>>) target(%dma_start3A_80 : memref<10240x128xf32, #tpu.memory_space<vmem_shared>>) offsets(%dma_start3A_77 : memref<128xi32, #tpu.memory_space<vmem>>) semaphore(%run_scoped3A_74 : memref<!tpu.dma_semaphore, #tpu.memory_space<semaphore_mem>>) {add = true}
        %dma_wait3A_81 = arith.constant 0 : i32
        %dma_wait3A_82 = tpu.memref_slice %arg7[%add3A_45, %dma_wait3A_81] : memref<40x128xi32, #tpu.memory_space<vmem>> -> memref<1x128xi32, #tpu.memory_space<vmem>>
        %dma_wait3A_83 = tpu.memref_squeeze %dma_wait3A_82 : memref<1x128xi32, #tpu.memory_space<vmem>> -> memref<128xi32, #tpu.memory_space<vmem>>
        %dma_wait3A_84 = arith.constant 0 : i32
        %dma_wait3A_85 = arith.constant 0 : i32
        %dma_wait3A_86 = tpu.memref_slice %arg10[%dma_wait3A_84, %dma_wait3A_85] : memref<10240x128xf32, #tpu.memory_space<vmem_shared>> -> memref<10240x128xf32, #tpu.memory_space<vmem_shared>>
        tpu.wait_indirect_dma semaphore(%run_scoped3A_74 : memref<!tpu.dma_semaphore, #tpu.memory_space<semaphore_mem>>) src(%arg8 : memref<128x128xf32, #tpu.memory_space<vmem>>) dst(%dma_wait3A_86 : memref<10240x128xf32, #tpu.memory_space<vmem_shared>>)
        tpu.yield
      }) : () -> ()
      %add3A_59 = arith.constant 2 : i32
      %add3A_60 = arith.addi %add3A_45, %add3A_59 : i32
      %lt3A_61 = arith.constant 38 : i32
      %lt3A_62 = arith.cmpi slt, %add3A_60, %lt3A_61 : i32
      %convert_element_type3A_63 = arith.extui %lt3A_62 : i1 to i32
      %cond3A_64 = arith.constant 0 : i32
      %cond3A_65 = arith.cmpi ne, %convert_element_type3A_63, %cond3A_64 : i32
      scf.if %cond3A_65 {
        %add3A_74 = arith.constant 2 : i32
        %add3A_75 = arith.addi %add3A_45, %add3A_74 : i32
        %dma_start3A_76 = arith.constant 0 : i32
        %dma_start3A_77 = tpu.memref_slice %arg6[%add3A_75, %dma_start3A_76] : memref<40x128xi32, #tpu.memory_space<vmem>> -> memref<1x128xi32, #tpu.memory_space<vmem>>
        %dma_start3A_78 = tpu.memref_squeeze %dma_start3A_77 : memref<1x128xi32, #tpu.memory_space<vmem>> -> memref<128xi32, #tpu.memory_space<vmem>>
        %dma_start3A_79 = arith.constant 0 : i32
        %dma_start3A_80 = arith.constant 0 : i32
        %dma_start3A_81 = tpu.memref_slice %arg2[%dma_start3A_79, %dma_start3A_80] : memref<10000x128xf32, #tpu.memory_space<hbm>> -> memref<10000x128xf32, #tpu.memory_space<hbm>>
        tpu.enqueue_indirect_dma source(%dma_start3A_81 : memref<10000x128xf32, #tpu.memory_space<hbm>>) target(%arg8 : memref<128x128xf32, #tpu.memory_space<vmem>>) offsets(%dma_start3A_78 : memref<128xi32, #tpu.memory_space<vmem>>) semaphore(%arg11 : memref<!tpu.dma_semaphore, #tpu.memory_space<semaphore_mem>>)
      } else {
      }
      %dma_wait3A_66 = arith.constant 0 : i32
      %dma_wait3A_67 = arith.constant 0 : i32
      %dma_wait3A_68 = tpu.memref_slice %arg2[%dma_wait3A_66, %dma_wait3A_67] : memref<10000x128xf32, #tpu.memory_space<hbm>> -> memref<128x128xf32, #tpu.memory_space<hbm>>
      %dma_wait3A_69 = arith.constant 0 : i32
      %dma_wait3A_70 = arith.constant 0 : i32
      %dma_wait3A_71 = tpu.memref_slice %arg2[%dma_wait3A_69, %dma_wait3A_70] : memref<10000x128xf32, #tpu.memory_space<hbm>> -> memref<128x128xf32, #tpu.memory_space<hbm>>
      tpu.wait_dma2 semaphore(%arg12 : memref<!tpu.dma_semaphore, #tpu.memory_space<semaphore_mem>>) src(%dma_wait3A_71 : memref<128x128xf32, #tpu.memory_space<hbm>>) dst(%arg9 : memref<128x128xf32, #tpu.memory_space<vmem>>)
      %add3A_72 = arith.constant 1 : i32
      %add3A_73 = arith.addi %add3A_45, %add3A_72 : i32
      "tpu.region"() ({
        %run_scoped3A_74 = tpu.sem_alloc : memref<!tpu.dma_semaphore, #tpu.memory_space<semaphore_mem>>
        %dma_start3A_75 = arith.constant 0 : i32
        %dma_start3A_76 = tpu.memref_slice %arg7[%add3A_73, %dma_start3A_75] : memref<40x128xi32, #tpu.memory_space<vmem>> -> memref<1x128xi32, #tpu.memory_space<vmem>>
        %dma_start3A_77 = tpu.memref_squeeze %dma_start3A_76 : memref<1x128xi32, #tpu.memory_space<vmem>> -> memref<128xi32, #tpu.memory_space<vmem>>
        %dma_start3A_78 = arith.constant 0 : i32
        %dma_start3A_79 = arith.constant 0 : i32
        %dma_start3A_80 = tpu.memref_slice %arg10[%dma_start3A_78, %dma_start3A_79] : memref<10240x128xf32, #tpu.memory_space<vmem_shared>> -> memref<10240x128xf32, #tpu.memory_space<vmem_shared>>
        tpu.enqueue_indirect_dma source(%arg9 : memref<128x128xf32, #tpu.memory_space<vmem>>) target(%dma_start3A_80 : memref<10240x128xf32, #tpu.memory_space<vmem_shared>>) offsets(%dma_start3A_77 : memref<128xi32, #tpu.memory_space<vmem>>) semaphore(%run_scoped3A_74 : memref<!tpu.dma_semaphore, #tpu.memory_space<semaphore_mem>>) {add = true}
        %dma_wait3A_81 = arith.constant 0 : i32
        %dma_wait3A_82 = tpu.memref_slice %arg7[%add3A_73, %dma_wait3A_81] : memref<40x128xi32, #tpu.memory_space<vmem>> -> memref<1x128xi32, #tpu.memory_space<vmem>>
        %dma_wait3A_83 = tpu.memref_squeeze %dma_wait3A_82 : memref<1x128xi32, #tpu.memory_space<vmem>> -> memref<128xi32, #tpu.memory_space<vmem>>
        %dma_wait3A_84 = arith.constant 0 : i32
        %dma_wait3A_85 = arith.constant 0 : i32
        %dma_wait3A_86 = tpu.memref_slice %arg10[%dma_wait3A_84, %dma_wait3A_85] : memref<10240x128xf32, #tpu.memory_space<vmem_shared>> -> memref<10240x128xf32, #tpu.memory_space<vmem_shared>>
        tpu.wait_indirect_dma semaphore(%run_scoped3A_74 : memref<!tpu.dma_semaphore, #tpu.memory_space<semaphore_mem>>) src(%arg9 : memref<128x128xf32, #tpu.memory_space<vmem>>) dst(%dma_wait3A_86 : memref<10240x128xf32, #tpu.memory_space<vmem_shared>>)
        tpu.yield
      }) : () -> ()
    }
    %scan3A_37 = arith.constant 19 : i32
    %lt3A = arith.constant 4 : i32
    %lt3A_38 = arith.cmpi slt, %add3A, %lt3A : i32
    %convert_element_type3A = arith.extui %lt3A_38 : i1 to i32
    %cond3A = arith.constant 0 : i32
    %cond3A_39 = arith.cmpi ne, %convert_element_type3A, %cond3A : i32
    scf.if %cond3A_39 {
      %add3A_41 = arith.constant 2496 : i32
      %add3A_42 = arith.addi %add3A_41, %add3A : i32
      %run_scoped3A_43 = arith.constant 1 : i32
      %run_scoped3A_44 = arith.constant 0 : i32
      "tpu.region"() ({
        %run_scoped3A_61 = tpu.sem_alloc : memref<!tpu.dma_semaphore, #tpu.memory_space<semaphore_mem>>
        %dma_start3A_62 = arith.constant 0 : i32
        %dma_start3A_63 = tpu.memref_slice %arg6[%run_scoped3A_44, %dma_start3A_62] : memref<40x128xi32, #tpu.memory_space<vmem>> -> memref<1x128xi32, #tpu.memory_space<vmem>>
        %dma_start3A_64 = tpu.memref_squeeze %dma_start3A_63 : memref<1x128xi32, #tpu.memory_space<vmem>> -> memref<128xi32, #tpu.memory_space<vmem>>
        %dma_start3A_65 = arith.constant 0 : i32
        %dma_start3A_66 = tpu.memref_slice %arg3[%run_scoped3A_43, %add3A_42, %dma_start3A_65] : memref<2x2500x128xi32, #tpu.memory_space<hbm>> -> memref<1x1x128xi32, #tpu.memory_space<hbm>>
        %dma_start3A_67 = tpu.memref_squeeze %dma_start3A_66 : memref<1x1x128xi32, #tpu.memory_space<hbm>> -> memref<128xi32, #tpu.memory_space<hbm>>
        %dma_start3A_68 = arith.constant 0 : i32
        %dma_start3A_69 = tpu.memref_slice %arg6[%run_scoped3A_44, %dma_start3A_68] : memref<40x128xi32, #tpu.memory_space<vmem>> -> memref<1x128xi32, #tpu.memory_space<vmem>>
        %dma_start3A_70 = tpu.memref_squeeze %dma_start3A_69 : memref<1x128xi32, #tpu.memory_space<vmem>> -> memref<128xi32, #tpu.memory_space<vmem>>
        %dma_start3A_71 = arith.constant 0 : i32
        %dma_start3A_72 = tpu.memref_slice %arg3[%run_scoped3A_43, %add3A_42, %dma_start3A_71] : memref<2x2500x128xi32, #tpu.memory_space<hbm>> -> memref<1x1x128xi32, #tpu.memory_space<hbm>>
        %dma_start3A_73 = tpu.memref_squeeze %dma_start3A_72 : memref<1x1x128xi32, #tpu.memory_space<hbm>> -> memref<128xi32, #tpu.memory_space<hbm>>
        tpu.enqueue_dma source(%dma_start3A_73 : memref<128xi32, #tpu.memory_space<hbm>>) target(%dma_start3A_70 : memref<128xi32, #tpu.memory_space<vmem>>) target_semaphore(%run_scoped3A_61 : memref<!tpu.dma_semaphore, #tpu.memory_space<semaphore_mem>>)
        %dma_wait3A_74 = arith.constant 0 : i32
        %dma_wait3A_75 = tpu.memref_slice %arg6[%run_scoped3A_44, %dma_wait3A_74] : memref<40x128xi32, #tpu.memory_space<vmem>> -> memref<1x128xi32, #tpu.memory_space<vmem>>
        %dma_wait3A_76 = tpu.memref_squeeze %dma_wait3A_75 : memref<1x128xi32, #tpu.memory_space<vmem>> -> memref<128xi32, #tpu.memory_space<vmem>>
        %dma_wait3A_77 = arith.constant 0 : i32
        %dma_wait3A_78 = tpu.memref_slice %arg3[%run_scoped3A_43, %add3A_42, %dma_wait3A_77] : memref<2x2500x128xi32, #tpu.memory_space<hbm>> -> memref<1x1x128xi32, #tpu.memory_space<hbm>>
        %dma_wait3A_79 = tpu.memref_squeeze %dma_wait3A_78 : memref<1x1x128xi32, #tpu.memory_space<hbm>> -> memref<128xi32, #tpu.memory_space<hbm>>
        %dma_wait3A_80 = arith.constant 0 : i32
        %dma_wait3A_81 = tpu.memref_slice %arg6[%run_scoped3A_44, %dma_wait3A_80] : memref<40x128xi32, #tpu.memory_space<vmem>> -> memref<1x128xi32, #tpu.memory_space<vmem>>
        %dma_wait3A_82 = tpu.memref_squeeze %dma_wait3A_81 : memref<1x128xi32, #tpu.memory_space<vmem>> -> memref<128xi32, #tpu.memory_space<vmem>>
        %dma_wait3A_83 = arith.constant 0 : i32
        %dma_wait3A_84 = tpu.memref_slice %arg3[%run_scoped3A_43, %add3A_42, %dma_wait3A_83] : memref<2x2500x128xi32, #tpu.memory_space<hbm>> -> memref<1x1x128xi32, #tpu.memory_space<hbm>>
        %dma_wait3A_85 = tpu.memref_squeeze %dma_wait3A_84 : memref<1x1x128xi32, #tpu.memory_space<hbm>> -> memref<128xi32, #tpu.memory_space<hbm>>
        tpu.wait_dma2 semaphore(%run_scoped3A_61 : memref<!tpu.dma_semaphore, #tpu.memory_space<semaphore_mem>>) src(%dma_wait3A_85 : memref<128xi32, #tpu.memory_space<hbm>>) dst(%dma_wait3A_82 : memref<128xi32, #tpu.memory_space<vmem>>)
        tpu.yield
      }) : () -> ()
      %run_scoped3A_45 = arith.constant 0 : i32
      %run_scoped3A_46 = arith.constant 0 : i32
      "tpu.region"() ({
        %run_scoped3A_61 = tpu.sem_alloc : memref<!tpu.dma_semaphore, #tpu.memory_space<semaphore_mem>>
        %dma_start3A_62 = arith.constant 0 : i32
        %dma_start3A_63 = tpu.memref_slice %arg7[%run_scoped3A_46, %dma_start3A_62] : memref<40x128xi32, #tpu.memory_space<vmem>> -> memref<1x128xi32, #tpu.memory_space<vmem>>
        %dma_start3A_64 = tpu.memref_squeeze %dma_start3A_63 : memref<1x128xi32, #tpu.memory_space<vmem>> -> memref<128xi32, #tpu.memory_space<vmem>>
        %dma_start3A_65 = arith.constant 0 : i32
        %dma_start3A_66 = tpu.memref_slice %arg3[%run_scoped3A_45, %add3A_42, %dma_start3A_65] : memref<2x2500x128xi32, #tpu.memory_space<hbm>> -> memref<1x1x128xi32, #tpu.memory_space<hbm>>
        %dma_start3A_67 = tpu.memref_squeeze %dma_start3A_66 : memref<1x1x128xi32, #tpu.memory_space<hbm>> -> memref<128xi32, #tpu.memory_space<hbm>>
        %dma_start3A_68 = arith.constant 0 : i32
        %dma_start3A_69 = tpu.memref_slice %arg7[%run_scoped3A_46, %dma_start3A_68] : memref<40x128xi32, #tpu.memory_space<vmem>> -> memref<1x128xi32, #tpu.memory_space<vmem>>
        %dma_start3A_70 = tpu.memref_squeeze %dma_start3A_69 : memref<1x128xi32, #tpu.memory_space<vmem>> -> memref<128xi32, #tpu.memory_space<vmem>>
        %dma_start3A_71 = arith.constant 0 : i32
        %dma_start3A_72 = tpu.memref_slice %arg3[%run_scoped3A_45, %add3A_42, %dma_start3A_71] : memref<2x2500x128xi32, #tpu.memory_space<hbm>> -> memref<1x1x128xi32, #tpu.memory_space<hbm>>
        %dma_start3A_73 = tpu.memref_squeeze %dma_start3A_72 : memref<1x1x128xi32, #tpu.memory_space<hbm>> -> memref<128xi32, #tpu.memory_space<hbm>>
        tpu.enqueue_dma source(%dma_start3A_73 : memref<128xi32, #tpu.memory_space<hbm>>) target(%dma_start3A_70 : memref<128xi32, #tpu.memory_space<vmem>>) target_semaphore(%run_scoped3A_61 : memref<!tpu.dma_semaphore, #tpu.memory_space<semaphore_mem>>)
        %dma_wait3A_74 = arith.constant 0 : i32
        %dma_wait3A_75 = tpu.memref_slice %arg7[%run_scoped3A_46, %dma_wait3A_74] : memref<40x128xi32, #tpu.memory_space<vmem>> -> memref<1x128xi32, #tpu.memory_space<vmem>>
        %dma_wait3A_76 = tpu.memref_squeeze %dma_wait3A_75 : memref<1x128xi32, #tpu.memory_space<vmem>> -> memref<128xi32, #tpu.memory_space<vmem>>
        %dma_wait3A_77 = arith.constant 0 : i32
        %dma_wait3A_78 = tpu.memref_slice %arg3[%run_scoped3A_45, %add3A_42, %dma_wait3A_77] : memref<2x2500x128xi32, #tpu.memory_space<hbm>> -> memref<1x1x128xi32, #tpu.memory_space<hbm>>
        %dma_wait3A_79 = tpu.memref_squeeze %dma_wait3A_78 : memref<1x1x128xi32, #tpu.memory_space<hbm>> -> memref<128xi32, #tpu.memory_space<hbm>>
        %dma_wait3A_80 = arith.constant 0 : i32
        %dma_wait3A_81 = tpu.memref_slice %arg7[%run_scoped3A_46, %dma_wait3A_80] : memref<40x128xi32, #tpu.memory_space<vmem>> -> memref<1x128xi32, #tpu.memory_space<vmem>>
        %dma_wait3A_82 = tpu.memref_squeeze %dma_wait3A_81 : memref<1x128xi32, #tpu.memory_space<vmem>> -> memref<128xi32, #tpu.memory_space<vmem>>
        %dma_wait3A_83 = arith.constant 0 : i32
        %dma_wait3A_84 = tpu.memref_slice %arg3[%run_scoped3A_45, %add3A_42, %dma_wait3A_83] : memref<2x2500x128xi32, #tpu.memory_space<hbm>> -> memref<1x1x128xi32, #tpu.memory_space<hbm>>
        %dma_wait3A_85 = tpu.memref_squeeze %dma_wait3A_84 : memref<1x1x128xi32, #tpu.memory_space<hbm>> -> memref<128xi32, #tpu.memory_space<hbm>>
        tpu.wait_dma2 semaphore(%run_scoped3A_61 : memref<!tpu.dma_semaphore, #tpu.memory_space<semaphore_mem>>) src(%dma_wait3A_85 : memref<128xi32, #tpu.memory_space<hbm>>) dst(%dma_wait3A_82 : memref<128xi32, #tpu.memory_space<vmem>>)
        tpu.yield
      }) : () -> ()
      %dma_start3A_47 = arith.constant 0 : i32
      %dma_start3A_48 = arith.constant 0 : i32
      %dma_start3A_49 = tpu.memref_slice %arg6[%dma_start3A_47, %dma_start3A_48] : memref<40x128xi32, #tpu.memory_space<vmem>> -> memref<1x128xi32, #tpu.memory_space<vmem>>
      %dma_start3A_50 = tpu.memref_squeeze %dma_start3A_49 : memref<1x128xi32, #tpu.memory_space<vmem>> -> memref<128xi32, #tpu.memory_space<vmem>>
      %dma_start3A_51 = arith.constant 0 : i32
      %dma_start3A_52 = arith.constant 0 : i32
      %dma_start3A_53 = tpu.memref_slice %arg2[%dma_start3A_51, %dma_start3A_52] : memref<10000x128xf32, #tpu.memory_space<hbm>> -> memref<10000x128xf32, #tpu.memory_space<hbm>>
      tpu.enqueue_indirect_dma source(%dma_start3A_53 : memref<10000x128xf32, #tpu.memory_space<hbm>>) target(%arg8 : memref<128x128xf32, #tpu.memory_space<vmem>>) offsets(%dma_start3A_50 : memref<128xi32, #tpu.memory_space<vmem>>) semaphore(%arg11 : memref<!tpu.dma_semaphore, #tpu.memory_space<semaphore_mem>>)
      %dma_wait3A = arith.constant 0 : i32
      %dma_wait3A_54 = arith.constant 0 : i32
      %dma_wait3A_55 = tpu.memref_slice %arg6[%dma_wait3A, %dma_wait3A_54] : memref<40x128xi32, #tpu.memory_space<vmem>> -> memref<1x128xi32, #tpu.memory_space<vmem>>
      %dma_wait3A_56 = tpu.memref_squeeze %dma_wait3A_55 : memref<1x128xi32, #tpu.memory_space<vmem>> -> memref<128xi32, #tpu.memory_space<vmem>>
      %dma_wait3A_57 = arith.constant 0 : i32
      %dma_wait3A_58 = arith.constant 0 : i32
      %dma_wait3A_59 = tpu.memref_slice %arg2[%dma_wait3A_57, %dma_wait3A_58] : memref<10000x128xf32, #tpu.memory_space<hbm>> -> memref<10000x128xf32, #tpu.memory_space<hbm>>
      tpu.wait_indirect_dma semaphore(%arg11 : memref<!tpu.dma_semaphore, #tpu.memory_space<semaphore_mem>>) src(%dma_wait3A_59 : memref<10000x128xf32, #tpu.memory_space<hbm>>) dst(%arg8 : memref<128x128xf32, #tpu.memory_space<vmem>>)
      %run_scoped3A_60 = arith.constant 0 : i32
      "tpu.region"() ({
        %run_scoped3A_61 = tpu.sem_alloc : memref<!tpu.dma_semaphore, #tpu.memory_space<semaphore_mem>>
        %dma_start3A_62 = arith.constant 0 : i32
        %dma_start3A_63 = tpu.memref_slice %arg7[%run_scoped3A_60, %dma_start3A_62] : memref<40x128xi32, #tpu.memory_space<vmem>> -> memref<1x128xi32, #tpu.memory_space<vmem>>
        %dma_start3A_64 = tpu.memref_squeeze %dma_start3A_63 : memref<1x128xi32, #tpu.memory_space<vmem>> -> memref<128xi32, #tpu.memory_space<vmem>>
        %dma_start3A_65 = arith.constant 0 : i32
        %dma_start3A_66 = arith.constant 0 : i32
        %dma_start3A_67 = tpu.memref_slice %arg10[%dma_start3A_65, %dma_start3A_66] : memref<10240x128xf32, #tpu.memory_space<vmem_shared>> -> memref<10240x128xf32, #tpu.memory_space<vmem_shared>>
        tpu.enqueue_indirect_dma source(%arg8 : memref<128x128xf32, #tpu.memory_space<vmem>>) target(%dma_start3A_67 : memref<10240x128xf32, #tpu.memory_space<vmem_shared>>) offsets(%dma_start3A_64 : memref<128xi32, #tpu.memory_space<vmem>>) semaphore(%run_scoped3A_61 : memref<!tpu.dma_semaphore, #tpu.memory_space<semaphore_mem>>) {add = true}
        %dma_wait3A_68 = arith.constant 0 : i32
        %dma_wait3A_69 = tpu.memref_slice %arg7[%run_scoped3A_60, %dma_wait3A_68] : memref<40x128xi32, #tpu.memory_space<vmem>> -> memref<1x128xi32, #tpu.memory_space<vmem>>
        %dma_wait3A_70 = tpu.memref_squeeze %dma_wait3A_69 : memref<1x128xi32, #tpu.memory_space<vmem>> -> memref<128xi32, #tpu.memory_space<vmem>>
        %dma_wait3A_71 = arith.constant 0 : i32
        %dma_wait3A_72 = arith.constant 0 : i32
        %dma_wait3A_73 = tpu.memref_slice %arg10[%dma_wait3A_71, %dma_wait3A_72] : memref<10240x128xf32, #tpu.memory_space<vmem_shared>> -> memref<10240x128xf32, #tpu.memory_space<vmem_shared>>
        tpu.wait_indirect_dma semaphore(%run_scoped3A_61 : memref<!tpu.dma_semaphore, #tpu.memory_space<semaphore_mem>>) src(%arg8 : memref<128x128xf32, #tpu.memory_space<vmem>>) dst(%dma_wait3A_73 : memref<10240x128xf32, #tpu.memory_space<vmem_shared>>)
        tpu.yield
      }) : () -> ()
    } else {
    }
    %barrier3A_40 = arith.constant 0 : index
    tpu.barrier barrier_id(%barrier3A_40)
    "tpu.region"() ({
      %run_scoped3A_41 = tpu.sem_alloc : memref<!tpu.dma_semaphore, #tpu.memory_space<semaphore_mem>>
      %dma_start3A_42 = arith.constant 0 : i32
      %dma_start3A_43 = tpu.memref_slice %arg5[%arg0, %mul3A_2, %dma_start3A_42] : memref<2x10240x128xf32, #tpu.memory_space<hbm>> -> memref<1x640x128xf32, #tpu.memory_space<hbm>>
      %dma_start3A_44 = tpu.memref_squeeze %dma_start3A_43 : memref<1x640x128xf32, #tpu.memory_space<hbm>> -> memref<640x128xf32, #tpu.memory_space<hbm>>
      %dma_start3A_45 = arith.constant 0 : i32
      %dma_start3A_46 = tpu.memref_slice %arg10[%mul3A_2, %dma_start3A_45] : memref<10240x128xf32, #tpu.memory_space<vmem_shared>> -> memref<640x128xf32, #tpu.memory_space<vmem_shared>>
      tpu.enqueue_dma source(%dma_start3A_46 : memref<640x128xf32, #tpu.memory_space<vmem_shared>>) target(%dma_start3A_44 : memref<640x128xf32, #tpu.memory_space<hbm>>) target_semaphore(%run_scoped3A_41 : memref<!tpu.dma_semaphore, #tpu.memory_space<semaphore_mem>>)
      %dma_wait3A = arith.constant 0 : i32
      %dma_wait3A_47 = tpu.memref_slice %arg5[%arg0, %mul3A_2, %dma_wait3A] : memref<2x10240x128xf32, #tpu.memory_space<hbm>> -> memref<1x640x128xf32, #tpu.memory_space<hbm>>
      %dma_wait3A_48 = tpu.memref_squeeze %dma_wait3A_47 : memref<1x640x128xf32, #tpu.memory_space<hbm>> -> memref<640x128xf32, #tpu.memory_space<hbm>>
      %dma_wait3A_49 = arith.constant 0 : i32
      %dma_wait3A_50 = tpu.memref_slice %arg10[%mul3A_2, %dma_wait3A_49] : memref<10240x128xf32, #tpu.memory_space<vmem_shared>> -> memref<640x128xf32, #tpu.memory_space<vmem_shared>>
      tpu.wait_dma2 semaphore(%run_scoped3A_41 : memref<!tpu.dma_semaphore, #tpu.memory_space<semaphore_mem>>) src(%dma_wait3A_50 : memref<640x128xf32, #tpu.memory_space<vmem_shared>>) dst(%dma_wait3A_48 : memref<640x128xf32, #tpu.memory_space<hbm>>)
      tpu.yield
    }) : () -> ()
    return
  }
}

#map = affine_map<(d0, d1) -> (0, 0)>
#map1 = affine_map<(d0, d1) -> (0, 0, 0)>
module attributes {stable_mosaic.version = 14 : i64} {
  func.func @_spmm_body(%arg0: i32, %arg1: i32, %arg2: memref<10000x128xf32, #tpu.memory_space<hbm>>, %arg3: memref<2x2500x128xi32, #tpu.memory_space<hbm>>, %arg4: memref<640x128xf32, #tpu.memory_space<hbm>>, %arg5: memref<2x10240x128xf32, #tpu.memory_space<hbm>>, %arg6: memref<40x128xi32, #tpu.memory_space<vmem>>, %arg7: memref<40x128xi32, #tpu.memory_space<vmem>>, %arg8: memref<128x128xf32, #tpu.memory_space<vmem>>, %arg9: memref<128x128xf32, #tpu.memory_space<vmem>>, %arg10: memref<10240x128xf32, #tpu.memory_space<vmem_shared>>, %arg11: memref<!tpu.dma_semaphore, #tpu.memory_space<semaphore_mem>>, %arg12: memref<!tpu.dma_semaphore, #tpu.memory_space<semaphore_mem>>) attributes {dimension_semantics = [#tpu.dimension_semantics<core_parallel>, #tpu.dimension_semantics<subcore_parallel>], iteration_bounds = array<i64: 2, 16>, scalar_prefetch = 0 : i64, scratch_operands = 7 : i64, tpu.core_type = #tpu.core_type<sc_vector_subcore>, window_params = [{transform_indices = #map}, {transform_indices = #map1}, {transform_indices = #map}, {transform_indices = #map1}]} {
    %mul3A = arith.constant 16 : i32
    %mul3A_0 = arith.muli %arg0, %mul3A : i32
    %add3A = arith.addi %mul3A_0, %arg1 : i32
    %mul3A_1 = arith.constant 640 : i32
    %mul3A_2 = arith.muli %arg1, %mul3A_1 : i32
    "tpu.region"() ({
      %run_scoped3A_41 = tpu.sem_alloc : memref<!tpu.dma_semaphore, #tpu.memory_space<semaphore_mem>>
      %dma_start3A_42 = arith.constant 0 : i32
      %dma_start3A_43 = tpu.memref_slice %arg10[%mul3A_2, %dma_start3A_42] : memref<10240x128xf32, #tpu.memory_space<vmem_shared>> -> memref<640x128xf32, #tpu.memory_space<vmem_shared>>
      tpu.enqueue_dma source(%arg4 : memref<640x128xf32, #tpu.memory_space<hbm>>) target(%dma_start3A_43 : memref<640x128xf32, #tpu.memory_space<vmem_shared>>) target_semaphore(%run_scoped3A_41 : memref<!tpu.dma_semaphore, #tpu.memory_space<semaphore_mem>>)
      %dma_wait3A = arith.constant 0 : i32
      %dma_wait3A_44 = tpu.memref_slice %arg10[%mul3A_2, %dma_wait3A] : memref<10240x128xf32, #tpu.memory_space<vmem_shared>> -> memref<640x128xf32, #tpu.memory_space<vmem_shared>>
      tpu.wait_dma2 semaphore(%run_scoped3A_41 : memref<!tpu.dma_semaphore, #tpu.memory_space<semaphore_mem>>) src(%arg4 : memref<640x128xf32, #tpu.memory_space<hbm>>) dst(%dma_wait3A_44 : memref<640x128xf32, #tpu.memory_space<vmem_shared>>)
      tpu.yield
    }) : () -> ()
    %mul3A_3 = arith.constant 78 : i32
    %mul3A_4 = arith.muli %add3A, %mul3A_3 : i32
    %barrier3A = arith.constant 0 : index
    tpu.barrier barrier_id(%barrier3A)
    %add3A_5 = arith.constant 0 : i32
    %add3A_6 = arith.addi %mul3A_4, %add3A_5 : i32
    %run_scoped3A = arith.constant 1 : i32
    "tpu.region"() ({
      %run_scoped3A_41 = tpu.sem_alloc : memref<!tpu.dma_semaphore, #tpu.memory_space<semaphore_mem>>
      %dma_start3A_42 = arith.constant 0 : i32
      %dma_start3A_43 = arith.constant 0 : i32
      %dma_start3A_44 = tpu.memref_slice %arg6[%dma_start3A_42, %dma_start3A_43] : memref<40x128xi32, #tpu.memory_space<vmem>> -> memref<40x128xi32, #tpu.memory_space<vmem>>
      %dma_start3A_45 = arith.constant 0 : i32
      %dma_start3A_46 = tpu.memref_slice %arg3[%run_scoped3A, %add3A_6, %dma_start3A_45] : memref<2x2500x128xi32, #tpu.memory_space<hbm>> -> memref<1x40x128xi32, #tpu.memory_space<hbm>>
      %dma_start3A_47 = tpu.memref_squeeze %dma_start3A_46 : memref<1x40x128xi32, #tpu.memory_space<hbm>> -> memref<40x128xi32, #tpu.memory_space<hbm>>
      %dma_start3A_48 = arith.constant 0 : i32
      %dma_start3A_49 = arith.constant 0 : i32
      %dma_start3A_50 = tpu.memref_slice %arg6[%dma_start3A_48, %dma_start3A_49] : memref<40x128xi32, #tpu.memory_space<vmem>> -> memref<40x128xi32, #tpu.memory_space<vmem>>
      %dma_start3A_51 = arith.constant 0 : i32
      %dma_start3A_52 = tpu.memref_slice %arg3[%run_scoped3A, %add3A_6, %dma_start3A_51] : memref<2x2500x128xi32, #tpu.memory_space<hbm>> -> memref<1x40x128xi32, #tpu.memory_space<hbm>>
      %dma_start3A_53 = tpu.memref_squeeze %dma_start3A_52 : memref<1x40x128xi32, #tpu.memory_space<hbm>> -> memref<40x128xi32, #tpu.memory_space<hbm>>
      tpu.enqueue_dma source(%dma_start3A_53 : memref<40x128xi32, #tpu.memory_space<hbm>>) target(%dma_start3A_50 : memref<40x128xi32, #tpu.memory_space<vmem>>) target_semaphore(%run_scoped3A_41 : memref<!tpu.dma_semaphore, #tpu.memory_space<semaphore_mem>>)
      %dma_wait3A = arith.constant 0 : i32
      %dma_wait3A_54 = arith.constant 0 : i32
      %dma_wait3A_55 = tpu.memref_slice %arg6[%dma_wait3A, %dma_wait3A_54] : memref<40x128xi32, #tpu.memory_space<vmem>> -> memref<40x128xi32, #tpu.memory_space<vmem>>
      %dma_wait3A_56 = arith.constant 0 : i32
      %dma_wait3A_57 = tpu.memref_slice %arg3[%run_scoped3A, %add3A_6, %dma_wait3A_56] : memref<2x2500x128xi32, #tpu.memory_space<hbm>> -> memref<1x40x128xi32, #tpu.memory_space<hbm>>
      %dma_wait3A_58 = tpu.memref_squeeze %dma_wait3A_57 : memref<1x40x128xi32, #tpu.memory_space<hbm>> -> memref<40x128xi32, #tpu.memory_space<hbm>>
      %dma_wait3A_59 = arith.constant 0 : i32
      %dma_wait3A_60 = arith.constant 0 : i32
      %dma_wait3A_61 = tpu.memref_slice %arg6[%dma_wait3A_59, %dma_wait3A_60] : memref<40x128xi32, #tpu.memory_space<vmem>> -> memref<40x128xi32, #tpu.memory_space<vmem>>
      %dma_wait3A_62 = arith.constant 0 : i32
      %dma_wait3A_63 = tpu.memref_slice %arg3[%run_scoped3A, %add3A_6, %dma_wait3A_62] : memref<2x2500x128xi32, #tpu.memory_space<hbm>> -> memref<1x40x128xi32, #tpu.memory_space<hbm>>
      %dma_wait3A_64 = tpu.memref_squeeze %dma_wait3A_63 : memref<1x40x128xi32, #tpu.memory_space<hbm>> -> memref<40x128xi32, #tpu.memory_space<hbm>>
      tpu.wait_dma2 semaphore(%run_scoped3A_41 : memref<!tpu.dma_semaphore, #tpu.memory_space<semaphore_mem>>) src(%dma_wait3A_64 : memref<40x128xi32, #tpu.memory_space<hbm>>) dst(%dma_wait3A_61 : memref<40x128xi32, #tpu.memory_space<vmem>>)
      tpu.yield
    }) : () -> ()
    %add3A_7 = arith.constant 0 : i32
    %add3A_8 = arith.addi %mul3A_4, %add3A_7 : i32
    %run_scoped3A_9 = arith.constant 0 : i32
    "tpu.region"() ({
      %run_scoped3A_41 = tpu.sem_alloc : memref<!tpu.dma_semaphore, #tpu.memory_space<semaphore_mem>>
      %dma_start3A_42 = arith.constant 0 : i32
      %dma_start3A_43 = arith.constant 0 : i32
      %dma_start3A_44 = tpu.memref_slice %arg7[%dma_start3A_42, %dma_start3A_43] : memref<40x128xi32, #tpu.memory_space<vmem>> -> memref<40x128xi32, #tpu.memory_space<vmem>>
      %dma_start3A_45 = arith.constant 0 : i32
      %dma_start3A_46 = tpu.memref_slice %arg3[%run_scoped3A_9, %add3A_8, %dma_start3A_45] : memref<2x2500x128xi32, #tpu.memory_space<hbm>> -> memref<1x40x128xi32, #tpu.memory_space<hbm>>
      %dma_start3A_47 = tpu.memref_squeeze %dma_start3A_46 : memref<1x40x128xi32, #tpu.memory_space<hbm>> -> memref<40x128xi32, #tpu.memory_space<hbm>>
      %dma_start3A_48 = arith.constant 0 : i32
      %dma_start3A_49 = arith.constant 0 : i32
      %dma_start3A_50 = tpu.memref_slice %arg7[%dma_start3A_48, %dma_start3A_49] : memref<40x128xi32, #tpu.memory_space<vmem>> -> memref<40x128xi32, #tpu.memory_space<vmem>>
      %dma_start3A_51 = arith.constant 0 : i32
      %dma_start3A_52 = tpu.memref_slice %arg3[%run_scoped3A_9, %add3A_8, %dma_start3A_51] : memref<2x2500x128xi32, #tpu.memory_space<hbm>> -> memref<1x40x128xi32, #tpu.memory_space<hbm>>
      %dma_start3A_53 = tpu.memref_squeeze %dma_start3A_52 : memref<1x40x128xi32, #tpu.memory_space<hbm>> -> memref<40x128xi32, #tpu.memory_space<hbm>>
      tpu.enqueue_dma source(%dma_start3A_53 : memref<40x128xi32, #tpu.memory_space<hbm>>) target(%dma_start3A_50 : memref<40x128xi32, #tpu.memory_space<vmem>>) target_semaphore(%run_scoped3A_41 : memref<!tpu.dma_semaphore, #tpu.memory_space<semaphore_mem>>)
      %dma_wait3A = arith.constant 0 : i32
      %dma_wait3A_54 = arith.constant 0 : i32
      %dma_wait3A_55 = tpu.memref_slice %arg7[%dma_wait3A, %dma_wait3A_54] : memref<40x128xi32, #tpu.memory_space<vmem>> -> memref<40x128xi32, #tpu.memory_space<vmem>>
      %dma_wait3A_56 = arith.constant 0 : i32
      %dma_wait3A_57 = tpu.memref_slice %arg3[%run_scoped3A_9, %add3A_8, %dma_wait3A_56] : memref<2x2500x128xi32, #tpu.memory_space<hbm>> -> memref<1x40x128xi32, #tpu.memory_space<hbm>>
      %dma_wait3A_58 = tpu.memref_squeeze %dma_wait3A_57 : memref<1x40x128xi32, #tpu.memory_space<hbm>> -> memref<40x128xi32, #tpu.memory_space<hbm>>
      %dma_wait3A_59 = arith.constant 0 : i32
      %dma_wait3A_60 = arith.constant 0 : i32
      %dma_wait3A_61 = tpu.memref_slice %arg7[%dma_wait3A_59, %dma_wait3A_60] : memref<40x128xi32, #tpu.memory_space<vmem>> -> memref<40x128xi32, #tpu.memory_space<vmem>>
      %dma_wait3A_62 = arith.constant 0 : i32
      %dma_wait3A_63 = tpu.memref_slice %arg3[%run_scoped3A_9, %add3A_8, %dma_wait3A_62] : memref<2x2500x128xi32, #tpu.memory_space<hbm>> -> memref<1x40x128xi32, #tpu.memory_space<hbm>>
      %dma_wait3A_64 = tpu.memref_squeeze %dma_wait3A_63 : memref<1x40x128xi32, #tpu.memory_space<hbm>> -> memref<40x128xi32, #tpu.memory_space<hbm>>
      tpu.wait_dma2 semaphore(%run_scoped3A_41 : memref<!tpu.dma_semaphore, #tpu.memory_space<semaphore_mem>>) src(%dma_wait3A_64 : memref<40x128xi32, #tpu.memory_space<hbm>>) dst(%dma_wait3A_61 : memref<40x128xi32, #tpu.memory_space<vmem>>)
      tpu.yield
    }) : () -> ()
    %dma_start3A = arith.constant 0 : i32
    %dma_start3A_10 = arith.constant 0 : i32
    %dma_start3A_11 = tpu.memref_slice %arg6[%dma_start3A, %dma_start3A_10] : memref<40x128xi32, #tpu.memory_space<vmem>> -> memref<1x128xi32, #tpu.memory_space<vmem>>
    %dma_start3A_12 = tpu.memref_squeeze %dma_start3A_11 : memref<1x128xi32, #tpu.memory_space<vmem>> -> memref<128xi32, #tpu.memory_space<vmem>>
    %dma_start3A_13 = arith.constant 0 : i32
    %dma_start3A_14 = arith.constant 0 : i32
    %dma_start3A_15 = tpu.memref_slice %arg2[%dma_start3A_13, %dma_start3A_14] : memref<10000x128xf32, #tpu.memory_space<hbm>> -> memref<10000x128xf32, #tpu.memory_space<hbm>>
    tpu.enqueue_indirect_dma source(%dma_start3A_15 : memref<10000x128xf32, #tpu.memory_space<hbm>>) target(%arg8 : memref<128x128xf32, #tpu.memory_space<vmem>>) offsets(%dma_start3A_12 : memref<128xi32, #tpu.memory_space<vmem>>) semaphore(%arg11 : memref<!tpu.dma_semaphore, #tpu.memory_space<semaphore_mem>>)
    %scan3A = arith.constant 0 : i32
    %scan3A_16 = arith.constant 20 : i32
    %scan3A_17 = arith.addi %scan3A, %scan3A_16 : i32
    %scan3A_18 = arith.constant 1 : i32
    scf.for %scan3A_41 = %scan3A to %scan3A_17 step %scan3A_18  : i32 {
      %mul3A_42 = arith.constant 2 : i32
      %mul3A_43 = arith.muli %scan3A_41, %mul3A_42 : i32
      %add3A_44 = arith.constant 0 : i32
      %add3A_45 = arith.addi %add3A_44, %mul3A_43 : i32
      %add3A_46 = arith.constant 1 : i32
      %add3A_47 = arith.addi %add3A_45, %add3A_46 : i32
      %dma_start3A_48 = arith.constant 0 : i32
      %dma_start3A_49 = tpu.memref_slice %arg6[%add3A_47, %dma_start3A_48] : memref<40x128xi32, #tpu.memory_space<vmem>> -> memref<1x128xi32, #tpu.memory_space<vmem>>
      %dma_start3A_50 = tpu.memref_squeeze %dma_start3A_49 : memref<1x128xi32, #tpu.memory_space<vmem>> -> memref<128xi32, #tpu.memory_space<vmem>>
      %dma_start3A_51 = arith.constant 0 : i32
      %dma_start3A_52 = arith.constant 0 : i32
      %dma_start3A_53 = tpu.memref_slice %arg2[%dma_start3A_51, %dma_start3A_52] : memref<10000x128xf32, #tpu.memory_space<hbm>> -> memref<10000x128xf32, #tpu.memory_space<hbm>>
      tpu.enqueue_indirect_dma source(%dma_start3A_53 : memref<10000x128xf32, #tpu.memory_space<hbm>>) target(%arg9 : memref<128x128xf32, #tpu.memory_space<vmem>>) offsets(%dma_start3A_50 : memref<128xi32, #tpu.memory_space<vmem>>) semaphore(%arg12 : memref<!tpu.dma_semaphore, #tpu.memory_space<semaphore_mem>>)
      %dma_wait3A = arith.constant 0 : i32
      %dma_wait3A_54 = arith.constant 0 : i32
      %dma_wait3A_55 = tpu.memref_slice %arg2[%dma_wait3A, %dma_wait3A_54] : memref<10000x128xf32, #tpu.memory_space<hbm>> -> memref<128x128xf32, #tpu.memory_space<hbm>>
      %dma_wait3A_56 = arith.constant 0 : i32
      %dma_wait3A_57 = arith.constant 0 : i32
      %dma_wait3A_58 = tpu.memref_slice %arg2[%dma_wait3A_56, %dma_wait3A_57] : memref<10000x128xf32, #tpu.memory_space<hbm>> -> memref<128x128xf32, #tpu.memory_space<hbm>>
      tpu.wait_dma2 semaphore(%arg11 : memref<!tpu.dma_semaphore, #tpu.memory_space<semaphore_mem>>) src(%dma_wait3A_58 : memref<128x128xf32, #tpu.memory_space<hbm>>) dst(%arg8 : memref<128x128xf32, #tpu.memory_space<vmem>>)
      "tpu.region"() ({
        %run_scoped3A_74 = tpu.sem_alloc : memref<!tpu.dma_semaphore, #tpu.memory_space<semaphore_mem>>
        %dma_start3A_75 = arith.constant 0 : i32
        %dma_start3A_76 = tpu.memref_slice %arg7[%add3A_45, %dma_start3A_75] : memref<40x128xi32, #tpu.memory_space<vmem>> -> memref<1x128xi32, #tpu.memory_space<vmem>>
        %dma_start3A_77 = tpu.memref_squeeze %dma_start3A_76 : memref<1x128xi32, #tpu.memory_space<vmem>> -> memref<128xi32, #tpu.memory_space<vmem>>
        %dma_start3A_78 = arith.constant 0 : i32
        %dma_start3A_79 = arith.constant 0 : i32
        %dma_start3A_80 = tpu.memref_slice %arg10[%dma_start3A_78, %dma_start3A_79] : memref<10240x128xf32, #tpu.memory_space<vmem_shared>> -> memref<10240x128xf32, #tpu.memory_space<vmem_shared>>
        tpu.enqueue_indirect_dma source(%arg8 : memref<128x128xf32, #tpu.memory_space<vmem>>) target(%dma_start3A_80 : memref<10240x128xf32, #tpu.memory_space<vmem_shared>>) offsets(%dma_start3A_77 : memref<128xi32, #tpu.memory_space<vmem>>) semaphore(%run_scoped3A_74 : memref<!tpu.dma_semaphore, #tpu.memory_space<semaphore_mem>>) {add = true}
        %dma_wait3A_81 = arith.constant 0 : i32
        %dma_wait3A_82 = tpu.memref_slice %arg7[%add3A_45, %dma_wait3A_81] : memref<40x128xi32, #tpu.memory_space<vmem>> -> memref<1x128xi32, #tpu.memory_space<vmem>>
        %dma_wait3A_83 = tpu.memref_squeeze %dma_wait3A_82 : memref<1x128xi32, #tpu.memory_space<vmem>> -> memref<128xi32, #tpu.memory_space<vmem>>
        %dma_wait3A_84 = arith.constant 0 : i32
        %dma_wait3A_85 = arith.constant 0 : i32
        %dma_wait3A_86 = tpu.memref_slice %arg10[%dma_wait3A_84, %dma_wait3A_85] : memref<10240x128xf32, #tpu.memory_space<vmem_shared>> -> memref<10240x128xf32, #tpu.memory_space<vmem_shared>>
        tpu.wait_indirect_dma semaphore(%run_scoped3A_74 : memref<!tpu.dma_semaphore, #tpu.memory_space<semaphore_mem>>) src(%arg8 : memref<128x128xf32, #tpu.memory_space<vmem>>) dst(%dma_wait3A_86 : memref<10240x128xf32, #tpu.memory_space<vmem_shared>>)
        tpu.yield
      }) : () -> ()
      %add3A_59 = arith.constant 2 : i32
      %add3A_60 = arith.addi %add3A_45, %add3A_59 : i32
      %lt3A_61 = arith.constant 40 : i32
      %lt3A_62 = arith.cmpi slt, %add3A_60, %lt3A_61 : i32
      %convert_element_type3A_63 = arith.extui %lt3A_62 : i1 to i32
      %cond3A_64 = arith.constant 0 : i32
      %cond3A_65 = arith.cmpi ne, %convert_element_type3A_63, %cond3A_64 : i32
      scf.if %cond3A_65 {
        %add3A_74 = arith.constant 2 : i32
        %add3A_75 = arith.addi %add3A_45, %add3A_74 : i32
        %dma_start3A_76 = arith.constant 0 : i32
        %dma_start3A_77 = tpu.memref_slice %arg6[%add3A_75, %dma_start3A_76] : memref<40x128xi32, #tpu.memory_space<vmem>> -> memref<1x128xi32, #tpu.memory_space<vmem>>
        %dma_start3A_78 = tpu.memref_squeeze %dma_start3A_77 : memref<1x128xi32, #tpu.memory_space<vmem>> -> memref<128xi32, #tpu.memory_space<vmem>>
        %dma_start3A_79 = arith.constant 0 : i32
        %dma_start3A_80 = arith.constant 0 : i32
        %dma_start3A_81 = tpu.memref_slice %arg2[%dma_start3A_79, %dma_start3A_80] : memref<10000x128xf32, #tpu.memory_space<hbm>> -> memref<10000x128xf32, #tpu.memory_space<hbm>>
        tpu.enqueue_indirect_dma source(%dma_start3A_81 : memref<10000x128xf32, #tpu.memory_space<hbm>>) target(%arg8 : memref<128x128xf32, #tpu.memory_space<vmem>>) offsets(%dma_start3A_78 : memref<128xi32, #tpu.memory_space<vmem>>) semaphore(%arg11 : memref<!tpu.dma_semaphore, #tpu.memory_space<semaphore_mem>>)
      } else {
      }
      %dma_wait3A_66 = arith.constant 0 : i32
      %dma_wait3A_67 = arith.constant 0 : i32
      %dma_wait3A_68 = tpu.memref_slice %arg2[%dma_wait3A_66, %dma_wait3A_67] : memref<10000x128xf32, #tpu.memory_space<hbm>> -> memref<128x128xf32, #tpu.memory_space<hbm>>
      %dma_wait3A_69 = arith.constant 0 : i32
      %dma_wait3A_70 = arith.constant 0 : i32
      %dma_wait3A_71 = tpu.memref_slice %arg2[%dma_wait3A_69, %dma_wait3A_70] : memref<10000x128xf32, #tpu.memory_space<hbm>> -> memref<128x128xf32, #tpu.memory_space<hbm>>
      tpu.wait_dma2 semaphore(%arg12 : memref<!tpu.dma_semaphore, #tpu.memory_space<semaphore_mem>>) src(%dma_wait3A_71 : memref<128x128xf32, #tpu.memory_space<hbm>>) dst(%arg9 : memref<128x128xf32, #tpu.memory_space<vmem>>)
      %add3A_72 = arith.constant 1 : i32
      %add3A_73 = arith.addi %add3A_45, %add3A_72 : i32
      "tpu.region"() ({
        %run_scoped3A_74 = tpu.sem_alloc : memref<!tpu.dma_semaphore, #tpu.memory_space<semaphore_mem>>
        %dma_start3A_75 = arith.constant 0 : i32
        %dma_start3A_76 = tpu.memref_slice %arg7[%add3A_73, %dma_start3A_75] : memref<40x128xi32, #tpu.memory_space<vmem>> -> memref<1x128xi32, #tpu.memory_space<vmem>>
        %dma_start3A_77 = tpu.memref_squeeze %dma_start3A_76 : memref<1x128xi32, #tpu.memory_space<vmem>> -> memref<128xi32, #tpu.memory_space<vmem>>
        %dma_start3A_78 = arith.constant 0 : i32
        %dma_start3A_79 = arith.constant 0 : i32
        %dma_start3A_80 = tpu.memref_slice %arg10[%dma_start3A_78, %dma_start3A_79] : memref<10240x128xf32, #tpu.memory_space<vmem_shared>> -> memref<10240x128xf32, #tpu.memory_space<vmem_shared>>
        tpu.enqueue_indirect_dma source(%arg9 : memref<128x128xf32, #tpu.memory_space<vmem>>) target(%dma_start3A_80 : memref<10240x128xf32, #tpu.memory_space<vmem_shared>>) offsets(%dma_start3A_77 : memref<128xi32, #tpu.memory_space<vmem>>) semaphore(%run_scoped3A_74 : memref<!tpu.dma_semaphore, #tpu.memory_space<semaphore_mem>>) {add = true}
        %dma_wait3A_81 = arith.constant 0 : i32
        %dma_wait3A_82 = tpu.memref_slice %arg7[%add3A_73, %dma_wait3A_81] : memref<40x128xi32, #tpu.memory_space<vmem>> -> memref<1x128xi32, #tpu.memory_space<vmem>>
        %dma_wait3A_83 = tpu.memref_squeeze %dma_wait3A_82 : memref<1x128xi32, #tpu.memory_space<vmem>> -> memref<128xi32, #tpu.memory_space<vmem>>
        %dma_wait3A_84 = arith.constant 0 : i32
        %dma_wait3A_85 = arith.constant 0 : i32
        %dma_wait3A_86 = tpu.memref_slice %arg10[%dma_wait3A_84, %dma_wait3A_85] : memref<10240x128xf32, #tpu.memory_space<vmem_shared>> -> memref<10240x128xf32, #tpu.memory_space<vmem_shared>>
        tpu.wait_indirect_dma semaphore(%run_scoped3A_74 : memref<!tpu.dma_semaphore, #tpu.memory_space<semaphore_mem>>) src(%arg9 : memref<128x128xf32, #tpu.memory_space<vmem>>) dst(%dma_wait3A_86 : memref<10240x128xf32, #tpu.memory_space<vmem_shared>>)
        tpu.yield
      }) : () -> ()
    }
    %scan3A_19 = arith.constant 20 : i32
    %add3A_20 = arith.constant 40 : i32
    %add3A_21 = arith.addi %mul3A_4, %add3A_20 : i32
    %run_scoped3A_22 = arith.constant 1 : i32
    "tpu.region"() ({
      %run_scoped3A_41 = tpu.sem_alloc : memref<!tpu.dma_semaphore, #tpu.memory_space<semaphore_mem>>
      %dma_start3A_42 = arith.constant 0 : i32
      %dma_start3A_43 = arith.constant 0 : i32
      %dma_start3A_44 = tpu.memref_slice %arg6[%dma_start3A_42, %dma_start3A_43] : memref<40x128xi32, #tpu.memory_space<vmem>> -> memref<38x128xi32, #tpu.memory_space<vmem>>
      %dma_start3A_45 = arith.constant 0 : i32
      %dma_start3A_46 = tpu.memref_slice %arg3[%run_scoped3A_22, %add3A_21, %dma_start3A_45] : memref<2x2500x128xi32, #tpu.memory_space<hbm>> -> memref<1x38x128xi32, #tpu.memory_space<hbm>>
      %dma_start3A_47 = tpu.memref_squeeze %dma_start3A_46 : memref<1x38x128xi32, #tpu.memory_space<hbm>> -> memref<38x128xi32, #tpu.memory_space<hbm>>
      %dma_start3A_48 = arith.constant 0 : i32
      %dma_start3A_49 = arith.constant 0 : i32
      %dma_start3A_50 = tpu.memref_slice %arg6[%dma_start3A_48, %dma_start3A_49] : memref<40x128xi32, #tpu.memory_space<vmem>> -> memref<38x128xi32, #tpu.memory_space<vmem>>
      %dma_start3A_51 = arith.constant 0 : i32
      %dma_start3A_52 = tpu.memref_slice %arg3[%run_scoped3A_22, %add3A_21, %dma_start3A_51] : memref<2x2500x128xi32, #tpu.memory_space<hbm>> -> memref<1x38x128xi32, #tpu.memory_space<hbm>>
      %dma_start3A_53 = tpu.memref_squeeze %dma_start3A_52 : memref<1x38x128xi32, #tpu.memory_space<hbm>> -> memref<38x128xi32, #tpu.memory_space<hbm>>
      tpu.enqueue_dma source(%dma_start3A_53 : memref<38x128xi32, #tpu.memory_space<hbm>>) target(%dma_start3A_50 : memref<38x128xi32, #tpu.memory_space<vmem>>) target_semaphore(%run_scoped3A_41 : memref<!tpu.dma_semaphore, #tpu.memory_space<semaphore_mem>>)
      %dma_wait3A = arith.constant 0 : i32
      %dma_wait3A_54 = arith.constant 0 : i32
      %dma_wait3A_55 = tpu.memref_slice %arg6[%dma_wait3A, %dma_wait3A_54] : memref<40x128xi32, #tpu.memory_space<vmem>> -> memref<38x128xi32, #tpu.memory_space<vmem>>
      %dma_wait3A_56 = arith.constant 0 : i32
      %dma_wait3A_57 = tpu.memref_slice %arg3[%run_scoped3A_22, %add3A_21, %dma_wait3A_56] : memref<2x2500x128xi32, #tpu.memory_space<hbm>> -> memref<1x38x128xi32, #tpu.memory_space<hbm>>
      %dma_wait3A_58 = tpu.memref_squeeze %dma_wait3A_57 : memref<1x38x128xi32, #tpu.memory_space<hbm>> -> memref<38x128xi32, #tpu.memory_space<hbm>>
      %dma_wait3A_59 = arith.constant 0 : i32
      %dma_wait3A_60 = arith.constant 0 : i32
      %dma_wait3A_61 = tpu.memref_slice %arg6[%dma_wait3A_59, %dma_wait3A_60] : memref<40x128xi32, #tpu.memory_space<vmem>> -> memref<38x128xi32, #tpu.memory_space<vmem>>
      %dma_wait3A_62 = arith.constant 0 : i32
      %dma_wait3A_63 = tpu.memref_slice %arg3[%run_scoped3A_22, %add3A_21, %dma_wait3A_62] : memref<2x2500x128xi32, #tpu.memory_space<hbm>> -> memref<1x38x128xi32, #tpu.memory_space<hbm>>
      %dma_wait3A_64 = tpu.memref_squeeze %dma_wait3A_63 : memref<1x38x128xi32, #tpu.memory_space<hbm>> -> memref<38x128xi32, #tpu.memory_space<hbm>>
      tpu.wait_dma2 semaphore(%run_scoped3A_41 : memref<!tpu.dma_semaphore, #tpu.memory_space<semaphore_mem>>) src(%dma_wait3A_64 : memref<38x128xi32, #tpu.memory_space<hbm>>) dst(%dma_wait3A_61 : memref<38x128xi32, #tpu.memory_space<vmem>>)
      tpu.yield
    }) : () -> ()
    %add3A_23 = arith.constant 40 : i32
    %add3A_24 = arith.addi %mul3A_4, %add3A_23 : i32
    %run_scoped3A_25 = arith.constant 0 : i32
    "tpu.region"() ({
      %run_scoped3A_41 = tpu.sem_alloc : memref<!tpu.dma_semaphore, #tpu.memory_space<semaphore_mem>>
      %dma_start3A_42 = arith.constant 0 : i32
      %dma_start3A_43 = arith.constant 0 : i32
      %dma_start3A_44 = tpu.memref_slice %arg7[%dma_start3A_42, %dma_start3A_43] : memref<40x128xi32, #tpu.memory_space<vmem>> -> memref<38x128xi32, #tpu.memory_space<vmem>>
      %dma_start3A_45 = arith.constant 0 : i32
      %dma_start3A_46 = tpu.memref_slice %arg3[%run_scoped3A_25, %add3A_24, %dma_start3A_45] : memref<2x2500x128xi32, #tpu.memory_space<hbm>> -> memref<1x38x128xi32, #tpu.memory_space<hbm>>
      %dma_start3A_47 = tpu.memref_squeeze %dma_start3A_46 : memref<1x38x128xi32, #tpu.memory_space<hbm>> -> memref<38x128xi32, #tpu.memory_space<hbm>>
      %dma_start3A_48 = arith.constant 0 : i32
      %dma_start3A_49 = arith.constant 0 : i32
      %dma_start3A_50 = tpu.memref_slice %arg7[%dma_start3A_48, %dma_start3A_49] : memref<40x128xi32, #tpu.memory_space<vmem>> -> memref<38x128xi32, #tpu.memory_space<vmem>>
      %dma_start3A_51 = arith.constant 0 : i32
      %dma_start3A_52 = tpu.memref_slice %arg3[%run_scoped3A_25, %add3A_24, %dma_start3A_51] : memref<2x2500x128xi32, #tpu.memory_space<hbm>> -> memref<1x38x128xi32, #tpu.memory_space<hbm>>
      %dma_start3A_53 = tpu.memref_squeeze %dma_start3A_52 : memref<1x38x128xi32, #tpu.memory_space<hbm>> -> memref<38x128xi32, #tpu.memory_space<hbm>>
      tpu.enqueue_dma source(%dma_start3A_53 : memref<38x128xi32, #tpu.memory_space<hbm>>) target(%dma_start3A_50 : memref<38x128xi32, #tpu.memory_space<vmem>>) target_semaphore(%run_scoped3A_41 : memref<!tpu.dma_semaphore, #tpu.memory_space<semaphore_mem>>)
      %dma_wait3A = arith.constant 0 : i32
      %dma_wait3A_54 = arith.constant 0 : i32
      %dma_wait3A_55 = tpu.memref_slice %arg7[%dma_wait3A, %dma_wait3A_54] : memref<40x128xi32, #tpu.memory_space<vmem>> -> memref<38x128xi32, #tpu.memory_space<vmem>>
      %dma_wait3A_56 = arith.constant 0 : i32
      %dma_wait3A_57 = tpu.memref_slice %arg3[%run_scoped3A_25, %add3A_24, %dma_wait3A_56] : memref<2x2500x128xi32, #tpu.memory_space<hbm>> -> memref<1x38x128xi32, #tpu.memory_space<hbm>>
      %dma_wait3A_58 = tpu.memref_squeeze %dma_wait3A_57 : memref<1x38x128xi32, #tpu.memory_space<hbm>> -> memref<38x128xi32, #tpu.memory_space<hbm>>
      %dma_wait3A_59 = arith.constant 0 : i32
      %dma_wait3A_60 = arith.constant 0 : i32
      %dma_wait3A_61 = tpu.memref_slice %arg7[%dma_wait3A_59, %dma_wait3A_60] : memref<40x128xi32, #tpu.memory_space<vmem>> -> memref<38x128xi32, #tpu.memory_space<vmem>>
      %dma_wait3A_62 = arith.constant 0 : i32
      %dma_wait3A_63 = tpu.memref_slice %arg3[%run_scoped3A_25, %add3A_24, %dma_wait3A_62] : memref<2x2500x128xi32, #tpu.memory_space<hbm>> -> memref<1x38x128xi32, #tpu.memory_space<hbm>>
      %dma_wait3A_64 = tpu.memref_squeeze %dma_wait3A_63 : memref<1x38x128xi32, #tpu.memory_space<hbm>> -> memref<38x128xi32, #tpu.memory_space<hbm>>
      tpu.wait_dma2 semaphore(%run_scoped3A_41 : memref<!tpu.dma_semaphore, #tpu.memory_space<semaphore_mem>>) src(%dma_wait3A_64 : memref<38x128xi32, #tpu.memory_space<hbm>>) dst(%dma_wait3A_61 : memref<38x128xi32, #tpu.memory_space<vmem>>)
      tpu.yield
    }) : () -> ()
    %dma_start3A_26 = arith.constant 0 : i32
    %dma_start3A_27 = arith.constant 0 : i32
    %dma_start3A_28 = tpu.memref_slice %arg6[%dma_start3A_26, %dma_start3A_27] : memref<40x128xi32, #tpu.memory_space<vmem>> -> memref<1x128xi32, #tpu.memory_space<vmem>>
    %dma_start3A_29 = tpu.memref_squeeze %dma_start3A_28 : memref<1x128xi32, #tpu.memory_space<vmem>> -> memref<128xi32, #tpu.memory_space<vmem>>
    %dma_start3A_30 = arith.constant 0 : i32
    %dma_start3A_31 = arith.constant 0 : i32
    %dma_start3A_32 = tpu.memref_slice %arg2[%dma_start3A_30, %dma_start3A_31] : memref<10000x128xf32, #tpu.memory_space<hbm>> -> memref<10000x128xf32, #tpu.memory_space<hbm>>
    tpu.enqueue_indirect_dma source(%dma_start3A_32 : memref<10000x128xf32, #tpu.memory_space<hbm>>) target(%arg8 : memref<128x128xf32, #tpu.memory_space<vmem>>) offsets(%dma_start3A_29 : memref<128xi32, #tpu.memory_space<vmem>>) semaphore(%arg11 : memref<!tpu.dma_semaphore, #tpu.memory_space<semaphore_mem>>)
    %scan3A_33 = arith.constant 0 : i32
    %scan3A_34 = arith.constant 19 : i32
    %scan3A_35 = arith.addi %scan3A_33, %scan3A_34 : i32
    %scan3A_36 = arith.constant 1 : i32
    scf.for %scan3A_41 = %scan3A_33 to %scan3A_35 step %scan3A_36  : i32 {
      %mul3A_42 = arith.constant 2 : i32
      %mul3A_43 = arith.muli %scan3A_41, %mul3A_42 : i32
      %add3A_44 = arith.constant 0 : i32
      %add3A_45 = arith.addi %add3A_44, %mul3A_43 : i32
      %add3A_46 = arith.constant 1 : i32
      %add3A_47 = arith.addi %add3A_45, %add3A_46 : i32
      %dma_start3A_48 = arith.constant 0 : i32
      %dma_start3A_49 = tpu.memref_slice %arg6[%add3A_47, %dma_start3A_48] : memref<40x128xi32, #tpu.memory_space<vmem>> -> memref<1x128xi32, #tpu.memory_space<vmem>>
      %dma_start3A_50 = tpu.memref_squeeze %dma_start3A_49 : memref<1x128xi32, #tpu.memory_space<vmem>> -> memref<128xi32, #tpu.memory_space<vmem>>
      %dma_start3A_51 = arith.constant 0 : i32
      %dma_start3A_52 = arith.constant 0 : i32
      %dma_start3A_53 = tpu.memref_slice %arg2[%dma_start3A_51, %dma_start3A_52] : memref<10000x128xf32, #tpu.memory_space<hbm>> -> memref<10000x128xf32, #tpu.memory_space<hbm>>
      tpu.enqueue_indirect_dma source(%dma_start3A_53 : memref<10000x128xf32, #tpu.memory_space<hbm>>) target(%arg9 : memref<128x128xf32, #tpu.memory_space<vmem>>) offsets(%dma_start3A_50 : memref<128xi32, #tpu.memory_space<vmem>>) semaphore(%arg12 : memref<!tpu.dma_semaphore, #tpu.memory_space<semaphore_mem>>)
      %dma_wait3A = arith.constant 0 : i32
      %dma_wait3A_54 = arith.constant 0 : i32
      %dma_wait3A_55 = tpu.memref_slice %arg2[%dma_wait3A, %dma_wait3A_54] : memref<10000x128xf32, #tpu.memory_space<hbm>> -> memref<128x128xf32, #tpu.memory_space<hbm>>
      %dma_wait3A_56 = arith.constant 0 : i32
      %dma_wait3A_57 = arith.constant 0 : i32
      %dma_wait3A_58 = tpu.memref_slice %arg2[%dma_wait3A_56, %dma_wait3A_57] : memref<10000x128xf32, #tpu.memory_space<hbm>> -> memref<128x128xf32, #tpu.memory_space<hbm>>
      tpu.wait_dma2 semaphore(%arg11 : memref<!tpu.dma_semaphore, #tpu.memory_space<semaphore_mem>>) src(%dma_wait3A_58 : memref<128x128xf32, #tpu.memory_space<hbm>>) dst(%arg8 : memref<128x128xf32, #tpu.memory_space<vmem>>)
      "tpu.region"() ({
        %run_scoped3A_74 = tpu.sem_alloc : memref<!tpu.dma_semaphore, #tpu.memory_space<semaphore_mem>>
        %dma_start3A_75 = arith.constant 0 : i32
        %dma_start3A_76 = tpu.memref_slice %arg7[%add3A_45, %dma_start3A_75] : memref<40x128xi32, #tpu.memory_space<vmem>> -> memref<1x128xi32, #tpu.memory_space<vmem>>
        %dma_start3A_77 = tpu.memref_squeeze %dma_start3A_76 : memref<1x128xi32, #tpu.memory_space<vmem>> -> memref<128xi32, #tpu.memory_space<vmem>>
        %dma_start3A_78 = arith.constant 0 : i32
        %dma_start3A_79 = arith.constant 0 : i32
        %dma_start3A_80 = tpu.memref_slice %arg10[%dma_start3A_78, %dma_start3A_79] : memref<10240x128xf32, #tpu.memory_space<vmem_shared>> -> memref<10240x128xf32, #tpu.memory_space<vmem_shared>>
        tpu.enqueue_indirect_dma source(%arg8 : memref<128x128xf32, #tpu.memory_space<vmem>>) target(%dma_start3A_80 : memref<10240x128xf32, #tpu.memory_space<vmem_shared>>) offsets(%dma_start3A_77 : memref<128xi32, #tpu.memory_space<vmem>>) semaphore(%run_scoped3A_74 : memref<!tpu.dma_semaphore, #tpu.memory_space<semaphore_mem>>) {add = true}
        %dma_wait3A_81 = arith.constant 0 : i32
        %dma_wait3A_82 = tpu.memref_slice %arg7[%add3A_45, %dma_wait3A_81] : memref<40x128xi32, #tpu.memory_space<vmem>> -> memref<1x128xi32, #tpu.memory_space<vmem>>
        %dma_wait3A_83 = tpu.memref_squeeze %dma_wait3A_82 : memref<1x128xi32, #tpu.memory_space<vmem>> -> memref<128xi32, #tpu.memory_space<vmem>>
        %dma_wait3A_84 = arith.constant 0 : i32
        %dma_wait3A_85 = arith.constant 0 : i32
        %dma_wait3A_86 = tpu.memref_slice %arg10[%dma_wait3A_84, %dma_wait3A_85] : memref<10240x128xf32, #tpu.memory_space<vmem_shared>> -> memref<10240x128xf32, #tpu.memory_space<vmem_shared>>
        tpu.wait_indirect_dma semaphore(%run_scoped3A_74 : memref<!tpu.dma_semaphore, #tpu.memory_space<semaphore_mem>>) src(%arg8 : memref<128x128xf32, #tpu.memory_space<vmem>>) dst(%dma_wait3A_86 : memref<10240x128xf32, #tpu.memory_space<vmem_shared>>)
        tpu.yield
      }) : () -> ()
      %add3A_59 = arith.constant 2 : i32
      %add3A_60 = arith.addi %add3A_45, %add3A_59 : i32
      %lt3A_61 = arith.constant 38 : i32
      %lt3A_62 = arith.cmpi slt, %add3A_60, %lt3A_61 : i32
      %convert_element_type3A_63 = arith.extui %lt3A_62 : i1 to i32
      %cond3A_64 = arith.constant 0 : i32
      %cond3A_65 = arith.cmpi ne, %convert_element_type3A_63, %cond3A_64 : i32
      scf.if %cond3A_65 {
        %add3A_74 = arith.constant 2 : i32
        %add3A_75 = arith.addi %add3A_45, %add3A_74 : i32
        %dma_start3A_76 = arith.constant 0 : i32
        %dma_start3A_77 = tpu.memref_slice %arg6[%add3A_75, %dma_start3A_76] : memref<40x128xi32, #tpu.memory_space<vmem>> -> memref<1x128xi32, #tpu.memory_space<vmem>>
        %dma_start3A_78 = tpu.memref_squeeze %dma_start3A_77 : memref<1x128xi32, #tpu.memory_space<vmem>> -> memref<128xi32, #tpu.memory_space<vmem>>
        %dma_start3A_79 = arith.constant 0 : i32
        %dma_start3A_80 = arith.constant 0 : i32
        %dma_start3A_81 = tpu.memref_slice %arg2[%dma_start3A_79, %dma_start3A_80] : memref<10000x128xf32, #tpu.memory_space<hbm>> -> memref<10000x128xf32, #tpu.memory_space<hbm>>
        tpu.enqueue_indirect_dma source(%dma_start3A_81 : memref<10000x128xf32, #tpu.memory_space<hbm>>) target(%arg8 : memref<128x128xf32, #tpu.memory_space<vmem>>) offsets(%dma_start3A_78 : memref<128xi32, #tpu.memory_space<vmem>>) semaphore(%arg11 : memref<!tpu.dma_semaphore, #tpu.memory_space<semaphore_mem>>)
      } else {
      }
      %dma_wait3A_66 = arith.constant 0 : i32
      %dma_wait3A_67 = arith.constant 0 : i32
      %dma_wait3A_68 = tpu.memref_slice %arg2[%dma_wait3A_66, %dma_wait3A_67] : memref<10000x128xf32, #tpu.memory_space<hbm>> -> memref<128x128xf32, #tpu.memory_space<hbm>>
      %dma_wait3A_69 = arith.constant 0 : i32
      %dma_wait3A_70 = arith.constant 0 : i32
      %dma_wait3A_71 = tpu.memref_slice %arg2[%dma_wait3A_69, %dma_wait3A_70] : memref<10000x128xf32, #tpu.memory_space<hbm>> -> memref<128x128xf32, #tpu.memory_space<hbm>>
      tpu.wait_dma2 semaphore(%arg12 : memref<!tpu.dma_semaphore, #tpu.memory_space<semaphore_mem>>) src(%dma_wait3A_71 : memref<128x128xf32, #tpu.memory_space<hbm>>) dst(%arg9 : memref<128x128xf32, #tpu.memory_space<vmem>>)
      %add3A_72 = arith.constant 1 : i32
      %add3A_73 = arith.addi %add3A_45, %add3A_72 : i32
      "tpu.region"() ({
        %run_scoped3A_74 = tpu.sem_alloc : memref<!tpu.dma_semaphore, #tpu.memory_space<semaphore_mem>>
        %dma_start3A_75 = arith.constant 0 : i32
        %dma_start3A_76 = tpu.memref_slice %arg7[%add3A_73, %dma_start3A_75] : memref<40x128xi32, #tpu.memory_space<vmem>> -> memref<1x128xi32, #tpu.memory_space<vmem>>
        %dma_start3A_77 = tpu.memref_squeeze %dma_start3A_76 : memref<1x128xi32, #tpu.memory_space<vmem>> -> memref<128xi32, #tpu.memory_space<vmem>>
        %dma_start3A_78 = arith.constant 0 : i32
        %dma_start3A_79 = arith.constant 0 : i32
        %dma_start3A_80 = tpu.memref_slice %arg10[%dma_start3A_78, %dma_start3A_79] : memref<10240x128xf32, #tpu.memory_space<vmem_shared>> -> memref<10240x128xf32, #tpu.memory_space<vmem_shared>>
        tpu.enqueue_indirect_dma source(%arg9 : memref<128x128xf32, #tpu.memory_space<vmem>>) target(%dma_start3A_80 : memref<10240x128xf32, #tpu.memory_space<vmem_shared>>) offsets(%dma_start3A_77 : memref<128xi32, #tpu.memory_space<vmem>>) semaphore(%run_scoped3A_74 : memref<!tpu.dma_semaphore, #tpu.memory_space<semaphore_mem>>) {add = true}
        %dma_wait3A_81 = arith.constant 0 : i32
        %dma_wait3A_82 = tpu.memref_slice %arg7[%add3A_73, %dma_wait3A_81] : memref<40x128xi32, #tpu.memory_space<vmem>> -> memref<1x128xi32, #tpu.memory_space<vmem>>
        %dma_wait3A_83 = tpu.memref_squeeze %dma_wait3A_82 : memref<1x128xi32, #tpu.memory_space<vmem>> -> memref<128xi32, #tpu.memory_space<vmem>>
        %dma_wait3A_84 = arith.constant 0 : i32
        %dma_wait3A_85 = arith.constant 0 : i32
        %dma_wait3A_86 = tpu.memref_slice %arg10[%dma_wait3A_84, %dma_wait3A_85] : memref<10240x128xf32, #tpu.memory_space<vmem_shared>> -> memref<10240x128xf32, #tpu.memory_space<vmem_shared>>
        tpu.wait_indirect_dma semaphore(%run_scoped3A_74 : memref<!tpu.dma_semaphore, #tpu.memory_space<semaphore_mem>>) src(%arg9 : memref<128x128xf32, #tpu.memory_space<vmem>>) dst(%dma_wait3A_86 : memref<10240x128xf32, #tpu.memory_space<vmem_shared>>)
        tpu.yield
      }) : () -> ()
    }
    %scan3A_37 = arith.constant 19 : i32
    %lt3A = arith.constant 4 : i32
    %lt3A_38 = arith.cmpi slt, %add3A, %lt3A : i32
    %convert_element_type3A = arith.extui %lt3A_38 : i1 to i32
    %cond3A = arith.constant 0 : i32
    %cond3A_39 = arith.cmpi ne, %convert_element_type3A, %cond3A : i32
    scf.if %cond3A_39 {
      %add3A_41 = arith.constant 2496 : i32
      %add3A_42 = arith.addi %add3A_41, %add3A : i32
      %run_scoped3A_43 = arith.constant 1 : i32
      %run_scoped3A_44 = arith.constant 0 : i32
      "tpu.region"() ({
        %run_scoped3A_61 = tpu.sem_alloc : memref<!tpu.dma_semaphore, #tpu.memory_space<semaphore_mem>>
        %dma_start3A_62 = arith.constant 0 : i32
        %dma_start3A_63 = tpu.memref_slice %arg6[%run_scoped3A_44, %dma_start3A_62] : memref<40x128xi32, #tpu.memory_space<vmem>> -> memref<1x128xi32, #tpu.memory_space<vmem>>
        %dma_start3A_64 = tpu.memref_squeeze %dma_start3A_63 : memref<1x128xi32, #tpu.memory_space<vmem>> -> memref<128xi32, #tpu.memory_space<vmem>>
        %dma_start3A_65 = arith.constant 0 : i32
        %dma_start3A_66 = tpu.memref_slice %arg3[%run_scoped3A_43, %add3A_42, %dma_start3A_65] : memref<2x2500x128xi32, #tpu.memory_space<hbm>> -> memref<1x1x128xi32, #tpu.memory_space<hbm>>
        %dma_start3A_67 = tpu.memref_squeeze %dma_start3A_66 : memref<1x1x128xi32, #tpu.memory_space<hbm>> -> memref<128xi32, #tpu.memory_space<hbm>>
        %dma_start3A_68 = arith.constant 0 : i32
        %dma_start3A_69 = tpu.memref_slice %arg6[%run_scoped3A_44, %dma_start3A_68] : memref<40x128xi32, #tpu.memory_space<vmem>> -> memref<1x128xi32, #tpu.memory_space<vmem>>
        %dma_start3A_70 = tpu.memref_squeeze %dma_start3A_69 : memref<1x128xi32, #tpu.memory_space<vmem>> -> memref<128xi32, #tpu.memory_space<vmem>>
        %dma_start3A_71 = arith.constant 0 : i32
        %dma_start3A_72 = tpu.memref_slice %arg3[%run_scoped3A_43, %add3A_42, %dma_start3A_71] : memref<2x2500x128xi32, #tpu.memory_space<hbm>> -> memref<1x1x128xi32, #tpu.memory_space<hbm>>
        %dma_start3A_73 = tpu.memref_squeeze %dma_start3A_72 : memref<1x1x128xi32, #tpu.memory_space<hbm>> -> memref<128xi32, #tpu.memory_space<hbm>>
        tpu.enqueue_dma source(%dma_start3A_73 : memref<128xi32, #tpu.memory_space<hbm>>) target(%dma_start3A_70 : memref<128xi32, #tpu.memory_space<vmem>>) target_semaphore(%run_scoped3A_61 : memref<!tpu.dma_semaphore, #tpu.memory_space<semaphore_mem>>)
        %dma_wait3A_74 = arith.constant 0 : i32
        %dma_wait3A_75 = tpu.memref_slice %arg6[%run_scoped3A_44, %dma_wait3A_74] : memref<40x128xi32, #tpu.memory_space<vmem>> -> memref<1x128xi32, #tpu.memory_space<vmem>>
        %dma_wait3A_76 = tpu.memref_squeeze %dma_wait3A_75 : memref<1x128xi32, #tpu.memory_space<vmem>> -> memref<128xi32, #tpu.memory_space<vmem>>
        %dma_wait3A_77 = arith.constant 0 : i32
        %dma_wait3A_78 = tpu.memref_slice %arg3[%run_scoped3A_43, %add3A_42, %dma_wait3A_77] : memref<2x2500x128xi32, #tpu.memory_space<hbm>> -> memref<1x1x128xi32, #tpu.memory_space<hbm>>
        %dma_wait3A_79 = tpu.memref_squeeze %dma_wait3A_78 : memref<1x1x128xi32, #tpu.memory_space<hbm>> -> memref<128xi32, #tpu.memory_space<hbm>>
        %dma_wait3A_80 = arith.constant 0 : i32
        %dma_wait3A_81 = tpu.memref_slice %arg6[%run_scoped3A_44, %dma_wait3A_80] : memref<40x128xi32, #tpu.memory_space<vmem>> -> memref<1x128xi32, #tpu.memory_space<vmem>>
        %dma_wait3A_82 = tpu.memref_squeeze %dma_wait3A_81 : memref<1x128xi32, #tpu.memory_space<vmem>> -> memref<128xi32, #tpu.memory_space<vmem>>
        %dma_wait3A_83 = arith.constant 0 : i32
        %dma_wait3A_84 = tpu.memref_slice %arg3[%run_scoped3A_43, %add3A_42, %dma_wait3A_83] : memref<2x2500x128xi32, #tpu.memory_space<hbm>> -> memref<1x1x128xi32, #tpu.memory_space<hbm>>
        %dma_wait3A_85 = tpu.memref_squeeze %dma_wait3A_84 : memref<1x1x128xi32, #tpu.memory_space<hbm>> -> memref<128xi32, #tpu.memory_space<hbm>>
        tpu.wait_dma2 semaphore(%run_scoped3A_61 : memref<!tpu.dma_semaphore, #tpu.memory_space<semaphore_mem>>) src(%dma_wait3A_85 : memref<128xi32, #tpu.memory_space<hbm>>) dst(%dma_wait3A_82 : memref<128xi32, #tpu.memory_space<vmem>>)
        tpu.yield
      }) : () -> ()
      %run_scoped3A_45 = arith.constant 0 : i32
      %run_scoped3A_46 = arith.constant 0 : i32
      "tpu.region"() ({
        %run_scoped3A_61 = tpu.sem_alloc : memref<!tpu.dma_semaphore, #tpu.memory_space<semaphore_mem>>
        %dma_start3A_62 = arith.constant 0 : i32
        %dma_start3A_63 = tpu.memref_slice %arg7[%run_scoped3A_46, %dma_start3A_62] : memref<40x128xi32, #tpu.memory_space<vmem>> -> memref<1x128xi32, #tpu.memory_space<vmem>>
        %dma_start3A_64 = tpu.memref_squeeze %dma_start3A_63 : memref<1x128xi32, #tpu.memory_space<vmem>> -> memref<128xi32, #tpu.memory_space<vmem>>
        %dma_start3A_65 = arith.constant 0 : i32
        %dma_start3A_66 = tpu.memref_slice %arg3[%run_scoped3A_45, %add3A_42, %dma_start3A_65] : memref<2x2500x128xi32, #tpu.memory_space<hbm>> -> memref<1x1x128xi32, #tpu.memory_space<hbm>>
        %dma_start3A_67 = tpu.memref_squeeze %dma_start3A_66 : memref<1x1x128xi32, #tpu.memory_space<hbm>> -> memref<128xi32, #tpu.memory_space<hbm>>
        %dma_start3A_68 = arith.constant 0 : i32
        %dma_start3A_69 = tpu.memref_slice %arg7[%run_scoped3A_46, %dma_start3A_68] : memref<40x128xi32, #tpu.memory_space<vmem>> -> memref<1x128xi32, #tpu.memory_space<vmem>>
        %dma_start3A_70 = tpu.memref_squeeze %dma_start3A_69 : memref<1x128xi32, #tpu.memory_space<vmem>> -> memref<128xi32, #tpu.memory_space<vmem>>
        %dma_start3A_71 = arith.constant 0 : i32
        %dma_start3A_72 = tpu.memref_slice %arg3[%run_scoped3A_45, %add3A_42, %dma_start3A_71] : memref<2x2500x128xi32, #tpu.memory_space<hbm>> -> memref<1x1x128xi32, #tpu.memory_space<hbm>>
        %dma_start3A_73 = tpu.memref_squeeze %dma_start3A_72 : memref<1x1x128xi32, #tpu.memory_space<hbm>> -> memref<128xi32, #tpu.memory_space<hbm>>
        tpu.enqueue_dma source(%dma_start3A_73 : memref<128xi32, #tpu.memory_space<hbm>>) target(%dma_start3A_70 : memref<128xi32, #tpu.memory_space<vmem>>) target_semaphore(%run_scoped3A_61 : memref<!tpu.dma_semaphore, #tpu.memory_space<semaphore_mem>>)
        %dma_wait3A_74 = arith.constant 0 : i32
        %dma_wait3A_75 = tpu.memref_slice %arg7[%run_scoped3A_46, %dma_wait3A_74] : memref<40x128xi32, #tpu.memory_space<vmem>> -> memref<1x128xi32, #tpu.memory_space<vmem>>
        %dma_wait3A_76 = tpu.memref_squeeze %dma_wait3A_75 : memref<1x128xi32, #tpu.memory_space<vmem>> -> memref<128xi32, #tpu.memory_space<vmem>>
        %dma_wait3A_77 = arith.constant 0 : i32
        %dma_wait3A_78 = tpu.memref_slice %arg3[%run_scoped3A_45, %add3A_42, %dma_wait3A_77] : memref<2x2500x128xi32, #tpu.memory_space<hbm>> -> memref<1x1x128xi32, #tpu.memory_space<hbm>>
        %dma_wait3A_79 = tpu.memref_squeeze %dma_wait3A_78 : memref<1x1x128xi32, #tpu.memory_space<hbm>> -> memref<128xi32, #tpu.memory_space<hbm>>
        %dma_wait3A_80 = arith.constant 0 : i32
        %dma_wait3A_81 = tpu.memref_slice %arg7[%run_scoped3A_46, %dma_wait3A_80] : memref<40x128xi32, #tpu.memory_space<vmem>> -> memref<1x128xi32, #tpu.memory_space<vmem>>
        %dma_wait3A_82 = tpu.memref_squeeze %dma_wait3A_81 : memref<1x128xi32, #tpu.memory_space<vmem>> -> memref<128xi32, #tpu.memory_space<vmem>>
        %dma_wait3A_83 = arith.constant 0 : i32
        %dma_wait3A_84 = tpu.memref_slice %arg3[%run_scoped3A_45, %add3A_42, %dma_wait3A_83] : memref<2x2500x128xi32, #tpu.memory_space<hbm>> -> memref<1x1x128xi32, #tpu.memory_space<hbm>>
        %dma_wait3A_85 = tpu.memref_squeeze %dma_wait3A_84 : memref<1x1x128xi32, #tpu.memory_space<hbm>> -> memref<128xi32, #tpu.memory_space<hbm>>
        tpu.wait_dma2 semaphore(%run_scoped3A_61 : memref<!tpu.dma_semaphore, #tpu.memory_space<semaphore_mem>>) src(%dma_wait3A_85 : memref<128xi32, #tpu.memory_space<hbm>>) dst(%dma_wait3A_82 : memref<128xi32, #tpu.memory_space<vmem>>)
        tpu.yield
      }) : () -> ()
      %dma_start3A_47 = arith.constant 0 : i32
      %dma_start3A_48 = arith.constant 0 : i32
      %dma_start3A_49 = tpu.memref_slice %arg6[%dma_start3A_47, %dma_start3A_48] : memref<40x128xi32, #tpu.memory_space<vmem>> -> memref<1x128xi32, #tpu.memory_space<vmem>>
      %dma_start3A_50 = tpu.memref_squeeze %dma_start3A_49 : memref<1x128xi32, #tpu.memory_space<vmem>> -> memref<128xi32, #tpu.memory_space<vmem>>
      %dma_start3A_51 = arith.constant 0 : i32
      %dma_start3A_52 = arith.constant 0 : i32
      %dma_start3A_53 = tpu.memref_slice %arg2[%dma_start3A_51, %dma_start3A_52] : memref<10000x128xf32, #tpu.memory_space<hbm>> -> memref<10000x128xf32, #tpu.memory_space<hbm>>
      tpu.enqueue_indirect_dma source(%dma_start3A_53 : memref<10000x128xf32, #tpu.memory_space<hbm>>) target(%arg8 : memref<128x128xf32, #tpu.memory_space<vmem>>) offsets(%dma_start3A_50 : memref<128xi32, #tpu.memory_space<vmem>>) semaphore(%arg11 : memref<!tpu.dma_semaphore, #tpu.memory_space<semaphore_mem>>)
      %dma_wait3A = arith.constant 0 : i32
      %dma_wait3A_54 = arith.constant 0 : i32
      %dma_wait3A_55 = tpu.memref_slice %arg6[%dma_wait3A, %dma_wait3A_54] : memref<40x128xi32, #tpu.memory_space<vmem>> -> memref<1x128xi32, #tpu.memory_space<vmem>>
      %dma_wait3A_56 = tpu.memref_squeeze %dma_wait3A_55 : memref<1x128xi32, #tpu.memory_space<vmem>> -> memref<128xi32, #tpu.memory_space<vmem>>
      %dma_wait3A_57 = arith.constant 0 : i32
      %dma_wait3A_58 = arith.constant 0 : i32
      %dma_wait3A_59 = tpu.memref_slice %arg2[%dma_wait3A_57, %dma_wait3A_58] : memref<10000x128xf32, #tpu.memory_space<hbm>> -> memref<10000x128xf32, #tpu.memory_space<hbm>>
      tpu.wait_indirect_dma semaphore(%arg11 : memref<!tpu.dma_semaphore, #tpu.memory_space<semaphore_mem>>) src(%dma_wait3A_59 : memref<10000x128xf32, #tpu.memory_space<hbm>>) dst(%arg8 : memref<128x128xf32, #tpu.memory_space<vmem>>)
      %run_scoped3A_60 = arith.constant 0 : i32
      "tpu.region"() ({
        %run_scoped3A_61 = tpu.sem_alloc : memref<!tpu.dma_semaphore, #tpu.memory_space<semaphore_mem>>
        %dma_start3A_62 = arith.constant 0 : i32
        %dma_start3A_63 = tpu.memref_slice %arg7[%run_scoped3A_60, %dma_start3A_62] : memref<40x128xi32, #tpu.memory_space<vmem>> -> memref<1x128xi32, #tpu.memory_space<vmem>>
        %dma_start3A_64 = tpu.memref_squeeze %dma_start3A_63 : memref<1x128xi32, #tpu.memory_space<vmem>> -> memref<128xi32, #tpu.memory_space<vmem>>
        %dma_start3A_65 = arith.constant 0 : i32
        %dma_start3A_66 = arith.constant 0 : i32
        %dma_start3A_67 = tpu.memref_slice %arg10[%dma_start3A_65, %dma_start3A_66] : memref<10240x128xf32, #tpu.memory_space<vmem_shared>> -> memref<10240x128xf32, #tpu.memory_space<vmem_shared>>
        tpu.enqueue_indirect_dma source(%arg8 : memref<128x128xf32, #tpu.memory_space<vmem>>) target(%dma_start3A_67 : memref<10240x128xf32, #tpu.memory_space<vmem_shared>>) offsets(%dma_start3A_64 : memref<128xi32, #tpu.memory_space<vmem>>) semaphore(%run_scoped3A_61 : memref<!tpu.dma_semaphore, #tpu.memory_space<semaphore_mem>>) {add = true}
        %dma_wait3A_68 = arith.constant 0 : i32
        %dma_wait3A_69 = tpu.memref_slice %arg7[%run_scoped3A_60, %dma_wait3A_68] : memref<40x128xi32, #tpu.memory_space<vmem>> -> memref<1x128xi32, #tpu.memory_space<vmem>>
        %dma_wait3A_70 = tpu.memref_squeeze %dma_wait3A_69 : memref<1x128xi32, #tpu.memory_space<vmem>> -> memref<128xi32, #tpu.memory_space<vmem>>
        %dma_wait3A_71 = arith.constant 0 : i32
        %dma_wait3A_72 = arith.constant 0 : i32
        %dma_wait3A_73 = tpu.memref_slice %arg10[%dma_wait3A_71, %dma_wait3A_72] : memref<10240x128xf32, #tpu.memory_space<vmem_shared>> -> memref<10240x128xf32, #tpu.memory_space<vmem_shared>>
        tpu.wait_indirect_dma semaphore(%run_scoped3A_61 : memref<!tpu.dma_semaphore, #tpu.memory_space<semaphore_mem>>) src(%arg8 : memref<128x128xf32, #tpu.memory_space<vmem>>) dst(%dma_wait3A_73 : memref<10240x128xf32, #tpu.memory_space<vmem_shared>>)
        tpu.yield
      }) : () -> ()
    } else {
    }
    %barrier3A_40 = arith.constant 0 : index
    tpu.barrier barrier_id(%barrier3A_40)
    "tpu.region"() ({
      %run_scoped3A_41 = tpu.sem_alloc : memref<!tpu.dma_semaphore, #tpu.memory_space<semaphore_mem>>
      %dma_start3A_42 = arith.constant 0 : i32
      %dma_start3A_43 = tpu.memref_slice %arg5[%arg0, %mul3A_2, %dma_start3A_42] : memref<2x10240x128xf32, #tpu.memory_space<hbm>> -> memref<1x640x128xf32, #tpu.memory_space<hbm>>
      %dma_start3A_44 = tpu.memref_squeeze %dma_start3A_43 : memref<1x640x128xf32, #tpu.memory_space<hbm>> -> memref<640x128xf32, #tpu.memory_space<hbm>>
      %dma_start3A_45 = arith.constant 0 : i32
      %dma_start3A_46 = tpu.memref_slice %arg10[%mul3A_2, %dma_start3A_45] : memref<10240x128xf32, #tpu.memory_space<vmem_shared>> -> memref<640x128xf32, #tpu.memory_space<vmem_shared>>
      tpu.enqueue_dma source(%dma_start3A_46 : memref<640x128xf32, #tpu.memory_space<vmem_shared>>) target(%dma_start3A_44 : memref<640x128xf32, #tpu.memory_space<hbm>>) target_semaphore(%run_scoped3A_41 : memref<!tpu.dma_semaphore, #tpu.memory_space<semaphore_mem>>)
      %dma_wait3A = arith.constant 0 : i32
      %dma_wait3A_47 = tpu.memref_slice %arg5[%arg0, %mul3A_2, %dma_wait3A] : memref<2x10240x128xf32, #tpu.memory_space<hbm>> -> memref<1x640x128xf32, #tpu.memory_space<hbm>>
      %dma_wait3A_48 = tpu.memref_squeeze %dma_wait3A_47 : memref<1x640x128xf32, #tpu.memory_space<hbm>> -> memref<640x128xf32, #tpu.memory_space<hbm>>
      %dma_wait3A_49 = arith.constant 0 : i32
      %dma_wait3A_50 = tpu.memref_slice %arg10[%mul3A_2, %dma_wait3A_49] : memref<10240x128xf32, #tpu.memory_space<vmem_shared>> -> memref<640x128xf32, #tpu.memory_space<vmem_shared>>
      tpu.wait_dma2 semaphore(%run_scoped3A_41 : memref<!tpu.dma_semaphore, #tpu.memory_space<semaphore_mem>>) src(%dma_wait3A_50 : memref<640x128xf32, #tpu.memory_space<vmem_shared>>) dst(%dma_wait3A_48 : memref<640x128xf32, #tpu.memory_space<hbm>>)
      tpu.yield
    }) : () -> ()
    return
  }
}

#map = affine_map<(d0, d1) -> (0, 0)>
#map1 = affine_map<(d0, d1) -> (0, 0, 0)>
module attributes {stable_mosaic.version = 14 : i64} {
  func.func @_edge_sum_body(%arg0: i32, %arg1: i32, %arg2: memref<320000x16xf32, #tpu.memory_space<hbm>>, %arg3: memref<2x2500x128xi32, #tpu.memory_space<hbm>>, %arg4: memref<128x16xf32, #tpu.memory_space<hbm>>, %arg5: memref<640x16xf32, #tpu.memory_space<hbm>>, %arg6: memref<2x10240x16xf32, #tpu.memory_space<hbm>>, %arg7: memref<2x10240x16xf32, #tpu.memory_space<hbm>>, %arg8: memref<78x128xi32, #tpu.memory_space<vmem>>, %arg9: memref<128x16xf32, #tpu.memory_space<vmem>>, %arg10: memref<128x16xf32, #tpu.memory_space<vmem>>, %arg11: memref<128x16xf32, #tpu.memory_space<vmem>>, %arg12: memref<10240x16xf32, #tpu.memory_space<vmem_shared>>, %arg13: memref<10240x16xf32, #tpu.memory_space<vmem_shared>>, %arg14: memref<!tpu.dma_semaphore, #tpu.memory_space<semaphore_mem>>, %arg15: memref<!tpu.dma_semaphore, #tpu.memory_space<semaphore_mem>>) attributes {dimension_semantics = [#tpu.dimension_semantics<core_parallel>, #tpu.dimension_semantics<subcore_parallel>], iteration_bounds = array<i64: 2, 16>, scalar_prefetch = 0 : i64, scratch_operands = 8 : i64, tpu.core_type = #tpu.core_type<sc_vector_subcore>, window_params = [{transform_indices = #map}, {transform_indices = #map1}, {transform_indices = #map}, {transform_indices = #map}, {transform_indices = #map1}, {transform_indices = #map1}]} {
    %mul3A = arith.constant 16 : i32
    %mul3A_0 = arith.muli %arg0, %mul3A : i32
    %add3A = arith.addi %mul3A_0, %arg1 : i32
    %mul3A_1 = arith.constant 640 : i32
    %mul3A_2 = arith.muli %arg1, %mul3A_1 : i32
    "tpu.region"() ({
      %run_scoped3A_17 = tpu.sem_alloc : memref<!tpu.dma_semaphore, #tpu.memory_space<semaphore_mem>>
      %dma_start3A_18 = arith.constant 0 : i32
      %dma_start3A_19 = tpu.memref_slice %arg12[%mul3A_2, %dma_start3A_18] : memref<10240x16xf32, #tpu.memory_space<vmem_shared>> -> memref<640x16xf32, #tpu.memory_space<vmem_shared>>
      tpu.enqueue_dma source(%arg5 : memref<640x16xf32, #tpu.memory_space<hbm>>) target(%dma_start3A_19 : memref<640x16xf32, #tpu.memory_space<vmem_shared>>) target_semaphore(%run_scoped3A_17 : memref<!tpu.dma_semaphore, #tpu.memory_space<semaphore_mem>>)
      %dma_wait3A = arith.constant 0 : i32
      %dma_wait3A_20 = tpu.memref_slice %arg12[%mul3A_2, %dma_wait3A] : memref<10240x16xf32, #tpu.memory_space<vmem_shared>> -> memref<640x16xf32, #tpu.memory_space<vmem_shared>>
      tpu.wait_dma2 semaphore(%run_scoped3A_17 : memref<!tpu.dma_semaphore, #tpu.memory_space<semaphore_mem>>) src(%arg5 : memref<640x16xf32, #tpu.memory_space<hbm>>) dst(%dma_wait3A_20 : memref<640x16xf32, #tpu.memory_space<vmem_shared>>)
      tpu.yield
    }) : () -> ()
    "tpu.region"() ({
      %run_scoped3A_17 = tpu.sem_alloc : memref<!tpu.dma_semaphore, #tpu.memory_space<semaphore_mem>>
      %dma_start3A_18 = arith.constant 0 : i32
      %dma_start3A_19 = tpu.memref_slice %arg13[%mul3A_2, %dma_start3A_18] : memref<10240x16xf32, #tpu.memory_space<vmem_shared>> -> memref<640x16xf32, #tpu.memory_space<vmem_shared>>
      tpu.enqueue_dma source(%arg5 : memref<640x16xf32, #tpu.memory_space<hbm>>) target(%dma_start3A_19 : memref<640x16xf32, #tpu.memory_space<vmem_shared>>) target_semaphore(%run_scoped3A_17 : memref<!tpu.dma_semaphore, #tpu.memory_space<semaphore_mem>>)
      %dma_wait3A = arith.constant 0 : i32
      %dma_wait3A_20 = tpu.memref_slice %arg13[%mul3A_2, %dma_wait3A] : memref<10240x16xf32, #tpu.memory_space<vmem_shared>> -> memref<640x16xf32, #tpu.memory_space<vmem_shared>>
      tpu.wait_dma2 semaphore(%run_scoped3A_17 : memref<!tpu.dma_semaphore, #tpu.memory_space<semaphore_mem>>) src(%arg5 : memref<640x16xf32, #tpu.memory_space<hbm>>) dst(%dma_wait3A_20 : memref<640x16xf32, #tpu.memory_space<vmem_shared>>)
      tpu.yield
    }) : () -> ()
    "tpu.region"() ({
      %run_scoped3A_17 = tpu.sem_alloc : memref<!tpu.dma_semaphore, #tpu.memory_space<semaphore_mem>>
      tpu.enqueue_dma source(%arg4 : memref<128x16xf32, #tpu.memory_space<hbm>>) target(%arg9 : memref<128x16xf32, #tpu.memory_space<vmem>>) target_semaphore(%run_scoped3A_17 : memref<!tpu.dma_semaphore, #tpu.memory_space<semaphore_mem>>)
      tpu.wait_dma2 semaphore(%run_scoped3A_17 : memref<!tpu.dma_semaphore, #tpu.memory_space<semaphore_mem>>) src(%arg4 : memref<128x16xf32, #tpu.memory_space<hbm>>) dst(%arg9 : memref<128x16xf32, #tpu.memory_space<vmem>>)
      tpu.yield
    }) : () -> ()
    %mul3A_3 = arith.constant 78 : i32
    %mul3A_4 = arith.muli %add3A, %mul3A_3 : i32
    %run_scoped3A = arith.constant 0 : i32
    "tpu.region"() ({
      %run_scoped3A_17 = tpu.sem_alloc : memref<!tpu.dma_semaphore, #tpu.memory_space<semaphore_mem>>
      %dma_start3A_18 = arith.constant 0 : i32
      %dma_start3A_19 = tpu.memref_slice %arg3[%run_scoped3A, %mul3A_4, %dma_start3A_18] : memref<2x2500x128xi32, #tpu.memory_space<hbm>> -> memref<1x78x128xi32, #tpu.memory_space<hbm>>
      %dma_start3A_20 = tpu.memref_squeeze %dma_start3A_19 : memref<1x78x128xi32, #tpu.memory_space<hbm>> -> memref<78x128xi32, #tpu.memory_space<hbm>>
      %dma_start3A_21 = arith.constant 0 : i32
      %dma_start3A_22 = tpu.memref_slice %arg3[%run_scoped3A, %mul3A_4, %dma_start3A_21] : memref<2x2500x128xi32, #tpu.memory_space<hbm>> -> memref<1x78x128xi32, #tpu.memory_space<hbm>>
      %dma_start3A_23 = tpu.memref_squeeze %dma_start3A_22 : memref<1x78x128xi32, #tpu.memory_space<hbm>> -> memref<78x128xi32, #tpu.memory_space<hbm>>
      tpu.enqueue_dma source(%dma_start3A_23 : memref<78x128xi32, #tpu.memory_space<hbm>>) target(%arg8 : memref<78x128xi32, #tpu.memory_space<vmem>>) target_semaphore(%run_scoped3A_17 : memref<!tpu.dma_semaphore, #tpu.memory_space<semaphore_mem>>)
      %dma_wait3A = arith.constant 0 : i32
      %dma_wait3A_24 = tpu.memref_slice %arg3[%run_scoped3A, %mul3A_4, %dma_wait3A] : memref<2x2500x128xi32, #tpu.memory_space<hbm>> -> memref<1x78x128xi32, #tpu.memory_space<hbm>>
      %dma_wait3A_25 = tpu.memref_squeeze %dma_wait3A_24 : memref<1x78x128xi32, #tpu.memory_space<hbm>> -> memref<78x128xi32, #tpu.memory_space<hbm>>
      %dma_wait3A_26 = arith.constant 0 : i32
      %dma_wait3A_27 = tpu.memref_slice %arg3[%run_scoped3A, %mul3A_4, %dma_wait3A_26] : memref<2x2500x128xi32, #tpu.memory_space<hbm>> -> memref<1x78x128xi32, #tpu.memory_space<hbm>>
      %dma_wait3A_28 = tpu.memref_squeeze %dma_wait3A_27 : memref<1x78x128xi32, #tpu.memory_space<hbm>> -> memref<78x128xi32, #tpu.memory_space<hbm>>
      tpu.wait_dma2 semaphore(%run_scoped3A_17 : memref<!tpu.dma_semaphore, #tpu.memory_space<semaphore_mem>>) src(%dma_wait3A_28 : memref<78x128xi32, #tpu.memory_space<hbm>>) dst(%arg8 : memref<78x128xi32, #tpu.memory_space<vmem>>)
      tpu.yield
    }) : () -> ()
    %barrier3A = arith.constant 0 : index
    tpu.barrier barrier_id(%barrier3A)
    %mul3A_5 = arith.constant 128 : i32
    %mul3A_6 = arith.muli %mul3A_4, %mul3A_5 : i32
    %dma_start3A = arith.constant 0 : i32
    %dma_start3A_7 = tpu.memref_slice %arg2[%mul3A_6, %dma_start3A] : memref<320000x16xf32, #tpu.memory_space<hbm>> -> memref<128x16xf32, #tpu.memory_space<hbm>>
    %dma_start3A_8 = arith.constant 0 : i32
    %dma_start3A_9 = tpu.memref_slice %arg2[%mul3A_6, %dma_start3A_8] : memref<320000x16xf32, #tpu.memory_space<hbm>> -> memref<128x16xf32, #tpu.memory_space<hbm>>
    tpu.enqueue_dma source(%dma_start3A_9 : memref<128x16xf32, #tpu.memory_space<hbm>>) target(%arg10 : memref<128x16xf32, #tpu.memory_space<vmem>>) target_semaphore(%arg14 : memref<!tpu.dma_semaphore, #tpu.memory_space<semaphore_mem>>)
    %scan3A = arith.constant 0 : i32
    %scan3A_10 = arith.constant 39 : i32
    %scan3A_11 = arith.addi %scan3A, %scan3A_10 : i32
    %scan3A_12 = arith.constant 1 : i32
    scf.for %scan3A_17 = %scan3A to %scan3A_11 step %scan3A_12  : i32 {
      %mul3A_18 = arith.constant 2 : i32
      %mul3A_19 = arith.muli %scan3A_17, %mul3A_18 : i32
      %add3A_20 = arith.constant 0 : i32
      %add3A_21 = arith.addi %add3A_20, %mul3A_19 : i32
      %add3A_22 = arith.addi %mul3A_4, %add3A_21 : i32
      %add3A_23 = arith.constant 1 : i32
      %add3A_24 = arith.addi %add3A_22, %add3A_23 : i32
      %mul3A_25 = arith.constant 128 : i32
      %mul3A_26 = arith.muli %add3A_24, %mul3A_25 : i32
      %dma_start3A_27 = arith.constant 0 : i32
      %dma_start3A_28 = tpu.memref_slice %arg2[%mul3A_26, %dma_start3A_27] : memref<320000x16xf32, #tpu.memory_space<hbm>> -> memref<128x16xf32, #tpu.memory_space<hbm>>
      %dma_start3A_29 = arith.constant 0 : i32
      %dma_start3A_30 = tpu.memref_slice %arg2[%mul3A_26, %dma_start3A_29] : memref<320000x16xf32, #tpu.memory_space<hbm>> -> memref<128x16xf32, #tpu.memory_space<hbm>>
      tpu.enqueue_dma source(%dma_start3A_30 : memref<128x16xf32, #tpu.memory_space<hbm>>) target(%arg11 : memref<128x16xf32, #tpu.memory_space<vmem>>) target_semaphore(%arg15 : memref<!tpu.dma_semaphore, #tpu.memory_space<semaphore_mem>>)
      %dma_wait3A = arith.constant 0 : i32
      %dma_wait3A_31 = arith.constant 0 : i32
      %dma_wait3A_32 = tpu.memref_slice %arg2[%dma_wait3A, %dma_wait3A_31] : memref<320000x16xf32, #tpu.memory_space<hbm>> -> memref<128x16xf32, #tpu.memory_space<hbm>>
      %dma_wait3A_33 = arith.constant 0 : i32
      %dma_wait3A_34 = arith.constant 0 : i32
      %dma_wait3A_35 = tpu.memref_slice %arg2[%dma_wait3A_33, %dma_wait3A_34] : memref<320000x16xf32, #tpu.memory_space<hbm>> -> memref<128x16xf32, #tpu.memory_space<hbm>>
      tpu.wait_dma2 semaphore(%arg14 : memref<!tpu.dma_semaphore, #tpu.memory_space<semaphore_mem>>) src(%dma_wait3A_35 : memref<128x16xf32, #tpu.memory_space<hbm>>) dst(%arg10 : memref<128x16xf32, #tpu.memory_space<vmem>>)
      "tpu.region"() ({
        %run_scoped3A_51 = tpu.sem_alloc : memref<!tpu.dma_semaphore, #tpu.memory_space<semaphore_mem>>
        %dma_start3A_52 = arith.constant 0 : i32
        %dma_start3A_53 = tpu.memref_slice %arg8[%add3A_21, %dma_start3A_52] : memref<78x128xi32, #tpu.memory_space<vmem>> -> memref<1x128xi32, #tpu.memory_space<vmem>>
        %dma_start3A_54 = tpu.memref_squeeze %dma_start3A_53 : memref<1x128xi32, #tpu.memory_space<vmem>> -> memref<128xi32, #tpu.memory_space<vmem>>
        %dma_start3A_55 = arith.constant 0 : i32
        %dma_start3A_56 = arith.constant 0 : i32
        %dma_start3A_57 = tpu.memref_slice %arg12[%dma_start3A_55, %dma_start3A_56] : memref<10240x16xf32, #tpu.memory_space<vmem_shared>> -> memref<10240x16xf32, #tpu.memory_space<vmem_shared>>
        tpu.enqueue_indirect_dma source(%arg10 : memref<128x16xf32, #tpu.memory_space<vmem>>) target(%dma_start3A_57 : memref<10240x16xf32, #tpu.memory_space<vmem_shared>>) offsets(%dma_start3A_54 : memref<128xi32, #tpu.memory_space<vmem>>) semaphore(%run_scoped3A_51 : memref<!tpu.dma_semaphore, #tpu.memory_space<semaphore_mem>>) {add = true}
        %dma_wait3A_58 = arith.constant 0 : i32
        %dma_wait3A_59 = tpu.memref_slice %arg8[%add3A_21, %dma_wait3A_58] : memref<78x128xi32, #tpu.memory_space<vmem>> -> memref<1x128xi32, #tpu.memory_space<vmem>>
        %dma_wait3A_60 = tpu.memref_squeeze %dma_wait3A_59 : memref<1x128xi32, #tpu.memory_space<vmem>> -> memref<128xi32, #tpu.memory_space<vmem>>
        %dma_wait3A_61 = arith.constant 0 : i32
        %dma_wait3A_62 = arith.constant 0 : i32
        %dma_wait3A_63 = tpu.memref_slice %arg12[%dma_wait3A_61, %dma_wait3A_62] : memref<10240x16xf32, #tpu.memory_space<vmem_shared>> -> memref<10240x16xf32, #tpu.memory_space<vmem_shared>>
        tpu.wait_indirect_dma semaphore(%run_scoped3A_51 : memref<!tpu.dma_semaphore, #tpu.memory_space<semaphore_mem>>) src(%arg10 : memref<128x16xf32, #tpu.memory_space<vmem>>) dst(%dma_wait3A_63 : memref<10240x16xf32, #tpu.memory_space<vmem_shared>>)
        tpu.yield
      }) : () -> ()
      "tpu.region"() ({
        %run_scoped3A_51 = tpu.sem_alloc : memref<!tpu.dma_semaphore, #tpu.memory_space<semaphore_mem>>
        %dma_start3A_52 = arith.constant 0 : i32
        %dma_start3A_53 = tpu.memref_slice %arg8[%add3A_21, %dma_start3A_52] : memref<78x128xi32, #tpu.memory_space<vmem>> -> memref<1x128xi32, #tpu.memory_space<vmem>>
        %dma_start3A_54 = tpu.memref_squeeze %dma_start3A_53 : memref<1x128xi32, #tpu.memory_space<vmem>> -> memref<128xi32, #tpu.memory_space<vmem>>
        %dma_start3A_55 = arith.constant 0 : i32
        %dma_start3A_56 = arith.constant 0 : i32
        %dma_start3A_57 = tpu.memref_slice %arg13[%dma_start3A_55, %dma_start3A_56] : memref<10240x16xf32, #tpu.memory_space<vmem_shared>> -> memref<10240x16xf32, #tpu.memory_space<vmem_shared>>
        tpu.enqueue_indirect_dma source(%arg9 : memref<128x16xf32, #tpu.memory_space<vmem>>) target(%dma_start3A_57 : memref<10240x16xf32, #tpu.memory_space<vmem_shared>>) offsets(%dma_start3A_54 : memref<128xi32, #tpu.memory_space<vmem>>) semaphore(%run_scoped3A_51 : memref<!tpu.dma_semaphore, #tpu.memory_space<semaphore_mem>>) {add = true}
        %dma_wait3A_58 = arith.constant 0 : i32
        %dma_wait3A_59 = tpu.memref_slice %arg8[%add3A_21, %dma_wait3A_58] : memref<78x128xi32, #tpu.memory_space<vmem>> -> memref<1x128xi32, #tpu.memory_space<vmem>>
        %dma_wait3A_60 = tpu.memref_squeeze %dma_wait3A_59 : memref<1x128xi32, #tpu.memory_space<vmem>> -> memref<128xi32, #tpu.memory_space<vmem>>
        %dma_wait3A_61 = arith.constant 0 : i32
        %dma_wait3A_62 = arith.constant 0 : i32
        %dma_wait3A_63 = tpu.memref_slice %arg13[%dma_wait3A_61, %dma_wait3A_62] : memref<10240x16xf32, #tpu.memory_space<vmem_shared>> -> memref<10240x16xf32, #tpu.memory_space<vmem_shared>>
        tpu.wait_indirect_dma semaphore(%run_scoped3A_51 : memref<!tpu.dma_semaphore, #tpu.memory_space<semaphore_mem>>) src(%arg9 : memref<128x16xf32, #tpu.memory_space<vmem>>) dst(%dma_wait3A_63 : memref<10240x16xf32, #tpu.memory_space<vmem_shared>>)
        tpu.yield
      }) : () -> ()
      %add3A_36 = arith.constant 2 : i32
      %add3A_37 = arith.addi %add3A_21, %add3A_36 : i32
      %lt3A_38 = arith.constant 78 : i32
      %lt3A_39 = arith.cmpi slt, %add3A_37, %lt3A_38 : i32
      %convert_element_type3A_40 = arith.extui %lt3A_39 : i1 to i32
      %cond3A_41 = arith.constant 0 : i32
      %cond3A_42 = arith.cmpi ne, %convert_element_type3A_40, %cond3A_41 : i32
      scf.if %cond3A_42 {
        %add3A_51 = arith.addi %mul3A_4, %add3A_21 : i32
        %add3A_52 = arith.constant 2 : i32
        %add3A_53 = arith.addi %add3A_51, %add3A_52 : i32
        %mul3A_54 = arith.constant 128 : i32
        %mul3A_55 = arith.muli %add3A_53, %mul3A_54 : i32
        %dma_start3A_56 = arith.constant 0 : i32
        %dma_start3A_57 = tpu.memref_slice %arg2[%mul3A_55, %dma_start3A_56] : memref<320000x16xf32, #tpu.memory_space<hbm>> -> memref<128x16xf32, #tpu.memory_space<hbm>>
        %dma_start3A_58 = arith.constant 0 : i32
        %dma_start3A_59 = tpu.memref_slice %arg2[%mul3A_55, %dma_start3A_58] : memref<320000x16xf32, #tpu.memory_space<hbm>> -> memref<128x16xf32, #tpu.memory_space<hbm>>
        tpu.enqueue_dma source(%dma_start3A_59 : memref<128x16xf32, #tpu.memory_space<hbm>>) target(%arg10 : memref<128x16xf32, #tpu.memory_space<vmem>>) target_semaphore(%arg14 : memref<!tpu.dma_semaphore, #tpu.memory_space<semaphore_mem>>)
      } else {
      }
      %dma_wait3A_43 = arith.constant 0 : i32
      %dma_wait3A_44 = arith.constant 0 : i32
      %dma_wait3A_45 = tpu.memref_slice %arg2[%dma_wait3A_43, %dma_wait3A_44] : memref<320000x16xf32, #tpu.memory_space<hbm>> -> memref<128x16xf32, #tpu.memory_space<hbm>>
      %dma_wait3A_46 = arith.constant 0 : i32
      %dma_wait3A_47 = arith.constant 0 : i32
      %dma_wait3A_48 = tpu.memref_slice %arg2[%dma_wait3A_46, %dma_wait3A_47] : memref<320000x16xf32, #tpu.memory_space<hbm>> -> memref<128x16xf32, #tpu.memory_space<hbm>>
      tpu.wait_dma2 semaphore(%arg15 : memref<!tpu.dma_semaphore, #tpu.memory_space<semaphore_mem>>) src(%dma_wait3A_48 : memref<128x16xf32, #tpu.memory_space<hbm>>) dst(%arg11 : memref<128x16xf32, #tpu.memory_space<vmem>>)
      %add3A_49 = arith.constant 1 : i32
      %add3A_50 = arith.addi %add3A_21, %add3A_49 : i32
      "tpu.region"() ({
        %run_scoped3A_51 = tpu.sem_alloc : memref<!tpu.dma_semaphore, #tpu.memory_space<semaphore_mem>>
        %dma_start3A_52 = arith.constant 0 : i32
        %dma_start3A_53 = tpu.memref_slice %arg8[%add3A_50, %dma_start3A_52] : memref<78x128xi32, #tpu.memory_space<vmem>> -> memref<1x128xi32, #tpu.memory_space<vmem>>
        %dma_start3A_54 = tpu.memref_squeeze %dma_start3A_53 : memref<1x128xi32, #tpu.memory_space<vmem>> -> memref<128xi32, #tpu.memory_space<vmem>>
        %dma_start3A_55 = arith.constant 0 : i32
        %dma_start3A_56 = arith.constant 0 : i32
        %dma_start3A_57 = tpu.memref_slice %arg12[%dma_start3A_55, %dma_start3A_56] : memref<10240x16xf32, #tpu.memory_space<vmem_shared>> -> memref<10240x16xf32, #tpu.memory_space<vmem_shared>>
        tpu.enqueue_indirect_dma source(%arg11 : memref<128x16xf32, #tpu.memory_space<vmem>>) target(%dma_start3A_57 : memref<10240x16xf32, #tpu.memory_space<vmem_shared>>) offsets(%dma_start3A_54 : memref<128xi32, #tpu.memory_space<vmem>>) semaphore(%run_scoped3A_51 : memref<!tpu.dma_semaphore, #tpu.memory_space<semaphore_mem>>) {add = true}
        %dma_wait3A_58 = arith.constant 0 : i32
        %dma_wait3A_59 = tpu.memref_slice %arg8[%add3A_50, %dma_wait3A_58] : memref<78x128xi32, #tpu.memory_space<vmem>> -> memref<1x128xi32, #tpu.memory_space<vmem>>
        %dma_wait3A_60 = tpu.memref_squeeze %dma_wait3A_59 : memref<1x128xi32, #tpu.memory_space<vmem>> -> memref<128xi32, #tpu.memory_space<vmem>>
        %dma_wait3A_61 = arith.constant 0 : i32
        %dma_wait3A_62 = arith.constant 0 : i32
        %dma_wait3A_63 = tpu.memref_slice %arg12[%dma_wait3A_61, %dma_wait3A_62] : memref<10240x16xf32, #tpu.memory_space<vmem_shared>> -> memref<10240x16xf32, #tpu.memory_space<vmem_shared>>
        tpu.wait_indirect_dma semaphore(%run_scoped3A_51 : memref<!tpu.dma_semaphore, #tpu.memory_space<semaphore_mem>>) src(%arg11 : memref<128x16xf32, #tpu.memory_space<vmem>>) dst(%dma_wait3A_63 : memref<10240x16xf32, #tpu.memory_space<vmem_shared>>)
        tpu.yield
      }) : () -> ()
      "tpu.region"() ({
        %run_scoped3A_51 = tpu.sem_alloc : memref<!tpu.dma_semaphore, #tpu.memory_space<semaphore_mem>>
        %dma_start3A_52 = arith.constant 0 : i32
        %dma_start3A_53 = tpu.memref_slice %arg8[%add3A_50, %dma_start3A_52] : memref<78x128xi32, #tpu.memory_space<vmem>> -> memref<1x128xi32, #tpu.memory_space<vmem>>
        %dma_start3A_54 = tpu.memref_squeeze %dma_start3A_53 : memref<1x128xi32, #tpu.memory_space<vmem>> -> memref<128xi32, #tpu.memory_space<vmem>>
        %dma_start3A_55 = arith.constant 0 : i32
        %dma_start3A_56 = arith.constant 0 : i32
        %dma_start3A_57 = tpu.memref_slice %arg13[%dma_start3A_55, %dma_start3A_56] : memref<10240x16xf32, #tpu.memory_space<vmem_shared>> -> memref<10240x16xf32, #tpu.memory_space<vmem_shared>>
        tpu.enqueue_indirect_dma source(%arg9 : memref<128x16xf32, #tpu.memory_space<vmem>>) target(%dma_start3A_57 : memref<10240x16xf32, #tpu.memory_space<vmem_shared>>) offsets(%dma_start3A_54 : memref<128xi32, #tpu.memory_space<vmem>>) semaphore(%run_scoped3A_51 : memref<!tpu.dma_semaphore, #tpu.memory_space<semaphore_mem>>) {add = true}
        %dma_wait3A_58 = arith.constant 0 : i32
        %dma_wait3A_59 = tpu.memref_slice %arg8[%add3A_50, %dma_wait3A_58] : memref<78x128xi32, #tpu.memory_space<vmem>> -> memref<1x128xi32, #tpu.memory_space<vmem>>
        %dma_wait3A_60 = tpu.memref_squeeze %dma_wait3A_59 : memref<1x128xi32, #tpu.memory_space<vmem>> -> memref<128xi32, #tpu.memory_space<vmem>>
        %dma_wait3A_61 = arith.constant 0 : i32
        %dma_wait3A_62 = arith.constant 0 : i32
        %dma_wait3A_63 = tpu.memref_slice %arg13[%dma_wait3A_61, %dma_wait3A_62] : memref<10240x16xf32, #tpu.memory_space<vmem_shared>> -> memref<10240x16xf32, #tpu.memory_space<vmem_shared>>
        tpu.wait_indirect_dma semaphore(%run_scoped3A_51 : memref<!tpu.dma_semaphore, #tpu.memory_space<semaphore_mem>>) src(%arg9 : memref<128x16xf32, #tpu.memory_space<vmem>>) dst(%dma_wait3A_63 : memref<10240x16xf32, #tpu.memory_space<vmem_shared>>)
        tpu.yield
      }) : () -> ()
    }
    %scan3A_13 = arith.constant 39 : i32
    %lt3A = arith.constant 4 : i32
    %lt3A_14 = arith.cmpi slt, %add3A, %lt3A : i32
    %convert_element_type3A = arith.extui %lt3A_14 : i1 to i32
    %cond3A = arith.constant 0 : i32
    %cond3A_15 = arith.cmpi ne, %convert_element_type3A, %cond3A : i32
    scf.if %cond3A_15 {
      %add3A_17 = arith.constant 2496 : i32
      %add3A_18 = arith.addi %add3A_17, %add3A : i32
      %run_scoped3A_19 = arith.constant 0 : i32
      %run_scoped3A_20 = arith.constant 0 : i32
      "tpu.region"() ({
        %run_scoped3A_32 = tpu.sem_alloc : memref<!tpu.dma_semaphore, #tpu.memory_space<semaphore_mem>>
        %dma_start3A_33 = arith.constant 0 : i32
        %dma_start3A_34 = tpu.memref_slice %arg8[%run_scoped3A_20, %dma_start3A_33] : memref<78x128xi32, #tpu.memory_space<vmem>> -> memref<1x128xi32, #tpu.memory_space<vmem>>
        %dma_start3A_35 = tpu.memref_squeeze %dma_start3A_34 : memref<1x128xi32, #tpu.memory_space<vmem>> -> memref<128xi32, #tpu.memory_space<vmem>>
        %dma_start3A_36 = arith.constant 0 : i32
        %dma_start3A_37 = tpu.memref_slice %arg3[%run_scoped3A_19, %add3A_18, %dma_start3A_36] : memref<2x2500x128xi32, #tpu.memory_space<hbm>> -> memref<1x1x128xi32, #tpu.memory_space<hbm>>
        %dma_start3A_38 = tpu.memref_squeeze %dma_start3A_37 : memref<1x1x128xi32, #tpu.memory_space<hbm>> -> memref<128xi32, #tpu.memory_space<hbm>>
        %dma_start3A_39 = arith.constant 0 : i32
        %dma_start3A_40 = tpu.memref_slice %arg8[%run_scoped3A_20, %dma_start3A_39] : memref<78x128xi32, #tpu.memory_space<vmem>> -> memref<1x128xi32, #tpu.memory_space<vmem>>
        %dma_start3A_41 = tpu.memref_squeeze %dma_start3A_40 : memref<1x128xi32, #tpu.memory_space<vmem>> -> memref<128xi32, #tpu.memory_space<vmem>>
        %dma_start3A_42 = arith.constant 0 : i32
        %dma_start3A_43 = tpu.memref_slice %arg3[%run_scoped3A_19, %add3A_18, %dma_start3A_42] : memref<2x2500x128xi32, #tpu.memory_space<hbm>> -> memref<1x1x128xi32, #tpu.memory_space<hbm>>
        %dma_start3A_44 = tpu.memref_squeeze %dma_start3A_43 : memref<1x1x128xi32, #tpu.memory_space<hbm>> -> memref<128xi32, #tpu.memory_space<hbm>>
        tpu.enqueue_dma source(%dma_start3A_44 : memref<128xi32, #tpu.memory_space<hbm>>) target(%dma_start3A_41 : memref<128xi32, #tpu.memory_space<vmem>>) target_semaphore(%run_scoped3A_32 : memref<!tpu.dma_semaphore, #tpu.memory_space<semaphore_mem>>)
        %dma_wait3A_45 = arith.constant 0 : i32
        %dma_wait3A_46 = tpu.memref_slice %arg8[%run_scoped3A_20, %dma_wait3A_45] : memref<78x128xi32, #tpu.memory_space<vmem>> -> memref<1x128xi32, #tpu.memory_space<vmem>>
        %dma_wait3A_47 = tpu.memref_squeeze %dma_wait3A_46 : memref<1x128xi32, #tpu.memory_space<vmem>> -> memref<128xi32, #tpu.memory_space<vmem>>
        %dma_wait3A_48 = arith.constant 0 : i32
        %dma_wait3A_49 = tpu.memref_slice %arg3[%run_scoped3A_19, %add3A_18, %dma_wait3A_48] : memref<2x2500x128xi32, #tpu.memory_space<hbm>> -> memref<1x1x128xi32, #tpu.memory_space<hbm>>
        %dma_wait3A_50 = tpu.memref_squeeze %dma_wait3A_49 : memref<1x1x128xi32, #tpu.memory_space<hbm>> -> memref<128xi32, #tpu.memory_space<hbm>>
        %dma_wait3A_51 = arith.constant 0 : i32
        %dma_wait3A_52 = tpu.memref_slice %arg8[%run_scoped3A_20, %dma_wait3A_51] : memref<78x128xi32, #tpu.memory_space<vmem>> -> memref<1x128xi32, #tpu.memory_space<vmem>>
        %dma_wait3A_53 = tpu.memref_squeeze %dma_wait3A_52 : memref<1x128xi32, #tpu.memory_space<vmem>> -> memref<128xi32, #tpu.memory_space<vmem>>
        %dma_wait3A_54 = arith.constant 0 : i32
        %dma_wait3A_55 = tpu.memref_slice %arg3[%run_scoped3A_19, %add3A_18, %dma_wait3A_54] : memref<2x2500x128xi32, #tpu.memory_space<hbm>> -> memref<1x1x128xi32, #tpu.memory_space<hbm>>
        %dma_wait3A_56 = tpu.memref_squeeze %dma_wait3A_55 : memref<1x1x128xi32, #tpu.memory_space<hbm>> -> memref<128xi32, #tpu.memory_space<hbm>>
        tpu.wait_dma2 semaphore(%run_scoped3A_32 : memref<!tpu.dma_semaphore, #tpu.memory_space<semaphore_mem>>) src(%dma_wait3A_56 : memref<128xi32, #tpu.memory_space<hbm>>) dst(%dma_wait3A_53 : memref<128xi32, #tpu.memory_space<vmem>>)
        tpu.yield
      }) : () -> ()
      %mul3A_21 = arith.constant 128 : i32
      %mul3A_22 = arith.muli %add3A_18, %mul3A_21 : i32
      %dma_start3A_23 = arith.constant 0 : i32
      %dma_start3A_24 = tpu.memref_slice %arg2[%mul3A_22, %dma_start3A_23] : memref<320000x16xf32, #tpu.memory_space<hbm>> -> memref<128x16xf32, #tpu.memory_space<hbm>>
      %dma_start3A_25 = arith.constant 0 : i32
      %dma_start3A_26 = tpu.memref_slice %arg2[%mul3A_22, %dma_start3A_25] : memref<320000x16xf32, #tpu.memory_space<hbm>> -> memref<128x16xf32, #tpu.memory_space<hbm>>
      tpu.enqueue_dma source(%dma_start3A_26 : memref<128x16xf32, #tpu.memory_space<hbm>>) target(%arg10 : memref<128x16xf32, #tpu.memory_space<vmem>>) target_semaphore(%arg14 : memref<!tpu.dma_semaphore, #tpu.memory_space<semaphore_mem>>)
      %dma_wait3A = arith.constant 0 : i32
      %dma_wait3A_27 = tpu.memref_slice %arg2[%mul3A_22, %dma_wait3A] : memref<320000x16xf32, #tpu.memory_space<hbm>> -> memref<128x16xf32, #tpu.memory_space<hbm>>
      %dma_wait3A_28 = arith.constant 0 : i32
      %dma_wait3A_29 = tpu.memref_slice %arg2[%mul3A_22, %dma_wait3A_28] : memref<320000x16xf32, #tpu.memory_space<hbm>> -> memref<128x16xf32, #tpu.memory_space<hbm>>
      tpu.wait_dma2 semaphore(%arg14 : memref<!tpu.dma_semaphore, #tpu.memory_space<semaphore_mem>>) src(%dma_wait3A_29 : memref<128x16xf32, #tpu.memory_space<hbm>>) dst(%arg10 : memref<128x16xf32, #tpu.memory_space<vmem>>)
      %run_scoped3A_30 = arith.constant 0 : i32
      "tpu.region"() ({
        %run_scoped3A_32 = tpu.sem_alloc : memref<!tpu.dma_semaphore, #tpu.memory_space<semaphore_mem>>
        %dma_start3A_33 = arith.constant 0 : i32
        %dma_start3A_34 = tpu.memref_slice %arg8[%run_scoped3A_30, %dma_start3A_33] : memref<78x128xi32, #tpu.memory_space<vmem>> -> memref<1x128xi32, #tpu.memory_space<vmem>>
        %dma_start3A_35 = tpu.memref_squeeze %dma_start3A_34 : memref<1x128xi32, #tpu.memory_space<vmem>> -> memref<128xi32, #tpu.memory_space<vmem>>
        %dma_start3A_36 = arith.constant 0 : i32
        %dma_start3A_37 = arith.constant 0 : i32
        %dma_start3A_38 = tpu.memref_slice %arg12[%dma_start3A_36, %dma_start3A_37] : memref<10240x16xf32, #tpu.memory_space<vmem_shared>> -> memref<10240x16xf32, #tpu.memory_space<vmem_shared>>
        tpu.enqueue_indirect_dma source(%arg10 : memref<128x16xf32, #tpu.memory_space<vmem>>) target(%dma_start3A_38 : memref<10240x16xf32, #tpu.memory_space<vmem_shared>>) offsets(%dma_start3A_35 : memref<128xi32, #tpu.memory_space<vmem>>) semaphore(%run_scoped3A_32 : memref<!tpu.dma_semaphore, #tpu.memory_space<semaphore_mem>>) {add = true}
        %dma_wait3A_39 = arith.constant 0 : i32
        %dma_wait3A_40 = tpu.memref_slice %arg8[%run_scoped3A_30, %dma_wait3A_39] : memref<78x128xi32, #tpu.memory_space<vmem>> -> memref<1x128xi32, #tpu.memory_space<vmem>>
        %dma_wait3A_41 = tpu.memref_squeeze %dma_wait3A_40 : memref<1x128xi32, #tpu.memory_space<vmem>> -> memref<128xi32, #tpu.memory_space<vmem>>
        %dma_wait3A_42 = arith.constant 0 : i32
        %dma_wait3A_43 = arith.constant 0 : i32
        %dma_wait3A_44 = tpu.memref_slice %arg12[%dma_wait3A_42, %dma_wait3A_43] : memref<10240x16xf32, #tpu.memory_space<vmem_shared>> -> memref<10240x16xf32, #tpu.memory_space<vmem_shared>>
        tpu.wait_indirect_dma semaphore(%run_scoped3A_32 : memref<!tpu.dma_semaphore, #tpu.memory_space<semaphore_mem>>) src(%arg10 : memref<128x16xf32, #tpu.memory_space<vmem>>) dst(%dma_wait3A_44 : memref<10240x16xf32, #tpu.memory_space<vmem_shared>>)
        tpu.yield
      }) : () -> ()
      %run_scoped3A_31 = arith.constant 0 : i32
      "tpu.region"() ({
        %run_scoped3A_32 = tpu.sem_alloc : memref<!tpu.dma_semaphore, #tpu.memory_space<semaphore_mem>>
        %dma_start3A_33 = arith.constant 0 : i32
        %dma_start3A_34 = tpu.memref_slice %arg8[%run_scoped3A_31, %dma_start3A_33] : memref<78x128xi32, #tpu.memory_space<vmem>> -> memref<1x128xi32, #tpu.memory_space<vmem>>
        %dma_start3A_35 = tpu.memref_squeeze %dma_start3A_34 : memref<1x128xi32, #tpu.memory_space<vmem>> -> memref<128xi32, #tpu.memory_space<vmem>>
        %dma_start3A_36 = arith.constant 0 : i32
        %dma_start3A_37 = arith.constant 0 : i32
        %dma_start3A_38 = tpu.memref_slice %arg13[%dma_start3A_36, %dma_start3A_37] : memref<10240x16xf32, #tpu.memory_space<vmem_shared>> -> memref<10240x16xf32, #tpu.memory_space<vmem_shared>>
        tpu.enqueue_indirect_dma source(%arg9 : memref<128x16xf32, #tpu.memory_space<vmem>>) target(%dma_start3A_38 : memref<10240x16xf32, #tpu.memory_space<vmem_shared>>) offsets(%dma_start3A_35 : memref<128xi32, #tpu.memory_space<vmem>>) semaphore(%run_scoped3A_32 : memref<!tpu.dma_semaphore, #tpu.memory_space<semaphore_mem>>) {add = true}
        %dma_wait3A_39 = arith.constant 0 : i32
        %dma_wait3A_40 = tpu.memref_slice %arg8[%run_scoped3A_31, %dma_wait3A_39] : memref<78x128xi32, #tpu.memory_space<vmem>> -> memref<1x128xi32, #tpu.memory_space<vmem>>
        %dma_wait3A_41 = tpu.memref_squeeze %dma_wait3A_40 : memref<1x128xi32, #tpu.memory_space<vmem>> -> memref<128xi32, #tpu.memory_space<vmem>>
        %dma_wait3A_42 = arith.constant 0 : i32
        %dma_wait3A_43 = arith.constant 0 : i32
        %dma_wait3A_44 = tpu.memref_slice %arg13[%dma_wait3A_42, %dma_wait3A_43] : memref<10240x16xf32, #tpu.memory_space<vmem_shared>> -> memref<10240x16xf32, #tpu.memory_space<vmem_shared>>
        tpu.wait_indirect_dma semaphore(%run_scoped3A_32 : memref<!tpu.dma_semaphore, #tpu.memory_space<semaphore_mem>>) src(%arg9 : memref<128x16xf32, #tpu.memory_space<vmem>>) dst(%dma_wait3A_44 : memref<10240x16xf32, #tpu.memory_space<vmem_shared>>)
        tpu.yield
      }) : () -> ()
    } else {
    }
    %barrier3A_16 = arith.constant 0 : index
    tpu.barrier barrier_id(%barrier3A_16)
    "tpu.region"() ({
      %run_scoped3A_17 = tpu.sem_alloc : memref<!tpu.dma_semaphore, #tpu.memory_space<semaphore_mem>>
      %dma_start3A_18 = arith.constant 0 : i32
      %dma_start3A_19 = tpu.memref_slice %arg6[%arg0, %mul3A_2, %dma_start3A_18] : memref<2x10240x16xf32, #tpu.memory_space<hbm>> -> memref<1x640x16xf32, #tpu.memory_space<hbm>>
      %dma_start3A_20 = tpu.memref_squeeze %dma_start3A_19 : memref<1x640x16xf32, #tpu.memory_space<hbm>> -> memref<640x16xf32, #tpu.memory_space<hbm>>
      %dma_start3A_21 = arith.constant 0 : i32
      %dma_start3A_22 = tpu.memref_slice %arg12[%mul3A_2, %dma_start3A_21] : memref<10240x16xf32, #tpu.memory_space<vmem_shared>> -> memref<640x16xf32, #tpu.memory_space<vmem_shared>>
      tpu.enqueue_dma source(%dma_start3A_22 : memref<640x16xf32, #tpu.memory_space<vmem_shared>>) target(%dma_start3A_20 : memref<640x16xf32, #tpu.memory_space<hbm>>) target_semaphore(%run_scoped3A_17 : memref<!tpu.dma_semaphore, #tpu.memory_space<semaphore_mem>>)
      %dma_wait3A = arith.constant 0 : i32
      %dma_wait3A_23 = tpu.memref_slice %arg6[%arg0, %mul3A_2, %dma_wait3A] : memref<2x10240x16xf32, #tpu.memory_space<hbm>> -> memref<1x640x16xf32, #tpu.memory_space<hbm>>
      %dma_wait3A_24 = tpu.memref_squeeze %dma_wait3A_23 : memref<1x640x16xf32, #tpu.memory_space<hbm>> -> memref<640x16xf32, #tpu.memory_space<hbm>>
      %dma_wait3A_25 = arith.constant 0 : i32
      %dma_wait3A_26 = tpu.memref_slice %arg12[%mul3A_2, %dma_wait3A_25] : memref<10240x16xf32, #tpu.memory_space<vmem_shared>> -> memref<640x16xf32, #tpu.memory_space<vmem_shared>>
      tpu.wait_dma2 semaphore(%run_scoped3A_17 : memref<!tpu.dma_semaphore, #tpu.memory_space<semaphore_mem>>) src(%dma_wait3A_26 : memref<640x16xf32, #tpu.memory_space<vmem_shared>>) dst(%dma_wait3A_24 : memref<640x16xf32, #tpu.memory_space<hbm>>)
      tpu.yield
    }) : () -> ()
    "tpu.region"() ({
      %run_scoped3A_17 = tpu.sem_alloc : memref<!tpu.dma_semaphore, #tpu.memory_space<semaphore_mem>>
      %dma_start3A_18 = arith.constant 0 : i32
      %dma_start3A_19 = tpu.memref_slice %arg7[%arg0, %mul3A_2, %dma_start3A_18] : memref<2x10240x16xf32, #tpu.memory_space<hbm>> -> memref<1x640x16xf32, #tpu.memory_space<hbm>>
      %dma_start3A_20 = tpu.memref_squeeze %dma_start3A_19 : memref<1x640x16xf32, #tpu.memory_space<hbm>> -> memref<640x16xf32, #tpu.memory_space<hbm>>
      %dma_start3A_21 = arith.constant 0 : i32
      %dma_start3A_22 = tpu.memref_slice %arg13[%mul3A_2, %dma_start3A_21] : memref<10240x16xf32, #tpu.memory_space<vmem_shared>> -> memref<640x16xf32, #tpu.memory_space<vmem_shared>>
      tpu.enqueue_dma source(%dma_start3A_22 : memref<640x16xf32, #tpu.memory_space<vmem_shared>>) target(%dma_start3A_20 : memref<640x16xf32, #tpu.memory_space<hbm>>) target_semaphore(%run_scoped3A_17 : memref<!tpu.dma_semaphore, #tpu.memory_space<semaphore_mem>>)
      %dma_wait3A = arith.constant 0 : i32
      %dma_wait3A_23 = tpu.memref_slice %arg7[%arg0, %mul3A_2, %dma_wait3A] : memref<2x10240x16xf32, #tpu.memory_space<hbm>> -> memref<1x640x16xf32, #tpu.memory_space<hbm>>
      %dma_wait3A_24 = tpu.memref_squeeze %dma_wait3A_23 : memref<1x640x16xf32, #tpu.memory_space<hbm>> -> memref<640x16xf32, #tpu.memory_space<hbm>>
      %dma_wait3A_25 = arith.constant 0 : i32
      %dma_wait3A_26 = tpu.memref_slice %arg13[%mul3A_2, %dma_wait3A_25] : memref<10240x16xf32, #tpu.memory_space<vmem_shared>> -> memref<640x16xf32, #tpu.memory_space<vmem_shared>>
      tpu.wait_dma2 semaphore(%run_scoped3A_17 : memref<!tpu.dma_semaphore, #tpu.memory_space<semaphore_mem>>) src(%dma_wait3A_26 : memref<640x16xf32, #tpu.memory_space<vmem_shared>>) dst(%dma_wait3A_24 : memref<640x16xf32, #tpu.memory_space<hbm>>)
      tpu.yield
    }) : () -> ()
    return
  }
}

module attributes {stable_mosaic.version = 14 : i64} {
  func.func @_dense1_body(%arg0: memref<10000x128xf32, #tpu.memory_space<vmem>>, %arg1: memref<128x128xf32, #tpu.memory_space<vmem>>, %arg2: memref<1x128xf32, #tpu.memory_space<vmem>>, %arg3: memref<1x128xf32, #tpu.memory_space<vmem>>, %arg4: memref<1x128xf32, #tpu.memory_space<vmem>>, %arg5: memref<128x128xf32, #tpu.memory_space<vmem>>, %arg6: memref<1x128xf32, #tpu.memory_space<vmem>>, %arg7: memref<1x128xf32, #tpu.memory_space<vmem>>, %arg8: memref<1x128xf32, #tpu.memory_space<vmem>>, %arg9: memref<128x128xf32, #tpu.memory_space<vmem>>, %arg10: memref<1x128xf32, #tpu.memory_space<vmem>>, %arg11: memref<10000x128xf32, #tpu.memory_space<vmem>>, %arg12: memref<10000x128xf32, #tpu.memory_space<vmem>>) attributes {dimension_semantics = [], scalar_prefetch = 0 : i64, scratch_operands = 0 : i64, tpu.core_type = #tpu.core_type<tc>} {
    %get3A = arith.constant 0 : index
    %get3A_0 = arith.constant 0 : index
    %get3A_1 = vector.load %arg0[%get3A, %get3A_0] : memref<10000x128xf32, #tpu.memory_space<vmem>>, vector<10000x128xf32>
    %get3A_2 = arith.constant 0 : index
    %get3A_3 = arith.constant 0 : index
    %get3A_4 = vector.load %arg1[%get3A_2, %get3A_3] : memref<128x128xf32, #tpu.memory_space<vmem>>, vector<128x128xf32>
    %dot_general3A = arith.constant dense<0.000000e+00> : vector<10000x128xf32>
    %dot_general3A_5 = tpu.matmul %get3A_1, %get3A_4, %dot_general3A {dimension_numbers = #tpu.dot_dimension_numbers<[1], [0], [0], [1], [0, 0, 1, 1], [], []>, transpose_lhs_hint = false} : vector<10000x128xf32>, vector<128x128xf32>, vector<10000x128xf32> -> vector<10000x128xf32>
    %get3A_6 = arith.constant 0 : index
    %get3A_7 = arith.constant 0 : index
    %get3A_8 = vector.load %arg2[%get3A_6, %get3A_7] : memref<1x128xf32, #tpu.memory_space<vmem>>, vector<1x128xf32>
    %add3A = vector.broadcast %get3A_8 : vector<1x128xf32> to vector<10000x128xf32>
    %add3A_9 = arith.addf %dot_general3A_5, %add3A : vector<10000x128xf32>
    %get3A_10 = arith.constant 0 : index
    %get3A_11 = arith.constant 0 : index
    %get3A_12 = vector.load %arg3[%get3A_10, %get3A_11] : memref<1x128xf32, #tpu.memory_space<vmem>>, vector<1x128xf32>
    %get3A_13 = arith.constant 0 : index
    %get3A_14 = arith.constant 0 : index
    %get3A_15 = vector.load %arg4[%get3A_13, %get3A_14] : memref<1x128xf32, #tpu.memory_space<vmem>>, vector<1x128xf32>
    %reduce_sum3A = arith.constant dense<0.000000e+00> : vector<128xf32>
    %reduce_sum3A_16 = vector.multi_reduction <add>, %add3A_9, %reduce_sum3A [0] : vector<10000x128xf32> to vector<128xf32>
    %div3A = arith.constant 1.000000e+04 : f32
    %div3A_17 = vector.broadcast %div3A : f32 to vector<128xf32>
    %div3A_18 = arith.divf %reduce_sum3A_16, %div3A_17 : vector<128xf32>
    %jit3A = arith.constant 0 : i32
    %reduce_sum3A_19 = arith.constant dense<0.000000e+00> : vector<128xf32>
    %reduce_sum3A_20 = vector.multi_reduction <add>, %add3A_9, %reduce_sum3A_19 [0] : vector<10000x128xf32> to vector<128xf32>
    %broadcast_in_dim3A = vector.shape_cast %reduce_sum3A_20 : vector<128xf32> to vector<1x128xf32>
    %div3A_21 = arith.constant 1.000000e+04 : f32
    %div3A_22 = vector.broadcast %div3A_21 : f32 to vector<1x128xf32>
    %div3A_23 = arith.divf %broadcast_in_dim3A, %div3A_22 : vector<1x128xf32>
    %sub3A = vector.broadcast %div3A_23 : vector<1x128xf32> to vector<10000x128xf32>
    %sub3A_24 = arith.subf %add3A_9, %sub3A : vector<10000x128xf32>
    %square3A = arith.mulf %sub3A_24, %sub3A_24 : vector<10000x128xf32>
    %convert_element_type3A = arith.sitofp %jit3A : i32 to f32
    %sub3A_25 = arith.constant 1.000000e+04 : f32
    %sub3A_26 = arith.subf %sub3A_25, %convert_element_type3A : f32
    %reduce_sum3A_27 = arith.constant dense<0.000000e+00> : vector<128xf32>
    %reduce_sum3A_28 = vector.multi_reduction <add>, %square3A, %reduce_sum3A_27 [0] : vector<10000x128xf32> to vector<128xf32>
    %div3A_29 = vector.broadcast %sub3A_26 : f32 to vector<128xf32>
    %div3A_30 = arith.divf %reduce_sum3A_28, %div3A_29 : vector<128xf32>
    %gt3A = arith.constant 0.000000e+00 : f32
    %gt3A_31 = arith.cmpf ogt, %sub3A_26, %gt3A : f32
    %jit3A_32 = arith.constant 0x7FC00000 : f32
    %broadcast_in_dim3A_33 = vector.broadcast %jit3A_32 : f32 to vector<128xf32>
    %select_n3A = arith.select %gt3A_31, %div3A_30, %broadcast_in_dim3A_33 : vector<128xf32>
    %broadcast_in_dim3A_34 = vector.shape_cast %div3A_18 : vector<128xf32> to vector<1x128xf32>
    %sub3A_35 = vector.broadcast %broadcast_in_dim3A_34 : vector<1x128xf32> to vector<10000x128xf32>
    %sub3A_36 = arith.subf %add3A_9, %sub3A_35 : vector<10000x128xf32>
    %mul3A = vector.broadcast %get3A_12 : vector<1x128xf32> to vector<10000x128xf32>
    %mul3A_37 = arith.mulf %mul3A, %sub3A_36 : vector<10000x128xf32>
    %add3A_38 = arith.constant 9.99999974E-6 : f32
    %add3A_39 = vector.broadcast %add3A_38 : f32 to vector<128xf32>
    %add3A_40 = arith.addf %select_n3A, %add3A_39 : vector<128xf32>
    %sqrt3A = math.sqrt %add3A_40 : vector<128xf32>
    %broadcast_in_dim3A_41 = vector.shape_cast %sqrt3A : vector<128xf32> to vector<1x128xf32>
    %div3A_42 = vector.broadcast %broadcast_in_dim3A_41 : vector<1x128xf32> to vector<10000x128xf32>
    %div3A_43 = arith.divf %mul3A_37, %div3A_42 : vector<10000x128xf32>
    %add3A_44 = vector.broadcast %get3A_15 : vector<1x128xf32> to vector<10000x128xf32>
    %add3A_45 = arith.addf %div3A_43, %add3A_44 : vector<10000x128xf32>
    %max3A = arith.constant 0.000000e+00 : f32
    %max3A_46 = vector.broadcast %max3A : f32 to vector<10000x128xf32>
    %max3A_47 = arith.maximumf %add3A_45, %max3A_46 : vector<10000x128xf32>
    %get3A_48 = arith.constant 0 : index
    %get3A_49 = arith.constant 0 : index
    %get3A_50 = vector.load %arg9[%get3A_48, %get3A_49] : memref<128x128xf32, #tpu.memory_space<vmem>>, vector<128x128xf32>
    %dot_general3A_51 = arith.constant dense<0.000000e+00> : vector<10000x128xf32>
    %dot_general3A_52 = tpu.matmul %max3A_47, %get3A_50, %dot_general3A_51 {dimension_numbers = #tpu.dot_dimension_numbers<[1], [0], [0], [1], [0, 0, 1, 1], [], []>, transpose_lhs_hint = false} : vector<10000x128xf32>, vector<128x128xf32>, vector<10000x128xf32> -> vector<10000x128xf32>
    %get3A_53 = arith.constant 0 : index
    %get3A_54 = arith.constant 0 : index
    %get3A_55 = vector.load %arg10[%get3A_53, %get3A_54] : memref<1x128xf32, #tpu.memory_space<vmem>>, vector<1x128xf32>
    %add3A_56 = vector.broadcast %get3A_55 : vector<1x128xf32> to vector<10000x128xf32>
    %add3A_57 = arith.addf %dot_general3A_52, %add3A_56 : vector<10000x128xf32>
    %swap3A = arith.constant 0 : index
    %swap3A_58 = arith.constant 0 : index
    %swap3A_59 = vector.load %arg11[%swap3A, %swap3A_58] : memref<10000x128xf32, #tpu.memory_space<vmem>>, vector<10000x128xf32>
    tpu.vector_store %arg11[%swap3A, %swap3A_58], %add3A_57 {strides = array<i32>} : memref<10000x128xf32, #tpu.memory_space<vmem>>, vector<10000x128xf32>,
    %get3A_60 = arith.constant 0 : index
    %get3A_61 = arith.constant 0 : index
    %get3A_62 = vector.load %arg5[%get3A_60, %get3A_61] : memref<128x128xf32, #tpu.memory_space<vmem>>, vector<128x128xf32>
    %dot_general3A_63 = arith.constant dense<0.000000e+00> : vector<10000x128xf32>
    %dot_general3A_64 = tpu.matmul %max3A_47, %get3A_62, %dot_general3A_63 {dimension_numbers = #tpu.dot_dimension_numbers<[1], [0], [0], [1], [0, 0, 1, 1], [], []>, transpose_lhs_hint = false} : vector<10000x128xf32>, vector<128x128xf32>, vector<10000x128xf32> -> vector<10000x128xf32>
    %get3A_65 = arith.constant 0 : index
    %get3A_66 = arith.constant 0 : index
    %get3A_67 = vector.load %arg6[%get3A_65, %get3A_66] : memref<1x128xf32, #tpu.memory_space<vmem>>, vector<1x128xf32>
    %add3A_68 = vector.broadcast %get3A_67 : vector<1x128xf32> to vector<10000x128xf32>
    %add3A_69 = arith.addf %dot_general3A_64, %add3A_68 : vector<10000x128xf32>
    %get3A_70 = arith.constant 0 : index
    %get3A_71 = arith.constant 0 : index
    %get3A_72 = vector.load %arg7[%get3A_70, %get3A_71] : memref<1x128xf32, #tpu.memory_space<vmem>>, vector<1x128xf32>
    %get3A_73 = arith.constant 0 : index
    %get3A_74 = arith.constant 0 : index
    %get3A_75 = vector.load %arg8[%get3A_73, %get3A_74] : memref<1x128xf32, #tpu.memory_space<vmem>>, vector<1x128xf32>
    %reduce_sum3A_76 = arith.constant dense<0.000000e+00> : vector<128xf32>
    %reduce_sum3A_77 = vector.multi_reduction <add>, %add3A_69, %reduce_sum3A_76 [0] : vector<10000x128xf32> to vector<128xf32>
    %div3A_78 = arith.constant 1.000000e+04 : f32
    %div3A_79 = vector.broadcast %div3A_78 : f32 to vector<128xf32>
    %div3A_80 = arith.divf %reduce_sum3A_77, %div3A_79 : vector<128xf32>
    %jit3A_81 = arith.constant 0 : i32
    %reduce_sum3A_82 = arith.constant dense<0.000000e+00> : vector<128xf32>
    %reduce_sum3A_83 = vector.multi_reduction <add>, %add3A_69, %reduce_sum3A_82 [0] : vector<10000x128xf32> to vector<128xf32>
    %broadcast_in_dim3A_84 = vector.shape_cast %reduce_sum3A_83 : vector<128xf32> to vector<1x128xf32>
    %div3A_85 = arith.constant 1.000000e+04 : f32
    %div3A_86 = vector.broadcast %div3A_85 : f32 to vector<1x128xf32>
    %div3A_87 = arith.divf %broadcast_in_dim3A_84, %div3A_86 : vector<1x128xf32>
    %sub3A_88 = vector.broadcast %div3A_87 : vector<1x128xf32> to vector<10000x128xf32>
    %sub3A_89 = arith.subf %add3A_69, %sub3A_88 : vector<10000x128xf32>
    %square3A_90 = arith.mulf %sub3A_89, %sub3A_89 : vector<10000x128xf32>
    %convert_element_type3A_91 = arith.sitofp %jit3A_81 : i32 to f32
    %sub3A_92 = arith.constant 1.000000e+04 : f32
    %sub3A_93 = arith.subf %sub3A_92, %convert_element_type3A_91 : f32
    %reduce_sum3A_94 = arith.constant dense<0.000000e+00> : vector<128xf32>
    %reduce_sum3A_95 = vector.multi_reduction <add>, %square3A_90, %reduce_sum3A_94 [0] : vector<10000x128xf32> to vector<128xf32>
    %div3A_96 = vector.broadcast %sub3A_93 : f32 to vector<128xf32>
    %div3A_97 = arith.divf %reduce_sum3A_95, %div3A_96 : vector<128xf32>
    %gt3A_98 = arith.constant 0.000000e+00 : f32
    %gt3A_99 = arith.cmpf ogt, %sub3A_93, %gt3A_98 : f32
    %jit3A_100 = arith.constant 0x7FC00000 : f32
    %broadcast_in_dim3A_101 = vector.broadcast %jit3A_100 : f32 to vector<128xf32>
    %select_n3A_102 = arith.select %gt3A_99, %div3A_97, %broadcast_in_dim3A_101 : vector<128xf32>
    %broadcast_in_dim3A_103 = vector.shape_cast %div3A_80 : vector<128xf32> to vector<1x128xf32>
    %sub3A_104 = vector.broadcast %broadcast_in_dim3A_103 : vector<1x128xf32> to vector<10000x128xf32>
    %sub3A_105 = arith.subf %add3A_69, %sub3A_104 : vector<10000x128xf32>
    %mul3A_106 = vector.broadcast %get3A_72 : vector<1x128xf32> to vector<10000x128xf32>
    %mul3A_107 = arith.mulf %mul3A_106, %sub3A_105 : vector<10000x128xf32>
    %add3A_108 = arith.constant 9.99999974E-6 : f32
    %add3A_109 = vector.broadcast %add3A_108 : f32 to vector<128xf32>
    %add3A_110 = arith.addf %select_n3A_102, %add3A_109 : vector<128xf32>
    %sqrt3A_111 = math.sqrt %add3A_110 : vector<128xf32>
    %broadcast_in_dim3A_112 = vector.shape_cast %sqrt3A_111 : vector<128xf32> to vector<1x128xf32>
    %div3A_113 = vector.broadcast %broadcast_in_dim3A_112 : vector<1x128xf32> to vector<10000x128xf32>
    %div3A_114 = arith.divf %mul3A_107, %div3A_113 : vector<10000x128xf32>
    %add3A_115 = vector.broadcast %get3A_75 : vector<1x128xf32> to vector<10000x128xf32>
    %add3A_116 = arith.addf %div3A_114, %add3A_115 : vector<10000x128xf32>
    %swap3A_117 = arith.constant 0 : index
    %swap3A_118 = arith.constant 0 : index
    %swap3A_119 = vector.load %arg12[%swap3A_117, %swap3A_118] : memref<10000x128xf32, #tpu.memory_space<vmem>>, vector<10000x128xf32>
    tpu.vector_store %arg12[%swap3A_117, %swap3A_118], %add3A_116 {strides = array<i32>} : memref<10000x128xf32, #tpu.memory_space<vmem>>, vector<10000x128xf32>,
    return
  }
}

module attributes {stable_mosaic.version = 14 : i64} {
  func.func @_mid_a_body(%arg0: memref<10000x128xf32, #tpu.memory_space<vmem>>, %arg1: memref<2x10240x128xf32, #tpu.memory_space<vmem>>, %arg2: memref<2x10240x16xf32, #tpu.memory_space<vmem>>, %arg3: memref<2x10240x16xf32, #tpu.memory_space<vmem>>, %arg4: memref<16x128xf32, #tpu.memory_space<vmem>>, %arg5: memref<1x128xf32, #tpu.memory_space<vmem>>, %arg6: memref<1x128xf32, #tpu.memory_space<vmem>>, %arg7: memref<1x128xf32, #tpu.memory_space<vmem>>, %arg8: memref<1x128xf32, #tpu.memory_space<vmem>>, %arg9: memref<1x128xf32, #tpu.memory_space<vmem>>, %arg10: memref<128x128xf32, #tpu.memory_space<vmem>>, %arg11: memref<1x128xf32, #tpu.memory_space<vmem>>, %arg12: memref<1x128xf32, #tpu.memory_space<vmem>>, %arg13: memref<1x128xf32, #tpu.memory_space<vmem>>, %arg14: memref<16x128xf32, #tpu.memory_space<vmem>>, %arg15: memref<1x128xf32, #tpu.memory_space<vmem>>, %arg16: memref<1x128xf32, #tpu.memory_space<vmem>>, %arg17: memref<1x128xf32, #tpu.memory_space<vmem>>, %arg18: memref<10000x128xf32, #tpu.memory_space<vmem>>, %arg19: memref<10000x128xf32, #tpu.memory_space<vmem>>) attributes {dimension_semantics = [], scalar_prefetch = 0 : i64, scratch_operands = 0 : i64, tpu.core_type = #tpu.core_type<tc>} {
    %get3A = arith.constant 0 : index
    %get3A_0 = arith.constant 0 : index
    %get3A_1 = arith.constant 0 : index
    %get3A_2 = vector.load %arg1[%get3A, %get3A_0, %get3A_1] : memref<2x10240x128xf32, #tpu.memory_space<vmem>>, vector<1x10000x128xf32>
    %get3A_3 = vector.shape_cast %get3A_2 : vector<1x10000x128xf32> to vector<10000x128xf32>
    %get3A_4 = arith.constant 1 : index
    %get3A_5 = arith.constant 0 : index
    %get3A_6 = arith.constant 0 : index
    %get3A_7 = vector.load %arg1[%get3A_4, %get3A_5, %get3A_6] : memref<2x10240x128xf32, #tpu.memory_space<vmem>>, vector<1x10000x128xf32>
    %get3A_8 = vector.shape_cast %get3A_7 : vector<1x10000x128xf32> to vector<10000x128xf32>
    %add3A = arith.addf %get3A_3, %get3A_8 : vector<10000x128xf32>
    %get3A_9 = arith.constant 0 : index
    %get3A_10 = arith.constant 0 : index
    %get3A_11 = vector.load %arg8[%get3A_9, %get3A_10] : memref<1x128xf32, #tpu.memory_space<vmem>>, vector<1x128xf32>
    %get3A_12 = arith.constant 0 : index
    %get3A_13 = arith.constant 0 : index
    %get3A_14 = vector.load %arg9[%get3A_12, %get3A_13] : memref<1x128xf32, #tpu.memory_space<vmem>>, vector<1x128xf32>
    %reduce_sum3A = arith.constant dense<0.000000e+00> : vector<128xf32>
    %reduce_sum3A_15 = vector.multi_reduction <add>, %add3A, %reduce_sum3A [0] : vector<10000x128xf32> to vector<128xf32>
    %div3A = arith.constant 1.000000e+04 : f32
    %div3A_16 = vector.broadcast %div3A : f32 to vector<128xf32>
    %div3A_17 = arith.divf %reduce_sum3A_15, %div3A_16 : vector<128xf32>
    %jit3A = arith.constant 0 : i32
    %reduce_sum3A_18 = arith.constant dense<0.000000e+00> : vector<128xf32>
    %reduce_sum3A_19 = vector.multi_reduction <add>, %add3A, %reduce_sum3A_18 [0] : vector<10000x128xf32> to vector<128xf32>
    %broadcast_in_dim3A = vector.shape_cast %reduce_sum3A_19 : vector<128xf32> to vector<1x128xf32>
    %div3A_20 = arith.constant 1.000000e+04 : f32
    %div3A_21 = vector.broadcast %div3A_20 : f32 to vector<1x128xf32>
    %div3A_22 = arith.divf %broadcast_in_dim3A, %div3A_21 : vector<1x128xf32>
    %sub3A = vector.broadcast %div3A_22 : vector<1x128xf32> to vector<10000x128xf32>
    %sub3A_23 = arith.subf %add3A, %sub3A : vector<10000x128xf32>
    %square3A = arith.mulf %sub3A_23, %sub3A_23 : vector<10000x128xf32>
    %convert_element_type3A = arith.sitofp %jit3A : i32 to f32
    %sub3A_24 = arith.constant 1.000000e+04 : f32
    %sub3A_25 = arith.subf %sub3A_24, %convert_element_type3A : f32
    %reduce_sum3A_26 = arith.constant dense<0.000000e+00> : vector<128xf32>
    %reduce_sum3A_27 = vector.multi_reduction <add>, %square3A, %reduce_sum3A_26 [0] : vector<10000x128xf32> to vector<128xf32>
    %div3A_28 = vector.broadcast %sub3A_25 : f32 to vector<128xf32>
    %div3A_29 = arith.divf %reduce_sum3A_27, %div3A_28 : vector<128xf32>
    %gt3A = arith.constant 0.000000e+00 : f32
    %gt3A_30 = arith.cmpf ogt, %sub3A_25, %gt3A : f32
    %jit3A_31 = arith.constant 0x7FC00000 : f32
    %broadcast_in_dim3A_32 = vector.broadcast %jit3A_31 : f32 to vector<128xf32>
    %select_n3A = arith.select %gt3A_30, %div3A_29, %broadcast_in_dim3A_32 : vector<128xf32>
    %broadcast_in_dim3A_33 = vector.shape_cast %div3A_17 : vector<128xf32> to vector<1x128xf32>
    %sub3A_34 = vector.broadcast %broadcast_in_dim3A_33 : vector<1x128xf32> to vector<10000x128xf32>
    %sub3A_35 = arith.subf %add3A, %sub3A_34 : vector<10000x128xf32>
    %mul3A = vector.broadcast %get3A_11 : vector<1x128xf32> to vector<10000x128xf32>
    %mul3A_36 = arith.mulf %mul3A, %sub3A_35 : vector<10000x128xf32>
    %add3A_37 = arith.constant 9.99999974E-6 : f32
    %add3A_38 = vector.broadcast %add3A_37 : f32 to vector<128xf32>
    %add3A_39 = arith.addf %select_n3A, %add3A_38 : vector<128xf32>
    %sqrt3A = math.sqrt %add3A_39 : vector<128xf32>
    %broadcast_in_dim3A_40 = vector.shape_cast %sqrt3A : vector<128xf32> to vector<1x128xf32>
    %div3A_41 = vector.broadcast %broadcast_in_dim3A_40 : vector<1x128xf32> to vector<10000x128xf32>
    %div3A_42 = arith.divf %mul3A_36, %div3A_41 : vector<10000x128xf32>
    %add3A_43 = vector.broadcast %get3A_14 : vector<1x128xf32> to vector<10000x128xf32>
    %add3A_44 = arith.addf %div3A_42, %add3A_43 : vector<10000x128xf32>
    %get3A_45 = arith.constant 0 : index
    %get3A_46 = arith.constant 0 : index
    %get3A_47 = arith.constant 0 : index
    %get3A_48 = vector.load %arg2[%get3A_45, %get3A_46, %get3A_47] : memref<2x10240x16xf32, #tpu.memory_space<vmem>>, vector<1x10000x16xf32>
    %get3A_49 = vector.shape_cast %get3A_48 : vector<1x10000x16xf32> to vector<10000x16xf32>
    %get3A_50 = arith.constant 1 : index
    %get3A_51 = arith.constant 0 : index
    %get3A_52 = arith.constant 0 : index
    %get3A_53 = vector.load %arg2[%get3A_50, %get3A_51, %get3A_52] : memref<2x10240x16xf32, #tpu.memory_space<vmem>>, vector<1x10000x16xf32>
    %get3A_54 = vector.shape_cast %get3A_53 : vector<1x10000x16xf32> to vector<10000x16xf32>
    %add3A_55 = arith.addf %get3A_49, %get3A_54 : vector<10000x16xf32>
    %get3A_56 = arith.constant 0 : index
    %get3A_57 = arith.constant 0 : index
    %get3A_58 = arith.constant 0 : index
    %get3A_59 = vector.load %arg3[%get3A_56, %get3A_57, %get3A_58] : memref<2x10240x16xf32, #tpu.memory_space<vmem>>, vector<1x10000x1xf32>
    %get3A_60 = vector.shape_cast %get3A_59 : vector<1x10000x1xf32> to vector<10000x1xf32>
    %get3A_61 = arith.constant 1 : index
    %get3A_62 = arith.constant 0 : index
    %get3A_63 = arith.constant 0 : index
    %get3A_64 = vector.load %arg3[%get3A_61, %get3A_62, %get3A_63] : memref<2x10240x16xf32, #tpu.memory_space<vmem>>, vector<1x10000x1xf32>
    %get3A_65 = vector.shape_cast %get3A_64 : vector<1x10000x1xf32> to vector<10000x1xf32>
    %add3A_66 = arith.addf %get3A_60, %get3A_65 : vector<10000x1xf32>
    %get3A_67 = arith.constant 0 : index
    %get3A_68 = arith.constant 0 : index
    %get3A_69 = vector.load %arg4[%get3A_67, %get3A_68] : memref<16x128xf32, #tpu.memory_space<vmem>>, vector<16x128xf32>
    %dot_general3A = arith.constant dense<0.000000e+00> : vector<10000x128xf32>
    %dot_general3A_70 = tpu.matmul %add3A_55, %get3A_69, %dot_general3A {dimension_numbers = #tpu.dot_dimension_numbers<[1], [0], [0], [1], [0, 0, 1, 1], [], []>, transpose_lhs_hint = false} : vector<10000x16xf32>, vector<16x128xf32>, vector<10000x128xf32> -> vector<10000x128xf32>
    %get3A_71 = arith.constant 0 : index
    %get3A_72 = arith.constant 0 : index
    %get3A_73 = vector.load %arg5[%get3A_71, %get3A_72] : memref<1x128xf32, #tpu.memory_space<vmem>>, vector<1x128xf32>
    %mul3A_74 = vector.broadcast %add3A_66 : vector<10000x1xf32> to vector<10000x128xf32>
    %mul3A_75 = vector.broadcast %get3A_73 : vector<1x128xf32> to vector<10000x128xf32>
    %mul3A_76 = arith.mulf %mul3A_74, %mul3A_75 : vector<10000x128xf32>
    %add3A_77 = arith.addf %dot_general3A_70, %mul3A_76 : vector<10000x128xf32>
    %get3A_78 = arith.constant 0 : index
    %get3A_79 = arith.constant 0 : index
    %get3A_80 = vector.load %arg6[%get3A_78, %get3A_79] : memref<1x128xf32, #tpu.memory_space<vmem>>, vector<1x128xf32>
    %get3A_81 = arith.constant 0 : index
    %get3A_82 = arith.constant 0 : index
    %get3A_83 = vector.load %arg7[%get3A_81, %get3A_82] : memref<1x128xf32, #tpu.memory_space<vmem>>, vector<1x128xf32>
    %reduce_sum3A_84 = arith.constant dense<0.000000e+00> : vector<128xf32>
    %reduce_sum3A_85 = vector.multi_reduction <add>, %add3A_77, %reduce_sum3A_84 [0] : vector<10000x128xf32> to vector<128xf32>
    %div3A_86 = arith.constant 1.000000e+04 : f32
    %div3A_87 = vector.broadcast %div3A_86 : f32 to vector<128xf32>
    %div3A_88 = arith.divf %reduce_sum3A_85, %div3A_87 : vector<128xf32>
    %jit3A_89 = arith.constant 0 : i32
    %reduce_sum3A_90 = arith.constant dense<0.000000e+00> : vector<128xf32>
    %reduce_sum3A_91 = vector.multi_reduction <add>, %add3A_77, %reduce_sum3A_90 [0] : vector<10000x128xf32> to vector<128xf32>
    %broadcast_in_dim3A_92 = vector.shape_cast %reduce_sum3A_91 : vector<128xf32> to vector<1x128xf32>
    %div3A_93 = arith.constant 1.000000e+04 : f32
    %div3A_94 = vector.broadcast %div3A_93 : f32 to vector<1x128xf32>
    %div3A_95 = arith.divf %broadcast_in_dim3A_92, %div3A_94 : vector<1x128xf32>
    %sub3A_96 = vector.broadcast %div3A_95 : vector<1x128xf32> to vector<10000x128xf32>
    %sub3A_97 = arith.subf %add3A_77, %sub3A_96 : vector<10000x128xf32>
    %square3A_98 = arith.mulf %sub3A_97, %sub3A_97 : vector<10000x128xf32>
    %convert_element_type3A_99 = arith.sitofp %jit3A_89 : i32 to f32
    %sub3A_100 = arith.constant 1.000000e+04 : f32
    %sub3A_101 = arith.subf %sub3A_100, %convert_element_type3A_99 : f32
    %reduce_sum3A_102 = arith.constant dense<0.000000e+00> : vector<128xf32>
    %reduce_sum3A_103 = vector.multi_reduction <add>, %square3A_98, %reduce_sum3A_102 [0] : vector<10000x128xf32> to vector<128xf32>
    %div3A_104 = vector.broadcast %sub3A_101 : f32 to vector<128xf32>
    %div3A_105 = arith.divf %reduce_sum3A_103, %div3A_104 : vector<128xf32>
    %gt3A_106 = arith.constant 0.000000e+00 : f32
    %gt3A_107 = arith.cmpf ogt, %sub3A_101, %gt3A_106 : f32
    %jit3A_108 = arith.constant 0x7FC00000 : f32
    %broadcast_in_dim3A_109 = vector.broadcast %jit3A_108 : f32 to vector<128xf32>
    %select_n3A_110 = arith.select %gt3A_107, %div3A_105, %broadcast_in_dim3A_109 : vector<128xf32>
    %broadcast_in_dim3A_111 = vector.shape_cast %div3A_88 : vector<128xf32> to vector<1x128xf32>
    %sub3A_112 = vector.broadcast %broadcast_in_dim3A_111 : vector<1x128xf32> to vector<10000x128xf32>
    %sub3A_113 = arith.subf %add3A_77, %sub3A_112 : vector<10000x128xf32>
    %mul3A_114 = vector.broadcast %get3A_80 : vector<1x128xf32> to vector<10000x128xf32>
    %mul3A_115 = arith.mulf %mul3A_114, %sub3A_113 : vector<10000x128xf32>
    %add3A_116 = arith.constant 9.99999974E-6 : f32
    %add3A_117 = vector.broadcast %add3A_116 : f32 to vector<128xf32>
    %add3A_118 = arith.addf %select_n3A_110, %add3A_117 : vector<128xf32>
    %sqrt3A_119 = math.sqrt %add3A_118 : vector<128xf32>
    %broadcast_in_dim3A_120 = vector.shape_cast %sqrt3A_119 : vector<128xf32> to vector<1x128xf32>
    %div3A_121 = vector.broadcast %broadcast_in_dim3A_120 : vector<1x128xf32> to vector<10000x128xf32>
    %div3A_122 = arith.divf %mul3A_115, %div3A_121 : vector<10000x128xf32>
    %add3A_123 = vector.broadcast %get3A_83 : vector<1x128xf32> to vector<10000x128xf32>
    %add3A_124 = arith.addf %div3A_122, %add3A_123 : vector<10000x128xf32>
    %get3A_125 = arith.constant 0 : index
    %get3A_126 = arith.constant 0 : index
    %get3A_127 = vector.load %arg0[%get3A_125, %get3A_126] : memref<10000x128xf32, #tpu.memory_space<vmem>>, vector<10000x128xf32>
    %add3A_128 = arith.addf %get3A_127, %add3A_44 : vector<10000x128xf32>
    %add3A_129 = arith.addf %add3A_128, %add3A_124 : vector<10000x128xf32>
    %max3A = arith.constant 0.000000e+00 : f32
    %max3A_130 = vector.broadcast %max3A : f32 to vector<10000x128xf32>
    %max3A_131 = arith.maximumf %add3A_129, %max3A_130 : vector<10000x128xf32>
    %get3A_132 = arith.constant 0 : index
    %get3A_133 = arith.constant 0 : index
    %get3A_134 = vector.load %arg10[%get3A_132, %get3A_133] : memref<128x128xf32, #tpu.memory_space<vmem>>, vector<128x128xf32>
    %dot_general3A_135 = arith.constant dense<0.000000e+00> : vector<10000x128xf32>
    %dot_general3A_136 = tpu.matmul %max3A_131, %get3A_134, %dot_general3A_135 {dimension_numbers = #tpu.dot_dimension_numbers<[1], [0], [0], [1], [0, 0, 1, 1], [], []>, transpose_lhs_hint = false} : vector<10000x128xf32>, vector<128x128xf32>, vector<10000x128xf32> -> vector<10000x128xf32>
    %get3A_137 = arith.constant 0 : index
    %get3A_138 = arith.constant 0 : index
    %get3A_139 = vector.load %arg11[%get3A_137, %get3A_138] : memref<1x128xf32, #tpu.memory_space<vmem>>, vector<1x128xf32>
    %add3A_140 = vector.broadcast %get3A_139 : vector<1x128xf32> to vector<10000x128xf32>
    %add3A_141 = arith.addf %dot_general3A_136, %add3A_140 : vector<10000x128xf32>
    %get3A_142 = arith.constant 0 : index
    %get3A_143 = arith.constant 0 : index
    %get3A_144 = vector.load %arg12[%get3A_142, %get3A_143] : memref<1x128xf32, #tpu.memory_space<vmem>>, vector<1x128xf32>
    %get3A_145 = arith.constant 0 : index
    %get3A_146 = arith.constant 0 : index
    %get3A_147 = vector.load %arg13[%get3A_145, %get3A_146] : memref<1x128xf32, #tpu.memory_space<vmem>>, vector<1x128xf32>
    %reduce_sum3A_148 = arith.constant dense<0.000000e+00> : vector<128xf32>
    %reduce_sum3A_149 = vector.multi_reduction <add>, %add3A_141, %reduce_sum3A_148 [0] : vector<10000x128xf32> to vector<128xf32>
    %div3A_150 = arith.constant 1.000000e+04 : f32
    %div3A_151 = vector.broadcast %div3A_150 : f32 to vector<128xf32>
    %div3A_152 = arith.divf %reduce_sum3A_149, %div3A_151 : vector<128xf32>
    %jit3A_153 = arith.constant 0 : i32
    %reduce_sum3A_154 = arith.constant dense<0.000000e+00> : vector<128xf32>
    %reduce_sum3A_155 = vector.multi_reduction <add>, %add3A_141, %reduce_sum3A_154 [0] : vector<10000x128xf32> to vector<128xf32>
    %broadcast_in_dim3A_156 = vector.shape_cast %reduce_sum3A_155 : vector<128xf32> to vector<1x128xf32>
    %div3A_157 = arith.constant 1.000000e+04 : f32
    %div3A_158 = vector.broadcast %div3A_157 : f32 to vector<1x128xf32>
    %div3A_159 = arith.divf %broadcast_in_dim3A_156, %div3A_158 : vector<1x128xf32>
    %sub3A_160 = vector.broadcast %div3A_159 : vector<1x128xf32> to vector<10000x128xf32>
    %sub3A_161 = arith.subf %add3A_141, %sub3A_160 : vector<10000x128xf32>
    %square3A_162 = arith.mulf %sub3A_161, %sub3A_161 : vector<10000x128xf32>
    %convert_element_type3A_163 = arith.sitofp %jit3A_153 : i32 to f32
    %sub3A_164 = arith.constant 1.000000e+04 : f32
    %sub3A_165 = arith.subf %sub3A_164, %convert_element_type3A_163 : f32
    %reduce_sum3A_166 = arith.constant dense<0.000000e+00> : vector<128xf32>
    %reduce_sum3A_167 = vector.multi_reduction <add>, %square3A_162, %reduce_sum3A_166 [0] : vector<10000x128xf32> to vector<128xf32>
    %div3A_168 = vector.broadcast %sub3A_165 : f32 to vector<128xf32>
    %div3A_169 = arith.divf %reduce_sum3A_167, %div3A_168 : vector<128xf32>
    %gt3A_170 = arith.constant 0.000000e+00 : f32
    %gt3A_171 = arith.cmpf ogt, %sub3A_165, %gt3A_170 : f32
    %jit3A_172 = arith.constant 0x7FC00000 : f32
    %broadcast_in_dim3A_173 = vector.broadcast %jit3A_172 : f32 to vector<128xf32>
    %select_n3A_174 = arith.select %gt3A_171, %div3A_169, %broadcast_in_dim3A_173 : vector<128xf32>
    %broadcast_in_dim3A_175 = vector.shape_cast %div3A_152 : vector<128xf32> to vector<1x128xf32>
    %sub3A_176 = vector.broadcast %broadcast_in_dim3A_175 : vector<1x128xf32> to vector<10000x128xf32>
    %sub3A_177 = arith.subf %add3A_141, %sub3A_176 : vector<10000x128xf32>
    %mul3A_178 = vector.broadcast %get3A_144 : vector<1x128xf32> to vector<10000x128xf32>
    %mul3A_179 = arith.mulf %mul3A_178, %sub3A_177 : vector<10000x128xf32>
    %add3A_180 = arith.constant 9.99999974E-6 : f32
    %add3A_181 = vector.broadcast %add3A_180 : f32 to vector<128xf32>
    %add3A_182 = arith.addf %select_n3A_174, %add3A_181 : vector<128xf32>
    %sqrt3A_183 = math.sqrt %add3A_182 : vector<128xf32>
    %broadcast_in_dim3A_184 = vector.shape_cast %sqrt3A_183 : vector<128xf32> to vector<1x128xf32>
    %div3A_185 = vector.broadcast %broadcast_in_dim3A_184 : vector<1x128xf32> to vector<10000x128xf32>
    %div3A_186 = arith.divf %mul3A_179, %div3A_185 : vector<10000x128xf32>
    %add3A_187 = vector.broadcast %get3A_147 : vector<1x128xf32> to vector<10000x128xf32>
    %add3A_188 = arith.addf %div3A_186, %add3A_187 : vector<10000x128xf32>
    %max3A_189 = arith.constant 0.000000e+00 : f32
    %max3A_190 = vector.broadcast %max3A_189 : f32 to vector<10000x128xf32>
    %max3A_191 = arith.maximumf %add3A_188, %max3A_190 : vector<10000x128xf32>
    %swap3A = arith.constant 0 : index
    %swap3A_192 = arith.constant 0 : index
    %swap3A_193 = vector.load %arg18[%swap3A, %swap3A_192] : memref<10000x128xf32, #tpu.memory_space<vmem>>, vector<10000x128xf32>
    tpu.vector_store %arg18[%swap3A, %swap3A_192], %max3A_191 {strides = array<i32>} : memref<10000x128xf32, #tpu.memory_space<vmem>>, vector<10000x128xf32>,
    %get3A_194 = arith.constant 0 : index
    %get3A_195 = arith.constant 0 : index
    %get3A_196 = vector.load %arg14[%get3A_194, %get3A_195] : memref<16x128xf32, #tpu.memory_space<vmem>>, vector<16x128xf32>
    %dot_general3A_197 = arith.constant dense<0.000000e+00> : vector<10000x128xf32>
    %dot_general3A_198 = tpu.matmul %add3A_55, %get3A_196, %dot_general3A_197 {dimension_numbers = #tpu.dot_dimension_numbers<[1], [0], [0], [1], [0, 0, 1, 1], [], []>, transpose_lhs_hint = false} : vector<10000x16xf32>, vector<16x128xf32>, vector<10000x128xf32> -> vector<10000x128xf32>
    %get3A_199 = arith.constant 0 : index
    %get3A_200 = arith.constant 0 : index
    %get3A_201 = vector.load %arg15[%get3A_199, %get3A_200] : memref<1x128xf32, #tpu.memory_space<vmem>>, vector<1x128xf32>
    %mul3A_202 = vector.broadcast %add3A_66 : vector<10000x1xf32> to vector<10000x128xf32>
    %mul3A_203 = vector.broadcast %get3A_201 : vector<1x128xf32> to vector<10000x128xf32>
    %mul3A_204 = arith.mulf %mul3A_202, %mul3A_203 : vector<10000x128xf32>
    %add3A_205 = arith.addf %dot_general3A_198, %mul3A_204 : vector<10000x128xf32>
    %get3A_206 = arith.constant 0 : index
    %get3A_207 = arith.constant 0 : index
    %get3A_208 = vector.load %arg16[%get3A_206, %get3A_207] : memref<1x128xf32, #tpu.memory_space<vmem>>, vector<1x128xf32>
    %get3A_209 = arith.constant 0 : index
    %get3A_210 = arith.constant 0 : index
    %get3A_211 = vector.load %arg17[%get3A_209, %get3A_210] : memref<1x128xf32, #tpu.memory_space<vmem>>, vector<1x128xf32>
    %reduce_sum3A_212 = arith.constant dense<0.000000e+00> : vector<128xf32>
    %reduce_sum3A_213 = vector.multi_reduction <add>, %add3A_205, %reduce_sum3A_212 [0] : vector<10000x128xf32> to vector<128xf32>
    %div3A_214 = arith.constant 1.000000e+04 : f32
    %div3A_215 = vector.broadcast %div3A_214 : f32 to vector<128xf32>
    %div3A_216 = arith.divf %reduce_sum3A_213, %div3A_215 : vector<128xf32>
    %jit3A_217 = arith.constant 0 : i32
    %reduce_sum3A_218 = arith.constant dense<0.000000e+00> : vector<128xf32>
    %reduce_sum3A_219 = vector.multi_reduction <add>, %add3A_205, %reduce_sum3A_218 [0] : vector<10000x128xf32> to vector<128xf32>
    %broadcast_in_dim3A_220 = vector.shape_cast %reduce_sum3A_219 : vector<128xf32> to vector<1x128xf32>
    %div3A_221 = arith.constant 1.000000e+04 : f32
    %div3A_222 = vector.broadcast %div3A_221 : f32 to vector<1x128xf32>
    %div3A_223 = arith.divf %broadcast_in_dim3A_220, %div3A_222 : vector<1x128xf32>
    %sub3A_224 = vector.broadcast %div3A_223 : vector<1x128xf32> to vector<10000x128xf32>
    %sub3A_225 = arith.subf %add3A_205, %sub3A_224 : vector<10000x128xf32>
    %square3A_226 = arith.mulf %sub3A_225, %sub3A_225 : vector<10000x128xf32>
    %convert_element_type3A_227 = arith.sitofp %jit3A_217 : i32 to f32
    %sub3A_228 = arith.constant 1.000000e+04 : f32
    %sub3A_229 = arith.subf %sub3A_228, %convert_element_type3A_227 : f32
    %reduce_sum3A_230 = arith.constant dense<0.000000e+00> : vector<128xf32>
    %reduce_sum3A_231 = vector.multi_reduction <add>, %square3A_226, %reduce_sum3A_230 [0] : vector<10000x128xf32> to vector<128xf32>
    %div3A_232 = vector.broadcast %sub3A_229 : f32 to vector<128xf32>
    %div3A_233 = arith.divf %reduce_sum3A_231, %div3A_232 : vector<128xf32>
    %gt3A_234 = arith.constant 0.000000e+00 : f32
    %gt3A_235 = arith.cmpf ogt, %sub3A_229, %gt3A_234 : f32
    %jit3A_236 = arith.constant 0x7FC00000 : f32
    %broadcast_in_dim3A_237 = vector.broadcast %jit3A_236 : f32 to vector<128xf32>
    %select_n3A_238 = arith.select %gt3A_235, %div3A_233, %broadcast_in_dim3A_237 : vector<128xf32>
    %broadcast_in_dim3A_239 = vector.shape_cast %div3A_216 : vector<128xf32> to vector<1x128xf32>
    %sub3A_240 = vector.broadcast %broadcast_in_dim3A_239 : vector<1x128xf32> to vector<10000x128xf32>
    %sub3A_241 = arith.subf %add3A_205, %sub3A_240 : vector<10000x128xf32>
    %mul3A_242 = vector.broadcast %get3A_208 : vector<1x128xf32> to vector<10000x128xf32>
    %mul3A_243 = arith.mulf %mul3A_242, %sub3A_241 : vector<10000x128xf32>
    %add3A_244 = arith.constant 9.99999974E-6 : f32
    %add3A_245 = vector.broadcast %add3A_244 : f32 to vector<128xf32>
    %add3A_246 = arith.addf %select_n3A_238, %add3A_245 : vector<128xf32>
    %sqrt3A_247 = math.sqrt %add3A_246 : vector<128xf32>
    %broadcast_in_dim3A_248 = vector.shape_cast %sqrt3A_247 : vector<128xf32> to vector<1x128xf32>
    %div3A_249 = vector.broadcast %broadcast_in_dim3A_248 : vector<1x128xf32> to vector<10000x128xf32>
    %div3A_250 = arith.divf %mul3A_243, %div3A_249 : vector<10000x128xf32>
    %add3A_251 = vector.broadcast %get3A_211 : vector<1x128xf32> to vector<10000x128xf32>
    %add3A_252 = arith.addf %div3A_250, %add3A_251 : vector<10000x128xf32>
    %swap3A_253 = arith.constant 0 : index
    %swap3A_254 = arith.constant 0 : index
    %swap3A_255 = vector.load %arg19[%swap3A_253, %swap3A_254] : memref<10000x128xf32, #tpu.memory_space<vmem>>, vector<10000x128xf32>
    tpu.vector_store %arg19[%swap3A_253, %swap3A_254], %add3A_252 {strides = array<i32>} : memref<10000x128xf32, #tpu.memory_space<vmem>>, vector<10000x128xf32>,
    return
  }
}

module attributes {stable_mosaic.version = 14 : i64} {
  func.func @_mid_b_body(%arg0: memref<10000x128xf32, #tpu.memory_space<vmem>>, %arg1: memref<128x128xf32, #tpu.memory_space<vmem>>, %arg2: memref<1x128xf32, #tpu.memory_space<vmem>>, %arg3: memref<1x128xf32, #tpu.memory_space<vmem>>, %arg4: memref<1x128xf32, #tpu.memory_space<vmem>>, %arg5: memref<128x128xf32, #tpu.memory_space<vmem>>, %arg6: memref<1x128xf32, #tpu.memory_space<vmem>>, %arg7: memref<1x128xf32, #tpu.memory_space<vmem>>, %arg8: memref<1x128xf32, #tpu.memory_space<vmem>>, %arg9: memref<128x128xf32, #tpu.memory_space<vmem>>, %arg10: memref<1x128xf32, #tpu.memory_space<vmem>>, %arg11: memref<10000x128xf32, #tpu.memory_space<vmem>>, %arg12: memref<10000x128xf32, #tpu.memory_space<vmem>>) attributes {dimension_semantics = [], scalar_prefetch = 0 : i64, scratch_operands = 0 : i64, tpu.core_type = #tpu.core_type<tc>} {
    %get3A = arith.constant 0 : index
    %get3A_0 = arith.constant 0 : index
    %get3A_1 = vector.load %arg0[%get3A, %get3A_0] : memref<10000x128xf32, #tpu.memory_space<vmem>>, vector<10000x128xf32>
    %get3A_2 = arith.constant 0 : index
    %get3A_3 = arith.constant 0 : index
    %get3A_4 = vector.load %arg1[%get3A_2, %get3A_3] : memref<128x128xf32, #tpu.memory_space<vmem>>, vector<128x128xf32>
    %dot_general3A = arith.constant dense<0.000000e+00> : vector<10000x128xf32>
    %dot_general3A_5 = tpu.matmul %get3A_1, %get3A_4, %dot_general3A {dimension_numbers = #tpu.dot_dimension_numbers<[1], [0], [0], [1], [0, 0, 1, 1], [], []>, transpose_lhs_hint = false} : vector<10000x128xf32>, vector<128x128xf32>, vector<10000x128xf32> -> vector<10000x128xf32>
    %get3A_6 = arith.constant 0 : index
    %get3A_7 = arith.constant 0 : index
    %get3A_8 = vector.load %arg2[%get3A_6, %get3A_7] : memref<1x128xf32, #tpu.memory_space<vmem>>, vector<1x128xf32>
    %add3A = vector.broadcast %get3A_8 : vector<1x128xf32> to vector<10000x128xf32>
    %add3A_9 = arith.addf %dot_general3A_5, %add3A : vector<10000x128xf32>
    %get3A_10 = arith.constant 0 : index
    %get3A_11 = arith.constant 0 : index
    %get3A_12 = vector.load %arg3[%get3A_10, %get3A_11] : memref<1x128xf32, #tpu.memory_space<vmem>>, vector<1x128xf32>
    %get3A_13 = arith.constant 0 : index
    %get3A_14 = arith.constant 0 : index
    %get3A_15 = vector.load %arg4[%get3A_13, %get3A_14] : memref<1x128xf32, #tpu.memory_space<vmem>>, vector<1x128xf32>
    %reduce_sum3A = arith.constant dense<0.000000e+00> : vector<128xf32>
    %reduce_sum3A_16 = vector.multi_reduction <add>, %add3A_9, %reduce_sum3A [0] : vector<10000x128xf32> to vector<128xf32>
    %div3A = arith.constant 1.000000e+04 : f32
    %div3A_17 = vector.broadcast %div3A : f32 to vector<128xf32>
    %div3A_18 = arith.divf %reduce_sum3A_16, %div3A_17 : vector<128xf32>
    %jit3A = arith.constant 0 : i32
    %reduce_sum3A_19 = arith.constant dense<0.000000e+00> : vector<128xf32>
    %reduce_sum3A_20 = vector.multi_reduction <add>, %add3A_9, %reduce_sum3A_19 [0] : vector<10000x128xf32> to vector<128xf32>
    %broadcast_in_dim3A = vector.shape_cast %reduce_sum3A_20 : vector<128xf32> to vector<1x128xf32>
    %div3A_21 = arith.constant 1.000000e+04 : f32
    %div3A_22 = vector.broadcast %div3A_21 : f32 to vector<1x128xf32>
    %div3A_23 = arith.divf %broadcast_in_dim3A, %div3A_22 : vector<1x128xf32>
    %sub3A = vector.broadcast %div3A_23 : vector<1x128xf32> to vector<10000x128xf32>
    %sub3A_24 = arith.subf %add3A_9, %sub3A : vector<10000x128xf32>
    %square3A = arith.mulf %sub3A_24, %sub3A_24 : vector<10000x128xf32>
    %convert_element_type3A = arith.sitofp %jit3A : i32 to f32
    %sub3A_25 = arith.constant 1.000000e+04 : f32
    %sub3A_26 = arith.subf %sub3A_25, %convert_element_type3A : f32
    %reduce_sum3A_27 = arith.constant dense<0.000000e+00> : vector<128xf32>
    %reduce_sum3A_28 = vector.multi_reduction <add>, %square3A, %reduce_sum3A_27 [0] : vector<10000x128xf32> to vector<128xf32>
    %div3A_29 = vector.broadcast %sub3A_26 : f32 to vector<128xf32>
    %div3A_30 = arith.divf %reduce_sum3A_28, %div3A_29 : vector<128xf32>
    %gt3A = arith.constant 0.000000e+00 : f32
    %gt3A_31 = arith.cmpf ogt, %sub3A_26, %gt3A : f32
    %jit3A_32 = arith.constant 0x7FC00000 : f32
    %broadcast_in_dim3A_33 = vector.broadcast %jit3A_32 : f32 to vector<128xf32>
    %select_n3A = arith.select %gt3A_31, %div3A_30, %broadcast_in_dim3A_33 : vector<128xf32>
    %broadcast_in_dim3A_34 = vector.shape_cast %div3A_18 : vector<128xf32> to vector<1x128xf32>
    %sub3A_35 = vector.broadcast %broadcast_in_dim3A_34 : vector<1x128xf32> to vector<10000x128xf32>
    %sub3A_36 = arith.subf %add3A_9, %sub3A_35 : vector<10000x128xf32>
    %mul3A = vector.broadcast %get3A_12 : vector<1x128xf32> to vector<10000x128xf32>
    %mul3A_37 = arith.mulf %mul3A, %sub3A_36 : vector<10000x128xf32>
    %add3A_38 = arith.constant 9.99999974E-6 : f32
    %add3A_39 = vector.broadcast %add3A_38 : f32 to vector<128xf32>
    %add3A_40 = arith.addf %select_n3A, %add3A_39 : vector<128xf32>
    %sqrt3A = math.sqrt %add3A_40 : vector<128xf32>
    %broadcast_in_dim3A_41 = vector.shape_cast %sqrt3A : vector<128xf32> to vector<1x128xf32>
    %div3A_42 = vector.broadcast %broadcast_in_dim3A_41 : vector<1x128xf32> to vector<10000x128xf32>
    %div3A_43 = arith.divf %mul3A_37, %div3A_42 : vector<10000x128xf32>
    %add3A_44 = vector.broadcast %get3A_15 : vector<1x128xf32> to vector<10000x128xf32>
    %add3A_45 = arith.addf %div3A_43, %add3A_44 : vector<10000x128xf32>
    %max3A = arith.constant 0.000000e+00 : f32
    %max3A_46 = vector.broadcast %max3A : f32 to vector<10000x128xf32>
    %max3A_47 = arith.maximumf %add3A_45, %max3A_46 : vector<10000x128xf32>
    %get3A_48 = arith.constant 0 : index
    %get3A_49 = arith.constant 0 : index
    %get3A_50 = vector.load %arg9[%get3A_48, %get3A_49] : memref<128x128xf32, #tpu.memory_space<vmem>>, vector<128x128xf32>
    %dot_general3A_51 = arith.constant dense<0.000000e+00> : vector<10000x128xf32>
    %dot_general3A_52 = tpu.matmul %max3A_47, %get3A_50, %dot_general3A_51 {dimension_numbers = #tpu.dot_dimension_numbers<[1], [0], [0], [1], [0, 0, 1, 1], [], []>, transpose_lhs_hint = false} : vector<10000x128xf32>, vector<128x128xf32>, vector<10000x128xf32> -> vector<10000x128xf32>
    %get3A_53 = arith.constant 0 : index
    %get3A_54 = arith.constant 0 : index
    %get3A_55 = vector.load %arg10[%get3A_53, %get3A_54] : memref<1x128xf32, #tpu.memory_space<vmem>>, vector<1x128xf32>
    %add3A_56 = vector.broadcast %get3A_55 : vector<1x128xf32> to vector<10000x128xf32>
    %add3A_57 = arith.addf %dot_general3A_52, %add3A_56 : vector<10000x128xf32>
    %swap3A = arith.constant 0 : index
    %swap3A_58 = arith.constant 0 : index
    %swap3A_59 = vector.load %arg11[%swap3A, %swap3A_58] : memref<10000x128xf32, #tpu.memory_space<vmem>>, vector<10000x128xf32>
    tpu.vector_store %arg11[%swap3A, %swap3A_58], %add3A_57 {strides = array<i32>} : memref<10000x128xf32, #tpu.memory_space<vmem>>, vector<10000x128xf32>,
    %get3A_60 = arith.constant 0 : index
    %get3A_61 = arith.constant 0 : index
    %get3A_62 = vector.load %arg5[%get3A_60, %get3A_61] : memref<128x128xf32, #tpu.memory_space<vmem>>, vector<128x128xf32>
    %dot_general3A_63 = arith.constant dense<0.000000e+00> : vector<10000x128xf32>
    %dot_general3A_64 = tpu.matmul %max3A_47, %get3A_62, %dot_general3A_63 {dimension_numbers = #tpu.dot_dimension_numbers<[1], [0], [0], [1], [0, 0, 1, 1], [], []>, transpose_lhs_hint = false} : vector<10000x128xf32>, vector<128x128xf32>, vector<10000x128xf32> -> vector<10000x128xf32>
    %get3A_65 = arith.constant 0 : index
    %get3A_66 = arith.constant 0 : index
    %get3A_67 = vector.load %arg6[%get3A_65, %get3A_66] : memref<1x128xf32, #tpu.memory_space<vmem>>, vector<1x128xf32>
    %add3A_68 = vector.broadcast %get3A_67 : vector<1x128xf32> to vector<10000x128xf32>
    %add3A_69 = arith.addf %dot_general3A_64, %add3A_68 : vector<10000x128xf32>
    %get3A_70 = arith.constant 0 : index
    %get3A_71 = arith.constant 0 : index
    %get3A_72 = vector.load %arg7[%get3A_70, %get3A_71] : memref<1x128xf32, #tpu.memory_space<vmem>>, vector<1x128xf32>
    %get3A_73 = arith.constant 0 : index
    %get3A_74 = arith.constant 0 : index
    %get3A_75 = vector.load %arg8[%get3A_73, %get3A_74] : memref<1x128xf32, #tpu.memory_space<vmem>>, vector<1x128xf32>
    %reduce_sum3A_76 = arith.constant dense<0.000000e+00> : vector<128xf32>
    %reduce_sum3A_77 = vector.multi_reduction <add>, %add3A_69, %reduce_sum3A_76 [0] : vector<10000x128xf32> to vector<128xf32>
    %div3A_78 = arith.constant 1.000000e+04 : f32
    %div3A_79 = vector.broadcast %div3A_78 : f32 to vector<128xf32>
    %div3A_80 = arith.divf %reduce_sum3A_77, %div3A_79 : vector<128xf32>
    %jit3A_81 = arith.constant 0 : i32
    %reduce_sum3A_82 = arith.constant dense<0.000000e+00> : vector<128xf32>
    %reduce_sum3A_83 = vector.multi_reduction <add>, %add3A_69, %reduce_sum3A_82 [0] : vector<10000x128xf32> to vector<128xf32>
    %broadcast_in_dim3A_84 = vector.shape_cast %reduce_sum3A_83 : vector<128xf32> to vector<1x128xf32>
    %div3A_85 = arith.constant 1.000000e+04 : f32
    %div3A_86 = vector.broadcast %div3A_85 : f32 to vector<1x128xf32>
    %div3A_87 = arith.divf %broadcast_in_dim3A_84, %div3A_86 : vector<1x128xf32>
    %sub3A_88 = vector.broadcast %div3A_87 : vector<1x128xf32> to vector<10000x128xf32>
    %sub3A_89 = arith.subf %add3A_69, %sub3A_88 : vector<10000x128xf32>
    %square3A_90 = arith.mulf %sub3A_89, %sub3A_89 : vector<10000x128xf32>
    %convert_element_type3A_91 = arith.sitofp %jit3A_81 : i32 to f32
    %sub3A_92 = arith.constant 1.000000e+04 : f32
    %sub3A_93 = arith.subf %sub3A_92, %convert_element_type3A_91 : f32
    %reduce_sum3A_94 = arith.constant dense<0.000000e+00> : vector<128xf32>
    %reduce_sum3A_95 = vector.multi_reduction <add>, %square3A_90, %reduce_sum3A_94 [0] : vector<10000x128xf32> to vector<128xf32>
    %div3A_96 = vector.broadcast %sub3A_93 : f32 to vector<128xf32>
    %div3A_97 = arith.divf %reduce_sum3A_95, %div3A_96 : vector<128xf32>
    %gt3A_98 = arith.constant 0.000000e+00 : f32
    %gt3A_99 = arith.cmpf ogt, %sub3A_93, %gt3A_98 : f32
    %jit3A_100 = arith.constant 0x7FC00000 : f32
    %broadcast_in_dim3A_101 = vector.broadcast %jit3A_100 : f32 to vector<128xf32>
    %select_n3A_102 = arith.select %gt3A_99, %div3A_97, %broadcast_in_dim3A_101 : vector<128xf32>
    %broadcast_in_dim3A_103 = vector.shape_cast %div3A_80 : vector<128xf32> to vector<1x128xf32>
    %sub3A_104 = vector.broadcast %broadcast_in_dim3A_103 : vector<1x128xf32> to vector<10000x128xf32>
    %sub3A_105 = arith.subf %add3A_69, %sub3A_104 : vector<10000x128xf32>
    %mul3A_106 = vector.broadcast %get3A_72 : vector<1x128xf32> to vector<10000x128xf32>
    %mul3A_107 = arith.mulf %mul3A_106, %sub3A_105 : vector<10000x128xf32>
    %add3A_108 = arith.constant 9.99999974E-6 : f32
    %add3A_109 = vector.broadcast %add3A_108 : f32 to vector<128xf32>
    %add3A_110 = arith.addf %select_n3A_102, %add3A_109 : vector<128xf32>
    %sqrt3A_111 = math.sqrt %add3A_110 : vector<128xf32>
    %broadcast_in_dim3A_112 = vector.shape_cast %sqrt3A_111 : vector<128xf32> to vector<1x128xf32>
    %div3A_113 = vector.broadcast %broadcast_in_dim3A_112 : vector<1x128xf32> to vector<10000x128xf32>
    %div3A_114 = arith.divf %mul3A_107, %div3A_113 : vector<10000x128xf32>
    %add3A_115 = vector.broadcast %get3A_75 : vector<1x128xf32> to vector<10000x128xf32>
    %add3A_116 = arith.addf %div3A_114, %add3A_115 : vector<10000x128xf32>
    %swap3A_117 = arith.constant 0 : index
    %swap3A_118 = arith.constant 0 : index
    %swap3A_119 = vector.load %arg12[%swap3A_117, %swap3A_118] : memref<10000x128xf32, #tpu.memory_space<vmem>>, vector<10000x128xf32>
    tpu.vector_store %arg12[%swap3A_117, %swap3A_118], %add3A_116 {strides = array<i32>} : memref<10000x128xf32, #tpu.memory_space<vmem>>, vector<10000x128xf32>,
    return
  }
}

module attributes {stable_mosaic.version = 14 : i64} {
  func.func @_dense_final_body(%arg0: memref<10000x128xf32, #tpu.memory_space<vmem>>, %arg1: memref<10000x128xf32, #tpu.memory_space<vmem>>, %arg2: memref<2x10240x128xf32, #tpu.memory_space<vmem>>, %arg3: memref<1x128xf32, #tpu.memory_space<vmem>>, %arg4: memref<1x128xf32, #tpu.memory_space<vmem>>, %arg5: memref<128x128xf32, #tpu.memory_space<vmem>>, %arg6: memref<1x128xf32, #tpu.memory_space<vmem>>, %arg7: memref<1x128xf32, #tpu.memory_space<vmem>>, %arg8: memref<1x128xf32, #tpu.memory_space<vmem>>, %arg9: memref<128x128xf32, #tpu.memory_space<vmem>>, %arg10: memref<1x128xf32, #tpu.memory_space<vmem>>, %arg11: memref<1x128xf32, #tpu.memory_space<vmem>>, %arg12: memref<1x128xf32, #tpu.memory_space<vmem>>, %arg13: memref<10000x128xf32, #tpu.memory_space<vmem>>) attributes {dimension_semantics = [], scalar_prefetch = 0 : i64, scratch_operands = 0 : i64, tpu.core_type = #tpu.core_type<tc>} {
    %get3A = arith.constant 0 : index
    %get3A_0 = arith.constant 0 : index
    %get3A_1 = arith.constant 0 : index
    %get3A_2 = vector.load %arg2[%get3A, %get3A_0, %get3A_1] : memref<2x10240x128xf32, #tpu.memory_space<vmem>>, vector<1x10000x128xf32>
    %get3A_3 = vector.shape_cast %get3A_2 : vector<1x10000x128xf32> to vector<10000x128xf32>
    %get3A_4 = arith.constant 1 : index
    %get3A_5 = arith.constant 0 : index
    %get3A_6 = arith.constant 0 : index
    %get3A_7 = vector.load %arg2[%get3A_4, %get3A_5, %get3A_6] : memref<2x10240x128xf32, #tpu.memory_space<vmem>>, vector<1x10000x128xf32>
    %get3A_8 = vector.shape_cast %get3A_7 : vector<1x10000x128xf32> to vector<10000x128xf32>
    %add3A = arith.addf %get3A_3, %get3A_8 : vector<10000x128xf32>
    %get3A_9 = arith.constant 0 : index
    %get3A_10 = arith.constant 0 : index
    %get3A_11 = vector.load %arg3[%get3A_9, %get3A_10] : memref<1x128xf32, #tpu.memory_space<vmem>>, vector<1x128xf32>
    %get3A_12 = arith.constant 0 : index
    %get3A_13 = arith.constant 0 : index
    %get3A_14 = vector.load %arg4[%get3A_12, %get3A_13] : memref<1x128xf32, #tpu.memory_space<vmem>>, vector<1x128xf32>
    %reduce_sum3A = arith.constant dense<0.000000e+00> : vector<128xf32>
    %reduce_sum3A_15 = vector.multi_reduction <add>, %add3A, %reduce_sum3A [0] : vector<10000x128xf32> to vector<128xf32>
    %div3A = arith.constant 1.000000e+04 : f32
    %div3A_16 = vector.broadcast %div3A : f32 to vector<128xf32>
    %div3A_17 = arith.divf %reduce_sum3A_15, %div3A_16 : vector<128xf32>
    %jit3A = arith.constant 0 : i32
    %reduce_sum3A_18 = arith.constant dense<0.000000e+00> : vector<128xf32>
    %reduce_sum3A_19 = vector.multi_reduction <add>, %add3A, %reduce_sum3A_18 [0] : vector<10000x128xf32> to vector<128xf32>
    %broadcast_in_dim3A = vector.shape_cast %reduce_sum3A_19 : vector<128xf32> to vector<1x128xf32>
    %div3A_20 = arith.constant 1.000000e+04 : f32
    %div3A_21 = vector.broadcast %div3A_20 : f32 to vector<1x128xf32>
    %div3A_22 = arith.divf %broadcast_in_dim3A, %div3A_21 : vector<1x128xf32>
    %sub3A = vector.broadcast %div3A_22 : vector<1x128xf32> to vector<10000x128xf32>
    %sub3A_23 = arith.subf %add3A, %sub3A : vector<10000x128xf32>
    %square3A = arith.mulf %sub3A_23, %sub3A_23 : vector<10000x128xf32>
    %convert_element_type3A = arith.sitofp %jit3A : i32 to f32
    %sub3A_24 = arith.constant 1.000000e+04 : f32
    %sub3A_25 = arith.subf %sub3A_24, %convert_element_type3A : f32
    %reduce_sum3A_26 = arith.constant dense<0.000000e+00> : vector<128xf32>
    %reduce_sum3A_27 = vector.multi_reduction <add>, %square3A, %reduce_sum3A_26 [0] : vector<10000x128xf32> to vector<128xf32>
    %div3A_28 = vector.broadcast %sub3A_25 : f32 to vector<128xf32>
    %div3A_29 = arith.divf %reduce_sum3A_27, %div3A_28 : vector<128xf32>
    %gt3A = arith.constant 0.000000e+00 : f32
    %gt3A_30 = arith.cmpf ogt, %sub3A_25, %gt3A : f32
    %jit3A_31 = arith.constant 0x7FC00000 : f32
    %broadcast_in_dim3A_32 = vector.broadcast %jit3A_31 : f32 to vector<128xf32>
    %select_n3A = arith.select %gt3A_30, %div3A_29, %broadcast_in_dim3A_32 : vector<128xf32>
    %broadcast_in_dim3A_33 = vector.shape_cast %div3A_17 : vector<128xf32> to vector<1x128xf32>
    %sub3A_34 = vector.broadcast %broadcast_in_dim3A_33 : vector<1x128xf32> to vector<10000x128xf32>
    %sub3A_35 = arith.subf %add3A, %sub3A_34 : vector<10000x128xf32>
    %mul3A = vector.broadcast %get3A_11 : vector<1x128xf32> to vector<10000x128xf32>
    %mul3A_36 = arith.mulf %mul3A, %sub3A_35 : vector<10000x128xf32>
    %add3A_37 = arith.constant 9.99999974E-6 : f32
    %add3A_38 = vector.broadcast %add3A_37 : f32 to vector<128xf32>
    %add3A_39 = arith.addf %select_n3A, %add3A_38 : vector<128xf32>
    %sqrt3A = math.sqrt %add3A_39 : vector<128xf32>
    %broadcast_in_dim3A_40 = vector.shape_cast %sqrt3A : vector<128xf32> to vector<1x128xf32>
    %div3A_41 = vector.broadcast %broadcast_in_dim3A_40 : vector<1x128xf32> to vector<10000x128xf32>
    %div3A_42 = arith.divf %mul3A_36, %div3A_41 : vector<10000x128xf32>
    %add3A_43 = vector.broadcast %get3A_14 : vector<1x128xf32> to vector<10000x128xf32>
    %add3A_44 = arith.addf %div3A_42, %add3A_43 : vector<10000x128xf32>
    %get3A_45 = arith.constant 0 : index
    %get3A_46 = arith.constant 0 : index
    %get3A_47 = vector.load %arg0[%get3A_45, %get3A_46] : memref<10000x128xf32, #tpu.memory_space<vmem>>, vector<10000x128xf32>
    %add3A_48 = arith.addf %get3A_47, %add3A_44 : vector<10000x128xf32>
    %get3A_49 = arith.constant 0 : index
    %get3A_50 = arith.constant 0 : index
    %get3A_51 = vector.load %arg1[%get3A_49, %get3A_50] : memref<10000x128xf32, #tpu.memory_space<vmem>>, vector<10000x128xf32>
    %add3A_52 = arith.addf %add3A_48, %get3A_51 : vector<10000x128xf32>
    %max3A = arith.constant 0.000000e+00 : f32
    %max3A_53 = vector.broadcast %max3A : f32 to vector<10000x128xf32>
    %max3A_54 = arith.maximumf %add3A_52, %max3A_53 : vector<10000x128xf32>
    %get3A_55 = arith.constant 0 : index
    %get3A_56 = arith.constant 0 : index
    %get3A_57 = vector.load %arg5[%get3A_55, %get3A_56] : memref<128x128xf32, #tpu.memory_space<vmem>>, vector<128x128xf32>
    %dot_general3A = arith.constant dense<0.000000e+00> : vector<10000x128xf32>
    %dot_general3A_58 = tpu.matmul %max3A_54, %get3A_57, %dot_general3A {dimension_numbers = #tpu.dot_dimension_numbers<[1], [0], [0], [1], [0, 0, 1, 1], [], []>, transpose_lhs_hint = false} : vector<10000x128xf32>, vector<128x128xf32>, vector<10000x128xf32> -> vector<10000x128xf32>
    %get3A_59 = arith.constant 0 : index
    %get3A_60 = arith.constant 0 : index
    %get3A_61 = vector.load %arg6[%get3A_59, %get3A_60] : memref<1x128xf32, #tpu.memory_space<vmem>>, vector<1x128xf32>
    %add3A_62 = vector.broadcast %get3A_61 : vector<1x128xf32> to vector<10000x128xf32>
    %add3A_63 = arith.addf %dot_general3A_58, %add3A_62 : vector<10000x128xf32>
    %get3A_64 = arith.constant 0 : index
    %get3A_65 = arith.constant 0 : index
    %get3A_66 = vector.load %arg7[%get3A_64, %get3A_65] : memref<1x128xf32, #tpu.memory_space<vmem>>, vector<1x128xf32>
    %get3A_67 = arith.constant 0 : index
    %get3A_68 = arith.constant 0 : index
    %get3A_69 = vector.load %arg8[%get3A_67, %get3A_68] : memref<1x128xf32, #tpu.memory_space<vmem>>, vector<1x128xf32>
    %reduce_sum3A_70 = arith.constant dense<0.000000e+00> : vector<128xf32>
    %reduce_sum3A_71 = vector.multi_reduction <add>, %add3A_63, %reduce_sum3A_70 [0] : vector<10000x128xf32> to vector<128xf32>
    %div3A_72 = arith.constant 1.000000e+04 : f32
    %div3A_73 = vector.broadcast %div3A_72 : f32 to vector<128xf32>
    %div3A_74 = arith.divf %reduce_sum3A_71, %div3A_73 : vector<128xf32>
    %jit3A_75 = arith.constant 0 : i32
    %reduce_sum3A_76 = arith.constant dense<0.000000e+00> : vector<128xf32>
    %reduce_sum3A_77 = vector.multi_reduction <add>, %add3A_63, %reduce_sum3A_76 [0] : vector<10000x128xf32> to vector<128xf32>
    %broadcast_in_dim3A_78 = vector.shape_cast %reduce_sum3A_77 : vector<128xf32> to vector<1x128xf32>
    %div3A_79 = arith.constant 1.000000e+04 : f32
    %div3A_80 = vector.broadcast %div3A_79 : f32 to vector<1x128xf32>
    %div3A_81 = arith.divf %broadcast_in_dim3A_78, %div3A_80 : vector<1x128xf32>
    %sub3A_82 = vector.broadcast %div3A_81 : vector<1x128xf32> to vector<10000x128xf32>
    %sub3A_83 = arith.subf %add3A_63, %sub3A_82 : vector<10000x128xf32>
    %square3A_84 = arith.mulf %sub3A_83, %sub3A_83 : vector<10000x128xf32>
    %convert_element_type3A_85 = arith.sitofp %jit3A_75 : i32 to f32
    %sub3A_86 = arith.constant 1.000000e+04 : f32
    %sub3A_87 = arith.subf %sub3A_86, %convert_element_type3A_85 : f32
    %reduce_sum3A_88 = arith.constant dense<0.000000e+00> : vector<128xf32>
    %reduce_sum3A_89 = vector.multi_reduction <add>, %square3A_84, %reduce_sum3A_88 [0] : vector<10000x128xf32> to vector<128xf32>
    %div3A_90 = vector.broadcast %sub3A_87 : f32 to vector<128xf32>
    %div3A_91 = arith.divf %reduce_sum3A_89, %div3A_90 : vector<128xf32>
    %gt3A_92 = arith.constant 0.000000e+00 : f32
    %gt3A_93 = arith.cmpf ogt, %sub3A_87, %gt3A_92 : f32
    %jit3A_94 = arith.constant 0x7FC00000 : f32
    %broadcast_in_dim3A_95 = vector.broadcast %jit3A_94 : f32 to vector<128xf32>
    %select_n3A_96 = arith.select %gt3A_93, %div3A_91, %broadcast_in_dim3A_95 : vector<128xf32>
    %broadcast_in_dim3A_97 = vector.shape_cast %div3A_74 : vector<128xf32> to vector<1x128xf32>
    %sub3A_98 = vector.broadcast %broadcast_in_dim3A_97 : vector<1x128xf32> to vector<10000x128xf32>
    %sub3A_99 = arith.subf %add3A_63, %sub3A_98 : vector<10000x128xf32>
    %mul3A_100 = vector.broadcast %get3A_66 : vector<1x128xf32> to vector<10000x128xf32>
    %mul3A_101 = arith.mulf %mul3A_100, %sub3A_99 : vector<10000x128xf32>
    %add3A_102 = arith.constant 9.99999974E-6 : f32
    %add3A_103 = vector.broadcast %add3A_102 : f32 to vector<128xf32>
    %add3A_104 = arith.addf %select_n3A_96, %add3A_103 : vector<128xf32>
    %sqrt3A_105 = math.sqrt %add3A_104 : vector<128xf32>
    %broadcast_in_dim3A_106 = vector.shape_cast %sqrt3A_105 : vector<128xf32> to vector<1x128xf32>
    %div3A_107 = vector.broadcast %broadcast_in_dim3A_106 : vector<1x128xf32> to vector<10000x128xf32>
    %div3A_108 = arith.divf %mul3A_101, %div3A_107 : vector<10000x128xf32>
    %add3A_109 = vector.broadcast %get3A_69 : vector<1x128xf32> to vector<10000x128xf32>
    %add3A_110 = arith.addf %div3A_108, %add3A_109 : vector<10000x128xf32>
    %max3A_111 = arith.constant 0.000000e+00 : f32
    %max3A_112 = vector.broadcast %max3A_111 : f32 to vector<10000x128xf32>
    %max3A_113 = arith.maximumf %add3A_110, %max3A_112 : vector<10000x128xf32>
    %get3A_114 = arith.constant 0 : index
    %get3A_115 = arith.constant 0 : index
    %get3A_116 = vector.load %arg9[%get3A_114, %get3A_115] : memref<128x128xf32, #tpu.memory_space<vmem>>, vector<128x128xf32>
    %dot_general3A_117 = arith.constant dense<0.000000e+00> : vector<10000x128xf32>
    %dot_general3A_118 = tpu.matmul %max3A_113, %get3A_116, %dot_general3A_117 {dimension_numbers = #tpu.dot_dimension_numbers<[1], [0], [0], [1], [0, 0, 1, 1], [], []>, transpose_lhs_hint = false} : vector<10000x128xf32>, vector<128x128xf32>, vector<10000x128xf32> -> vector<10000x128xf32>
    %get3A_119 = arith.constant 0 : index
    %get3A_120 = arith.constant 0 : index
    %get3A_121 = vector.load %arg10[%get3A_119, %get3A_120] : memref<1x128xf32, #tpu.memory_space<vmem>>, vector<1x128xf32>
    %add3A_122 = vector.broadcast %get3A_121 : vector<1x128xf32> to vector<10000x128xf32>
    %add3A_123 = arith.addf %dot_general3A_118, %add3A_122 : vector<10000x128xf32>
    %get3A_124 = arith.constant 0 : index
    %get3A_125 = arith.constant 0 : index
    %get3A_126 = vector.load %arg11[%get3A_124, %get3A_125] : memref<1x128xf32, #tpu.memory_space<vmem>>, vector<1x128xf32>
    %get3A_127 = arith.constant 0 : index
    %get3A_128 = arith.constant 0 : index
    %get3A_129 = vector.load %arg12[%get3A_127, %get3A_128] : memref<1x128xf32, #tpu.memory_space<vmem>>, vector<1x128xf32>
    %reduce_sum3A_130 = arith.constant dense<0.000000e+00> : vector<128xf32>
    %reduce_sum3A_131 = vector.multi_reduction <add>, %add3A_123, %reduce_sum3A_130 [0] : vector<10000x128xf32> to vector<128xf32>
    %div3A_132 = arith.constant 1.000000e+04 : f32
    %div3A_133 = vector.broadcast %div3A_132 : f32 to vector<128xf32>
    %div3A_134 = arith.divf %reduce_sum3A_131, %div3A_133 : vector<128xf32>
    %jit3A_135 = arith.constant 0 : i32
    %reduce_sum3A_136 = arith.constant dense<0.000000e+00> : vector<128xf32>
    %reduce_sum3A_137 = vector.multi_reduction <add>, %add3A_123, %reduce_sum3A_136 [0] : vector<10000x128xf32> to vector<128xf32>
    %broadcast_in_dim3A_138 = vector.shape_cast %reduce_sum3A_137 : vector<128xf32> to vector<1x128xf32>
    %div3A_139 = arith.constant 1.000000e+04 : f32
    %div3A_140 = vector.broadcast %div3A_139 : f32 to vector<1x128xf32>
    %div3A_141 = arith.divf %broadcast_in_dim3A_138, %div3A_140 : vector<1x128xf32>
    %sub3A_142 = vector.broadcast %div3A_141 : vector<1x128xf32> to vector<10000x128xf32>
    %sub3A_143 = arith.subf %add3A_123, %sub3A_142 : vector<10000x128xf32>
    %square3A_144 = arith.mulf %sub3A_143, %sub3A_143 : vector<10000x128xf32>
    %convert_element_type3A_145 = arith.sitofp %jit3A_135 : i32 to f32
    %sub3A_146 = arith.constant 1.000000e+04 : f32
    %sub3A_147 = arith.subf %sub3A_146, %convert_element_type3A_145 : f32
    %reduce_sum3A_148 = arith.constant dense<0.000000e+00> : vector<128xf32>
    %reduce_sum3A_149 = vector.multi_reduction <add>, %square3A_144, %reduce_sum3A_148 [0] : vector<10000x128xf32> to vector<128xf32>
    %div3A_150 = vector.broadcast %sub3A_147 : f32 to vector<128xf32>
    %div3A_151 = arith.divf %reduce_sum3A_149, %div3A_150 : vector<128xf32>
    %gt3A_152 = arith.constant 0.000000e+00 : f32
    %gt3A_153 = arith.cmpf ogt, %sub3A_147, %gt3A_152 : f32
    %jit3A_154 = arith.constant 0x7FC00000 : f32
    %broadcast_in_dim3A_155 = vector.broadcast %jit3A_154 : f32 to vector<128xf32>
    %select_n3A_156 = arith.select %gt3A_153, %div3A_151, %broadcast_in_dim3A_155 : vector<128xf32>
    %broadcast_in_dim3A_157 = vector.shape_cast %div3A_134 : vector<128xf32> to vector<1x128xf32>
    %sub3A_158 = vector.broadcast %broadcast_in_dim3A_157 : vector<1x128xf32> to vector<10000x128xf32>
    %sub3A_159 = arith.subf %add3A_123, %sub3A_158 : vector<10000x128xf32>
    %mul3A_160 = vector.broadcast %get3A_126 : vector<1x128xf32> to vector<10000x128xf32>
    %mul3A_161 = arith.mulf %mul3A_160, %sub3A_159 : vector<10000x128xf32>
    %add3A_162 = arith.constant 9.99999974E-6 : f32
    %add3A_163 = vector.broadcast %add3A_162 : f32 to vector<128xf32>
    %add3A_164 = arith.addf %select_n3A_156, %add3A_163 : vector<128xf32>
    %sqrt3A_165 = math.sqrt %add3A_164 : vector<128xf32>
    %broadcast_in_dim3A_166 = vector.shape_cast %sqrt3A_165 : vector<128xf32> to vector<1x128xf32>
    %div3A_167 = vector.broadcast %broadcast_in_dim3A_166 : vector<1x128xf32> to vector<10000x128xf32>
    %div3A_168 = arith.divf %mul3A_161, %div3A_167 : vector<10000x128xf32>
    %add3A_169 = vector.broadcast %get3A_129 : vector<1x128xf32> to vector<10000x128xf32>
    %add3A_170 = arith.addf %div3A_168, %add3A_169 : vector<10000x128xf32>
    %max3A_171 = arith.constant 0.000000e+00 : f32
    %max3A_172 = vector.broadcast %max3A_171 : f32 to vector<10000x128xf32>
    %max3A_173 = arith.maximumf %add3A_170, %max3A_172 : vector<10000x128xf32>
    %swap3A = arith.constant 0 : index
    %swap3A_174 = arith.constant 0 : index
    %swap3A_175 = vector.load %arg13[%swap3A, %swap3A_174] : memref<10000x128xf32, #tpu.memory_space<vmem>>, vector<10000x128xf32>
    tpu.vector_store %arg13[%swap3A, %swap3A_174], %max3A_173 {strides = array<i32>} : memref<10000x128xf32, #tpu.memory_space<vmem>>, vector<10000x128xf32>,
    return
  }
}

</mosaic_0001>

<sc_bundles>
// kernel: kernel.12.cloned.1.call-start
scs
__scs_entry_jumppad:
0x0: {  	(pc) =	sbr.rel $0x88, $3  }
0x1: {  	(tag) =	ssettag $0x0;
	lr =	simm.s32 $0x1  }
0x2: {  	[smem:$0x3F72] =	sst lr;
	_ =	strace $0xD0000000  }
0x3: {  	_ = 	snop  }
0x4: {  	_ = 	snop  }
0x5: {  	_ = 	snop  }
0x6: {  	_ = 	snop  }
0x7: {  	_ = 	snop  }
__scs_overlays_trampoline_lowered:
0x8: {  	[smem:$0x3F81] =	sst s0  }
0x9: {  	[smem:$0x3F82] =	sst s1  }
0xa: {  	[smem:$0x3F83] =	sst s2  }
0xb: {  	[smem:$0x3F84] =	sst s3  }
0xc: {  	[smem:$0x3F85] =	sst s4  }
0xd: {  	[smem:$0x3F86] =	sst s5  }
0xe: {  	[smem:$0x3F87] =	sst s6  }
0xf: {  	[smem:$0x3F88] =	sst s7  }
0x10: {  	[smem:$0x3F89] =	sst s8  }
0x11: {  	[smem:$0x3F8A] =	sst s9;
	s0 =	simm.s32 @!p0 $0x0  }
0x12: {  	s1 =	sld [smem:$0x3F70];
	s0 =	simm.s32 @p0 $0x1  }
0x13: {  	[smem:$0x3F8B] =	sst s0;
	s0 =	simm.s32 @!p1 $0x0  }
0x14: {  	s2 =	sld [smem:$0x3F6F];
	s0 =	simm.s32 @p1 $0x1  }
0x15: {  	[smem:$0x3F8C] =	sst s0;
	s0 =	simm.s32 @!p2 $0x0  }
0x16: {  	s3 =	sld [smem:$0x3FDB];
	s0 =	simm.s32 @p2 $0x1  }
0x17: {  	s4 =	simm.s32 $0x1BF5;
	[smem:$0x3F8E] =	sst s0  }
0x18: {  	s0 =	sld [smem:$0x3F71];
	_ =	swait.ge [sflag:s4], $0x0  }
0x19: {  	s7 =	sld [smem:$0x3F72]  }
0x1a: {  	s8 =	sadd.s32 $0xFFFFE003, lr  }
0x1b: {  	s9 =	sadd.s32 $0xFFFFFEF7, lr;
	s5 =	simm.s32 $0xFFFFFFFF;
	p2 =	slt.u32 s8, $0xFFFFF086  }
0x1c: {  	p1 =	slt.u32 s9, $0xF7A;
	s5 =	simm.s32 @!p2 $0x0  }
0x1d: {  	s5 =	simm.s32 @p1 $0x1;
	p0 =	seq.s32 s7, s2  }
0x1e: {  	s7 =	smul.u32 @!p0 $0xF7A, s2;
	p2 =	seq.s32 @!p0 s5, $0x0  }
0x1f: {  	s9 =	smul.u32 $0xF7A, s1;
	s8 =	simm.s32 @!p0 $0x1BF5;
	p2 =	por !p2, p0  }
0x20: {  	[sflag:s8] =	ssyncset.s32 @!p0 $0xFFFFF086;
	s6 =	sadd.s32 @!p0 s3, s7;
	s7 =	simm.s32 @!p0 $0x108  }
0x21: {  	s3 =	sadd.s32 s3, s9;
	s6 =	sadd.s32 @!p0 $0x88, s6;
	s7 =	simm.s32 @p2 $0x1082  }
0x22: {  	[simem:s7], [sflag:s8] =	dma.local @!p0 [hbm:s6], $0xF7A  }
0x23: {  	s9 =	sor.u32 $0xD0000000, s2;
	s6 =	simm.s32 $0x108;
	_ =	swait.ge @!p0 [sflag:s8], $0x0  }
0x24: {  	s3 =	sadd.s32 $0x88, s3;
	s6 =	simm.s32 @!p1 $0x1082;
	[sflag:s4] =	ssyncset.s32 $0xFFFFF086  }
0x25: {  	[simem:s6], [sflag:s4] =	dma.local [hbm:s3], $0xF7A  }
0x26: {  	[smem:$0x3F72] =	sst s1;
	(tag) =	ssettag s2;
	_ =	strace s9  }
0x27: {  	s1 =	sld [smem:$0x3F82]  }
0x28: {  	s2 =	sld [smem:$0x3F83]  }
0x29: {  	s4 =	sld [smem:$0x3F85]  }
0x2a: {  	p0 =	seq.s32 s5, $0x0;
	s5 =	sld [smem:$0x3F86]  }
0x2b: {  	s6 =	sld [smem:$0x3F87]  }
0x2c: {  	s7 =	sld [smem:$0x3F88]  }
0x2d: {  	s3 =	simm.s32 $0x108;
	s8 =	sld [smem:$0x3F89]  }
0x2e: {  	s3 =	simm.s32 @!p0 $0x1082;
	s9 =	sld [smem:$0x3F8A]  }
0x2f: {  	lr =	sadd.s32 s0, s3;
	s0 =	sld [smem:$0x3F81]  }
0x30: {  	s3 =	sld [smem:$0x3F84]  }
0x31: {  	[smem:$0x3F8D] =	sst s10  }
0x32: {  	s10 =	sld [smem:$0x3F8B];
	_ =	sdelay $0x3  }
0x33: {  	p0 =	seq.s32 s10, $0x1;
	s10 =	sld [smem:$0x3F8D];
	_ =	sdelay $0x3  }
0x34: {  	[smem:$0x3F8D] =	sst s10  }
0x35: {  	s10 =	sld [smem:$0x3F8C];
	_ =	sdelay $0x3  }
0x36: {  	p1 =	seq.s32 s10, $0x1;
	s10 =	sld [smem:$0x3F8D];
	_ =	sdelay $0x3  }
0x37: {  	[smem:$0x3F8D] =	sst s10  }
0x38: {  	s10 =	sld [smem:$0x3F8E]  }
0x39: {  	_ = 	snop;
	(pc) =	sbr.ind lr, $3  }
0x3a: {  	_ = 	snop  }
0x3b: {  	_ = 	snop  }
0x3c: {  	p2 =	seq.s32 s10, $0x1;
	s10 =	sld [smem:$0x3F8D]  }
0x3d: {  	_ =	shalt  }
0x3e: {  	_ =	shalt  }
0x3f: {  	_ =	shalt  }
0x40: {  	_ =	shalt  }
0x41: {  	_ =	shalt  }
0x42: {  	_ =	shalt  }
0x43: {  	_ =	shalt  }
0x44: {  	_ =	shalt  }
0x45: {  	_ =	shalt  }
0x46: {  	_ =	shalt  }
0x47: {  	_ =	shalt  }
0x48: {  	_ =	shalt  }
0x49: {  	_ =	shalt  }
0x4a: {  	_ =	shalt  }
0x4b: {  	_ =	shalt  }
0x4c: {  	_ =	shalt  }
0x4d: {  	_ =	shalt  }
0x4e: {  	_ =	shalt  }
0x4f: {  	_ =	shalt  }
0x50: {  	_ =	shalt  }
0x51: {  	_ =	shalt  }
0x52: {  	_ =	shalt  }
0x53: {  	_ =	shalt  }
0x54: {  	_ =	shalt  }
0x55: {  	_ =	shalt  }
0x56: {  	_ =	shalt  }
0x57: {  	_ =	shalt  }
0x58: {  	_ =	shalt  }
0x59: {  	_ =	shalt  }
0x5a: {  	_ =	shalt  }
0x5b: {  	_ =	shalt  }
0x5c: {  	_ =	shalt  }
0x5d: {  	_ =	shalt  }
0x5e: {  	_ =	shalt  }
0x5f: {  	_ =	shalt  }
0x60: {  	_ =	shalt  }
0x61: {  	_ =	shalt  }
0x62: {  	_ =	shalt  }
0x63: {  	_ =	shalt  }
0x64: {  	_ =	shalt  }
0x65: {  	_ =	shalt  }
0x66: {  	_ =	shalt  }
0x67: {  	_ =	shalt  }
0x68: {  	_ =	shalt  }
0x69: {  	_ =	shalt  }
0x6a: {  	_ =	shalt  }
0x6b: {  	_ =	shalt  }
0x6c: {  	_ =	shalt  }
0x6d: {  	_ =	shalt  }
0x6e: {  	_ =	shalt  }
0x6f: {  	_ =	shalt  }
0x70: {  	_ =	shalt  }
0x71: {  	_ =	shalt  }
0x72: {  	_ =	shalt  }
0x73: {  	_ =	shalt  }
0x74: {  	_ =	shalt  }
0x75: {  	_ =	shalt  }
0x76: {  	_ =	shalt  }
0x77: {  	_ =	shalt  }
0x78: {  	_ =	shalt  }
0x79: {  	_ =	shalt  }
0x7a: {  	_ =	shalt  }
0x7b: {  	_ =	shalt  }
0x7c: {  	_ =	shalt  }
0x7d: {  	_ =	shalt  }
0x7e: {  	_ =	shalt  }
0x7f: {  	_ =	shalt  }
0x80: {  	_ =	shalt  }
0x81: {  	_ =	shalt  }
0x82: {  	_ =	shalt  }
0x83: {  	_ =	shalt  }
0x84: {  	_ =	shalt  }
0x85: {  	_ =	shalt  }
0x86: {  	_ =	shalt  }
0x87: {  	_ =	shalt  }
.Lfunc_end0:
.L_simem_size_0:
called_computation.1_lowered:
.L_overlay_start_0:
0x88: {  	s2 =	sld [smem:$0x3FD9]  }
0x89: {  	s3 =	sld [smem:$0x3FFE];
	_ =	sdelay $0x1  }
0x8a: {  	s1 =	srdreg.scid  }
0x8b: {  	s0 =	sand.u32 $0x1, s1  }
0x8c: {  	s17 =	sshll.u32 s0, $0xA;
	s2 =	sadd.s32 s3, s2  }
0x8d: {  	s2 =	sadd.s32 s2, s17  }
0x8e: {  	[smem:$0x3F99] =	sst s2  }
0x8f: {  	_ = 	snop  }
0x90: {  	s18 =	sld [smem:$0x3FD0];
	(tm) =	ssettm $0x1  }
0x91: {  	s19 =	sld [smem:$0x3FFB];
	_ =	sdelay $0x3  }
0x92: {  	_ =	strace s19  }
0x93: {  	s2 =	sld [smem:$0x3FFC];
	_ =	sdelay $0x3  }
0x94: {  	_ =	strace s2  }
0x95: {  	s2 =	sld [smem:$0x3FFD];
	_ =	sdelay $0x3  }
0x96: {  	_ =	strace s2  }
0x97: {  	_ =	strace $0x8FFFFFFF  }
0x98: {  	s20 =	sld [smem:$0x3FDB];
	_ =	sdelay $0x1  }
0x99: {  	s4 =	simm.s32 $_scs_section_size  }
0x9a: {  	s5 =	simm.s32 $_size__tile_overlayer_lowered;
	s6 =	simm.s32 $_tile_overlayer_lowered  }
0x9b: {  	s7 =	simm.s32 $0x1BFF;
	s21 =	sshll.u32 s6, $0x1;
	s4 =	sadd.s32 s4, s20  }
0x9c: {  	s22 =	simm.s32 $0x0;
	s5 =	sshll.u32 s5, $0x1;
	s6 =	sadd.s32 s21, s4  }
0x9d: {  	[timem:s22], [sflag:s7] =	dma.local [hbm:s6], s5  }
0x9e: {  	_ =	swait.ge [sflag:s7], s5  }
0x9f: {  	s5 =	ssub.s32 $0x0, s5;
	[sflag:s7] =	ssyncset.done $0x0  }
0xa0: {  	[sflag:s7] =	ssyncadd.s32 s5;
	_ =	sdelay $0x1  }
0xa1: {  	s23 =	simm.s32 $0x1B8B  }
0xa2: {  	_ =	swait.ge [sflag:s23], $0x1  }
0xa3: {  	[sflag:s23] =	ssyncset.done $0x0  }
0xa4: {  	[sflag:s23] =	ssyncadd.s32 $0xFFFFFFFF  }
0xa5: {  	s5 =	sld [smem:$0x0]  }
0xa6: {  	s6 =	sand.u32 $0xFFFFFFFE, s1  }
0xa7: {  	p0 =	sne.s32 s1, s6  }
0xa8: {  	s6 =	sshll.u32 @p0 s6, $0xE  }
0xa9: {  	s6 =	sadd.s32 @p0 $0x11B8D, s6;
	s7 =	sshll.u32 @p0 s5, $0x11  }
0xaa: {  	s6 =	sor.u32 @p0 s7, s6  }
0xab: {  	[sflag:s6] =	ssyncadd.remote.s32 @p0 $0x1;
	_ =	sdelay $0x1  }
0xac: {  	s6 =	simm.s32 @p0 $0x1B8D  }
0xad: {  	_ =	swait.eq @p0 [sflag:s6], $0x1  }
0xae: {  	[sflag:s6] =	ssyncadd.s32 @p0 $0xFFFFFFFF  }
0xaf: {  	s7 =	sshll.u32 @!p0 s1, $0xE  }
0xb0: {  	s7 =	sor.u32 @!p0 $0x4000, s7;
	s6 =	simm.s32 @!p0 $0x1B8D  }
0xb1: {  	s5 =	sshll.u32 @!p0 s5, $0x11;
	s7 =	sadd.s32 @!p0 $0x11B8D, s7;
	_ =	swait.eq @!p0 [sflag:s6], $0x1  }
0xb2: {  	s5 =	sor.u32 @!p0 s5, s7;
	[sflag:s6] =	ssyncadd.s32 @!p0 $0xFFFFFFFF  }
0xb3: {  	s25 =	simm.s32 $0x1B8E;
	s24 =	sld [smem:$0x3FFE];
	[sflag:s5] =	ssyncadd.remote.s32 @!p0 $0x1  }
0xb4: {  	s26 =	simm.s32 $execute0_lowered;
	[smem:$0x3FD2] =	sst s25  }
0xb5: {  	s6 =	sshll.u32 s26, $0x1;
	_ =	strace $0x80000049;
	[dreg:$0x1] =	wrdreg $0xFFFFFFFF  }
0xb6: {  	s28 =	simm.s32 $_size_execute0_lowered;
	s4 =	sadd.s32 s4, s6;
	[dreg:$0x0] =	wrdreg $0x0  }
0xb7: {  	s6 =	sshll.u32 s28, $0x1;
	[dreg:$0x2] =	wrdreg s4  }
0xb8: {  	[dreg:$0x3] =	wrdreg s6  }
0xb9: {  	[dreg:$0x4] =	wrdreg $0xC0  }
0xba: {  	_ =	task [dreg:s22], $0x5FFFF  }
0xbb: {  	[dreg:$0x1] =	wrdreg $0xFFFFFFFF  }
0xbc: {  	[dreg:$0x0] =	wrdreg $0x60  }
0xbd: {  	[dreg:$0x2] =	wrdreg s18  }
0xbe: {  	[dreg:$0x3] =	wrdreg s24  }
0xbf: {  	[dreg:$0x4] =	wrdreg $0xA8000  }
0xc0: {  	[dreg:$0x5] =	wrdreg $0xA  }
0xc1: {  	_ =	task.clear_ibuf [dreg:s22], $0x6FFFF;
	_ =	strace $0x90000049  }
0xc2: {  	s29 =	simm.s32 $0xA;
	_ =	strace $0x8000004B  }
0xc3: {  	_ =	swait.ge [sflag:s29], $0x1  }
0xc4: {  	[sflag:s29] =	ssyncadd.s32 $0xFFFFFFFF  }
0xc5: {  	_ =	strace $0x9000004B  }
0xc6: {  	_ =	sfence  }
0xc7: {  	s30 =	sld [smem:$0x0];
	_ =	sdelay $0x2  }
0xc8: {  	s31 =	sshll.u32 s1, $0xD;
	s1 =	sshrl.u32 s1, $0x2  }
0xc9: {  	s4 =	sand.u32 $0x4000, s31;
	s1 =	sadd.s32 s1, s30  }
0xca: {  	s0 =	sor.u32 s4, s0;
	s1 =	sshll.u32 s1, $0x11  }
0xcb: {  	s0 =	sor.u32 s1, s0  }
0xcc: {  	s0 =	sadd.s32 $0x8F2B, s0  }
0xcd: {  	[sflag:s0] =	ssyncadd.remote.s32 $0x1  }
0xce: {  	_ =	sfence.sel $0xFFFF  }
0xcf: {  	[dreg:$0x0] =	wrdreg $0xFFFFFFFF;
	(pc) =	sbr.abs _section_cstart, $3  }
0xd0: {  	[dreg:$0x1] =	wrdreg $0xFFFFFFFF  }
0xd1: {  	_ =	task.clear_ibuf [dreg:s22], $0x2FFFF;
	_ =	strace $0x9FFFFFFF  }
0xd2: {  	(tm) =	ssettm $0x7FFFFFFF  }
0xd3: {  	_ =	shalt  }
tec
execute0_lowered:
.L_overlay_start_1:
0x0: {  	(tag) =	ssettag $0x1  }
0x1: {  	s1 =	rddreg [dreg:$0x0]  }
0x2: {  	s0 =	rddreg [dreg:$0x1]  }
0x3: {  	s3 =	rddreg [dreg:$0x2]  }
0x4: {  	s5 =	srdreg.scid;
	s2 =	stileid.u32  }
0x5: {  	s4 =	simm.s32 $0x0;
	s16 =	simm.s32 $0x3;
	s17 =	simm.s32 $0x1400  }
0x6: {  	s18 =	simm.s32 $0x80;
	s19 =	simm.s32 $0x2800;
	s20 =	simm.s32 $0x6800  }
0x7: {  	s21 =	simm.s32 $0x1;
	s22 =	simm.s32 $0x2;
	s28 =	simm.s32 $0x2600  }
0x8: {  	s29 =	simm.s32 $0x2680;
	s30 =	simm.s32 $0x0;
	s5 =	sand.u32 $0x1, s5  }
0x9: {  	s6 =	smul.u32 $0x14000, s2;
	[smem:$0x7FF] =	sst s4;
	s10 =	sadd.s32 $0x1800, s0  }
0xa: {  	s24 =	sshll.u32 s2, $0x6;
	s31 =	sshll.u32 s2, $0x4;
	s7 =	smul.u32 $0x140000, s5  }
0xb: {  	_ =	strace $0x8000004A;
	s8 =	sshll.u32 s5, $0x4;
	s9 =	ssub.s32 $0x2, s5  }
0xc: {  	s5 =	sadd.s32 $0x50C00, s0;
	s12 =	sadd.s32 s31, s10;
	s25 =	sor.u32 s2, s8  }
0xd: {  	s23 =	sshrl.u32 s9, $0x1;
	s15 =	sadd.s32 s6, s3;
	s7 =	sadd.s32 s6, s7  }
0xe: {  	s11 =	smul.u32 $0x2700, s25;
	s14 =	ssub.s32 s9, s23;
	s6 =	sor.u32 $0x1C03, s24  }
0xf: {  	s15 =	sshrl.u32 s15, $0x3;
	p0 =	sgt.u32 s25, $0x3;
	s7 =	sshrl.u32 s7, $0x3  }
0x10: {  	s25 =	simm.s32 $0x2780;
	s14 =	smax.u32 s14, $0x1;
	s0 =	sadd.s32 s7, s0  }
0x11: {  	s26 =	sshrl.u32 s11, $0x3;
	s11 =	sadd.s32 $0x13840, s12;
	s12 =	sadd.s32 $0x9C00, s12  }
0x12: {  	s7 =	sadd.s32 s10, s26;
	s13 =	sadd.s32 $0x53400, s0;
	s26 =	simm.s32 $0x1280  }
0x13: {  	s8 =	sadd.s32 $0x9C40, s7;
	s9 =	sadd.s32 $0x9EC0, s7;
	s10 =	sadd.s32 $0x280, s7  }
.LBB2_1:
0x14: {  	[spmem:s15], [sflag:s6] =	dma.local [hbm:s5], $0x2800  }
0x15: {  	_ =	swait.ge [sflag:s16], $0x2800  }
0x16: {  	[sflag:s16] =	ssyncset.done $0x0  }
0x17: {  	[sflag:s16] =	ssyncadd.s32 $0xFFFFD800  }
0x18: {  	[bflag:$0x0] =	sbarrier.arrive $0xFFFF  }
0x19: {  	[tilespmem:s4], [sflag:$0x3] =	stream.linear.gather [hbm4b:s8+s4], $0x1400, $0x38;
	[tilespmem:$0x1E800] =	vst v63  }
0x1a: {  	_ =	swait.ge [sflag:s16], $0x1400  }
0x1b: {  	[sflag:s16] =	ssyncset.done $0x0  }
0x1c: {  	[sflag:s16] =	ssyncadd.s32 $0xFFFFEC00  }
0x1d: {  	[tilespmem:s17], [sflag:$0x3] =	stream.linear.gather [hbm4b:s7+s4], $0x1400, $0x38;
	[tilespmem:$0x1E800] =	vst v63  }
0x1e: {  	_ =	swait.ge [sflag:s16], $0x1400  }
0x1f: {  	[sflag:s16] =	ssyncset.done $0x0  }
0x20: {  	[sflag:s16] =	ssyncadd.s32 $0xFFFFEC00  }
0x21: {  	[tilespmem:s19], [sflag:$0x1] =	stream.indirect.gather [hbm4b:s1+s18], $0x80, s4, s18, $0xb8;
	[tilespmem:$0x1E800] =	vst v63  }
0x22: {  	s0 =	simm.s32 $0x80  }
0x23: {  	[tilespmem:s20], [sflag:$0x2] =	stream.indirect.gather [hbm4b:s1+s18], $0x80, s0, s18, $0xb8;
	[tilespmem:$0x1E800] =	vst v63  }
0x24: {  	_ =	swait.ge [sflag:s21], $0x4000  }
0x25: {  	[sflag:s21] =	ssyncset.done $0x0  }
0x26: {  	s2 =	simm.s32 $0x1400;
	[sflag:s21] =	ssyncadd.s32 $0xFFFFC000  }
0x27: {  	[spmem:s3] =	stream.indirect.scatter.add.f32 [tilespmem:s19], [sflag:$0x3], $0x80, s2, s18, $0xb8;
	[tilespmem:$0x1E800] =	vst v63  }
0x28: {  	_ =	swait.ge [sflag:s16], $0x4000  }
0x29: {  	[sflag:s16] =	ssyncset.done $0x0  }
0x2a: {  	s23 =	simm.s32 $0x100;
	[sflag:s16] =	ssyncadd.s32 $0xFFFFC000  }
0x2b: {  	[tilespmem:s19], [sflag:$0x1] =	stream.indirect.gather [hbm4b:s1+s18], $0x80, s23, s18, $0xb8;
	[tilespmem:$0x1E800] =	vst v63  }
0x2c: {  	_ =	swait.ge [sflag:s22], $0x4000  }
0x2d: {  	[sflag:s22] =	ssyncset.done $0x0  }
0x2e: {  	s24 =	simm.s32 $0x1480;
	[sflag:s22] =	ssyncadd.s32 $0xFFFFC000  }
0x2f: {  	[spmem:s3] =	stream.indirect.scatter.add.f32 [tilespmem:s20], [sflag:$0x3], $0x80, s24, s18, $0xb8;
	[tilespmem:$0x1E800] =	vst v63  }
0x30: {  	_ =	swait.ge [sflag:s16], $0x4000  }
0x31: {  	s31 =	simm.s32 $0x100;
	s0 =	simm.s32 $0x800;
	[sflag:s16] =	ssyncset.done $0x0  }
.LBB2_2:
0x32: {  	s2 =	sadd.s32 $0x80, s31  }
0x33: {  	[sflag:s16] =	ssyncadd.s32 $0xFFFFC000;
	s23 =	smov.u32 s0;
	s24 =	sadd.s32 $0x400, s0  }
0x34: {  	[tilespmem:s20], [sflag:$0x2] =	stream.indirect.gather [hbm4b:s1+s18], $0x80, s2, s18, $0xb8;
	[tilespmem:$0x1E800] =	vst v63  }
0x35: {  	p1 =	sne.s32 s0, $0x4800;
	_ =	swait.ge [sflag:s21], $0x4000  }
0x36: {  	[sflag:s21] =	ssyncset.done $0x0  }
0x37: {  	s0 =	sadd.s32 $0x1400, s31;
	[sflag:s21] =	ssyncadd.s32 $0xFFFFC000  }
0x38: {  	[spmem:s3] =	stream.indirect.scatter.add.f32 [tilespmem:s19], [sflag:$0x3], $0x80, s0, s18, $0xb8;
	[tilespmem:$0x1E800] =	vst v63  }
0x39: {  	_ =	swait.ge [sflag:s16], $0x4000  }
0x3a: {  	[sflag:s16] =	ssyncset.done $0x0  }
0x3b: {  	s0 =	sadd.s32 $0x100, s31;
	[sflag:s16] =	ssyncadd.s32 $0xFFFFC000  }
0x3c: {  	[tilespmem:s19], [sflag:$0x1] =	stream.indirect.gather [hbm4b:s1+s18], $0x80, s0, s18, $0xb8;
	[tilespmem:$0x1E800] =	vst v63  }
0x3d: {  	_ =	swait.ge [sflag:s22], $0x4000  }
.Ltmp0:
0x3e: {  	[sflag:s22] =	ssyncset.done $0x0;
	(pc) =	sbr.rel @p1 .LBB2_2-.Ltmp0, $4  }
0x3f: {  	s0 =	sadd.s32 $0x1480, s31;
	[sflag:s22] =	ssyncadd.s32 $0xFFFFC000  }
0x40: {  	[spmem:s3] =	stream.indirect.scatter.add.f32 [tilespmem:s20], [sflag:$0x3], $0x80, s0, s18, $0xb8;
	[tilespmem:$0x1E800] =	vst v63  }
0x41: {  	_ =	swait.ge [sflag:s16], $0x4000  }
0x42: {  	s31 =	sshra.s32 s23, $0x2;
	s0 =	smov.u32 s24;
	[sflag:s16] =	ssyncset.done $0x0  }
0x43: {  	s0 =	sadd.s32 $0x80, s31;
	[sflag:s16] =	ssyncadd.s32 $0xFFFFC000  }
0x44: {  	[tilespmem:s20], [sflag:$0x2] =	stream.indirect.gather [hbm4b:s1+s18], $0x80, s0, s18, $0xb8;
	[tilespmem:$0x1E800] =	vst v63  }
0x45: {  	_ =	swait.ge [sflag:s21], $0x4000  }
0x46: {  	[sflag:s21] =	ssyncset.done $0x0  }
0x47: {  	s24 =	sadd.s32 $0x1400, s31;
	[sflag:s21] =	ssyncadd.s32 $0xFFFFC000  }
0x48: {  	[spmem:s3] =	stream.indirect.scatter.add.f32 [tilespmem:s19], [sflag:$0x3], $0x80, s24, s18, $0xb8;
	[tilespmem:$0x1E800] =	vst v63  }
0x49: {  	_ =	swait.ge [sflag:s16], $0x4000  }
0x4a: {  	[sflag:s16] =	ssyncset.done $0x0  }
0x4b: {  	s2 =	sadd.s32 $0x100, s31;
	[sflag:s16] =	ssyncadd.s32 $0xFFFFC000  }
0x4c: {  	[tilespmem:s19], [sflag:$0x1] =	stream.indirect.gather [hbm4b:s1+s18], $0x80, s2, s18, $0xb8;
	[tilespmem:$0x1E800] =	vst v63  }
0x4d: {  	_ =	swait.ge [sflag:s22], $0x4000  }
0x4e: {  	[sflag:s22] =	ssyncset.done $0x0  }
0x4f: {  	s23 =	sadd.s32 $0x1480, s31;
	[sflag:s22] =	ssyncadd.s32 $0xFFFFC000  }
0x50: {  	[spmem:s3] =	stream.indirect.scatter.add.f32 [tilespmem:s20], [sflag:$0x3], $0x80, s23, s18, $0xb8;
	[tilespmem:$0x1E800] =	vst v63  }
0x51: {  	_ =	swait.ge [sflag:s16], $0x4000  }
0x52: {  	[sflag:s16] =	ssyncset.done $0x0  }
0x53: {  	s24 =	simm.s32 $0x1380;
	[sflag:s16] =	ssyncadd.s32 $0xFFFFC000  }
0x54: {  	[tilespmem:s20], [sflag:$0x2] =	stream.indirect.gather [hbm4b:s1+s18], $0x80, s24, s18, $0xb8;
	[tilespmem:$0x1E800] =	vst v63  }
0x55: {  	_ =	swait.ge [sflag:s21], $0x4000  }
0x56: {  	[sflag:s21] =	ssyncset.done $0x0  }
0x57: {  	s2 =	simm.s32 $0x2700;
	[sflag:s21] =	ssyncadd.s32 $0xFFFFC000  }
0x58: {  	[spmem:s3] =	stream.indirect.scatter.add.f32 [tilespmem:s19], [sflag:$0x3], $0x80, s2, s18, $0xb8;
	[tilespmem:$0x1E800] =	vst v63  }
0x59: {  	_ =	swait.ge [sflag:s16], $0x4000  }
0x5a: {  	[sflag:s16] =	ssyncset.done $0x0  }
0x5b: {  	[sflag:s16] =	ssyncadd.s32 $0xFFFFC000  }
0x5c: {  	_ =	swait.ge [sflag:s22], $0x4000  }
0x5d: {  	[sflag:s22] =	ssyncset.done $0x0  }
0x5e: {  	[sflag:s22] =	ssyncadd.s32 $0xFFFFC000  }
0x5f: {  	[spmem:s3] =	stream.indirect.scatter.add.f32 [tilespmem:s20], [sflag:$0x3], $0x80, s25, s18, $0xb8;
	[tilespmem:$0x1E800] =	vst v63  }
0x60: {  	_ =	swait.ge [sflag:s16], $0x4000  }
0x61: {  	[sflag:s16] =	ssyncset.done $0x0  }
0x62: {  	s23 =	simm.s32 $0x0;
	[sflag:s16] =	ssyncadd.s32 $0xFFFFC000  }
0x63: {  	[tilespmem:s23], [sflag:$0x3] =	stream.linear.gather [hbm4b:s9+s23], $0x1300, $0x38;
	[tilespmem:$0x1E800] =	vst v63  }
0x64: {  	_ =	swait.ge [sflag:s16], $0x1300  }
0x65: {  	[sflag:s16] =	ssyncset.done $0x0  }
0x66: {  	[sflag:s16] =	ssyncadd.s32 $0xFFFFED00  }
0x67: {  	[tilespmem:s17], [sflag:$0x3] =	stream.linear.gather [hbm4b:s10+s23], $0x1300, $0x38;
	[tilespmem:$0x1E800] =	vst v63  }
0x68: {  	_ =	swait.ge [sflag:s16], $0x1300  }
0x69: {  	[sflag:s16] =	ssyncset.done $0x0  }
0x6a: {  	[sflag:s16] =	ssyncadd.s32 $0xFFFFED00  }
0x6b: {  	[tilespmem:s19], [sflag:$0x1] =	stream.indirect.gather [hbm4b:s1+s18], $0x80, s23, s18, $0xb8;
	[tilespmem:$0x1E800] =	vst v63  }
0x6c: {  	s24 =	simm.s32 $0x80  }
0x6d: {  	[tilespmem:s20], [sflag:$0x2] =	stream.indirect.gather [hbm4b:s1+s18], $0x80, s24, s18, $0xb8;
	[tilespmem:$0x1E800] =	vst v63  }
0x6e: {  	_ =	swait.ge [sflag:s21], $0x4000  }
0x6f: {  	[sflag:s21] =	ssyncset.done $0x0  }
0x70: {  	s2 =	simm.s32 $0x1400;
	[sflag:s21] =	ssyncadd.s32 $0xFFFFC000  }
0x71: {  	[spmem:s3] =	stream.indirect.scatter.add.f32 [tilespmem:s19], [sflag:$0x3], $0x80, s2, s18, $0xb8;
	[tilespmem:$0x1E800] =	vst v63  }
0x72: {  	_ =	swait.ge [sflag:s16], $0x4000  }
0x73: {  	[sflag:s16] =	ssyncset.done $0x0  }
0x74: {  	s23 =	simm.s32 $0x100;
	[sflag:s16] =	ssyncadd.s32 $0xFFFFC000  }
0x75: {  	[tilespmem:s19], [sflag:$0x1] =	stream.indirect.gather [hbm4b:s1+s18], $0x80, s23, s18, $0xb8;
	[tilespmem:$0x1E800] =	vst v63  }
0x76: {  	_ =	swait.ge [sflag:s22], $0x4000  }
0x77: {  	[sflag:s22] =	ssyncset.done $0x0  }
0x78: {  	s24 =	simm.s32 $0x1480;
	[sflag:s22] =	ssyncadd.s32 $0xFFFFC000  }
0x79: {  	[spmem:s3] =	stream.indirect.scatter.add.f32 [tilespmem:s20], [sflag:$0x3], $0x80, s24, s18, $0xb8;
	[tilespmem:$0x1E800] =	vst v63  }
0x7a: {  	_ =	swait.ge [sflag:s16], $0x4000  }
0x7b: {  	s31 =	simm.s32 $0x100;
	s0 =	simm.s32 $0x800;
	[sflag:s16] =	ssyncset.done $0x0  }
.LBB2_4:
0x7c: {  	s2 =	sadd.s32 $0x80, s31  }
0x7d: {  	[sflag:s16] =	ssyncadd.s32 $0xFFFFC000;
	s23 =	smov.u32 s0;
	s24 =	sadd.s32 $0x400, s0  }
0x7e: {  	[tilespmem:s20], [sflag:$0x2] =	stream.indirect.gather [hbm4b:s1+s18], $0x80, s2, s18, $0xb8;
	[tilespmem:$0x1E800] =	vst v63  }
0x7f: {  	p1 =	sne.s32 s0, $0x4400;
	_ =	swait.ge [sflag:s21], $0x4000  }
0x80: {  	[sflag:s21] =	ssyncset.done $0x0  }
0x81: {  	s0 =	sadd.s32 $0x1400, s31;
	[sflag:s21] =	ssyncadd.s32 $0xFFFFC000  }
0x82: {  	[spmem:s3] =	stream.indirect.scatter.add.f32 [tilespmem:s19], [sflag:$0x3], $0x80, s0, s18, $0xb8;
	[tilespmem:$0x1E800] =	vst v63  }
0x83: {  	_ =	swait.ge [sflag:s16], $0x4000  }
0x84: {  	[sflag:s16] =	ssyncset.done $0x0  }
0x85: {  	s0 =	sadd.s32 $0x100, s31;
	[sflag:s16] =	ssyncadd.s32 $0xFFFFC000  }
0x86: {  	[tilespmem:s19], [sflag:$0x1] =	stream.indirect.gather [hbm4b:s1+s18], $0x80, s0, s18, $0xb8;
	[tilespmem:$0x1E800] =	vst v63  }
0x87: {  	_ =	swait.ge [sflag:s22], $0x4000  }
.Ltmp1:
0x88: {  	[sflag:s22] =	ssyncset.done $0x0;
	(pc) =	sbr.rel @p1 .LBB2_4-.Ltmp1, $4  }
0x89: {  	s0 =	sadd.s32 $0x1480, s31;
	[sflag:s22] =	ssyncadd.s32 $0xFFFFC000  }
0x8a: {  	[spmem:s3] =	stream.indirect.scatter.add.f32 [tilespmem:s20], [sflag:$0x3], $0x80, s0, s18, $0xb8;
	[tilespmem:$0x1E800] =	vst v63  }
0x8b: {  	_ =	swait.ge [sflag:s16], $0x4000  }
0x8c: {  	s31 =	sshra.s32 s23, $0x2;
	s0 =	smov.u32 s24;
	[sflag:s16] =	ssyncset.done $0x0  }
0x8d: {  	s0 =	sadd.s32 $0x80, s31;
	[sflag:s16] =	ssyncadd.s32 $0xFFFFC000  }
0x8e: {  	[tilespmem:s20], [sflag:$0x2] =	stream.indirect.gather [hbm4b:s1+s18], $0x80, s0, s18, $0xb8;
	[tilespmem:$0x1E800] =	vst v63  }
0x8f: {  	_ =	swait.ge [sflag:s21], $0x4000  }
0x90: {  	[sflag:s21] =	ssyncset.done $0x0  }
0x91: {  	s23 =	sadd.s32 $0x1400, s31;
	[sflag:s21] =	ssyncadd.s32 $0xFFFFC000  }
0x92: {  	[spmem:s3] =	stream.indirect.scatter.add.f32 [tilespmem:s19], [sflag:$0x3], $0x80, s23, s18, $0xb8;
	[tilespmem:$0x1E800] =	vst v63  }
0x93: {  	_ =	swait.ge [sflag:s16], $0x4000  }
0x94: {  	[sflag:s16] =	ssyncset.done $0x0  }
0x95: {  	s24 =	sadd.s32 $0x100, s31;
	[sflag:s16] =	ssyncadd.s32 $0xFFFFC000  }
0x96: {  	[tilespmem:s19], [sflag:$0x1] =	stream.indirect.gather [hbm4b:s1+s18], $0x80, s24, s18, $0xb8;
	[tilespmem:$0x1E800] =	vst v63  }
0x97: {  	_ =	swait.ge [sflag:s22], $0x4000  }
0x98: {  	[sflag:s22] =	ssyncset.done $0x0  }
0x99: {  	s31 =	sadd.s32 $0x1480, s31;
	[sflag:s22] =	ssyncadd.s32 $0xFFFFC000  }
0x9a: {  	[spmem:s3] =	stream.indirect.scatter.add.f32 [tilespmem:s20], [sflag:$0x3], $0x80, s31, s18, $0xb8;
	[tilespmem:$0x1E800] =	vst v63  }
0x9b: {  	_ =	swait.ge [sflag:s16], $0x4000  }
0x9c: {  	[sflag:s16] =	ssyncset.done $0x0  }
0x9d: {  	[sflag:s16] =	ssyncadd.s32 $0xFFFFC000  }
0x9e: {  	[tilespmem:s20], [sflag:$0x2] =	stream.indirect.gather [hbm4b:s1+s18], $0x80, s26, s18, $0xb8;
	[tilespmem:$0x1E800] =	vst v63  }
0x9f: {  	_ =	swait.ge [sflag:s21], $0x4000  }
0xa0: {  	[sflag:s21] =	ssyncset.done $0x0  }
0xa1: {  	[sflag:s21] =	ssyncadd.s32 $0xFFFFC000  }
0xa2: {  	[spmem:s3] =	stream.indirect.scatter.add.f32 [tilespmem:s19], [sflag:$0x3], $0x80, s28, s18, $0xb8;
	[tilespmem:$0x1E800] =	vst v63  }
0xa3: {  	_ =	swait.ge [sflag:s16], $0x4000  }
0xa4: {  	[sflag:s16] =	ssyncset.done $0x0  }
0xa5: {  	[sflag:s16] =	ssyncadd.s32 $0xFFFFC000  }
0xa6: {  	_ =	swait.ge [sflag:s22], $0x4000  }
0xa7: {  	[sflag:s22] =	ssyncset.done $0x0  }
0xa8: {  	[sflag:s22] =	ssyncadd.s32 $0xFFFFC000  }
0xa9: {  	[spmem:s3] =	stream.indirect.scatter.add.f32 [tilespmem:s20], [sflag:$0x3], $0x80, s29, s18, $0xb8;
	[tilespmem:$0x1E800] =	vst v63  }
0xaa: {  	_ =	swait.ge [sflag:s16], $0x4000  }
0xab: {  	[sflag:s16] =	ssyncset.done $0x0  }
0xac: {  	s2 =	simm.s32 @!p0 $0x3;
	s0 =	simm.s32 @!p0 $0x0;
	[sflag:s16] =	ssyncadd.s32 $0xFFFFC000  }
0xad: {  	[tilespmem:s0], [sflag:$0x3] =	stream.linear.gather @!p0 [hbm4b:s11+s0], $0x80, $0x38;
	[tilespmem:$0x1E800] =	vst v63  }
0xae: {  	_ =	swait.ge @!p0 [sflag:s2], $0x80  }
0xaf: {  	[sflag:s2] =	ssyncset.done @!p0 $0x0  }
0xb0: {  	s23 =	simm.s32 @!p0 $0x1400;
	[sflag:s2] =	ssyncadd.s32 @!p0 $0xFFFFFF80  }
0xb1: {  	[tilespmem:s23], [sflag:$0x3] =	stream.linear.gather @!p0 [hbm4b:s12+s0], $0x80, $0x38;
	[tilespmem:$0x1E800] =	vst v63  }
0xb2: {  	_ =	swait.ge @!p0 [sflag:s2], $0x80  }
0xb3: {  	[sflag:s2] =	ssyncset.done @!p0 $0x0  }
0xb4: {  	s24 =	simm.s32 @!p0 $0x80;
	s31 =	simm.s32 @!p0 $0x2800;
	[sflag:s2] =	ssyncadd.s32 @!p0 $0xFFFFFF80  }
0xb5: {  	[tilespmem:s31], [sflag:$0x1] =	stream.indirect.gather @!p0 [hbm4b:s1+s24], $0x80, s0, s24, $0xb8;
	[tilespmem:$0x1E800] =	vst v63  }
0xb6: {  	s0 =	simm.s32 @!p0 $0x1  }
0xb7: {  	_ =	swait.ge @!p0 [sflag:s0], $0x4000  }
0xb8: {  	[sflag:s0] =	ssyncset.done @!p0 $0x0  }
0xb9: {  	[sflag:s0] =	ssyncadd.s32 @!p0 $0xFFFFC000  }
0xba: {  	[spmem:s3] =	stream.indirect.scatter.add.f32 @!p0 [tilespmem:s31], [sflag:$0x3], $0x80, s23, s24, $0xb8;
	[tilespmem:$0x1E800] =	vst v63  }
0xbb: {  	_ =	swait.ge @!p0 [sflag:s2], $0x4000  }
0xbc: {  	s30 =	sadd.s32 $0x1, s30;
	[sflag:s2] =	ssyncset.done @!p0 $0x0  }
0xbd: {  	p1 =	sne.s32 s30, s14;
	[sflag:s2] =	ssyncadd.s32 @!p0 $0xFFFFC000  }
.Ltmp2:
0xbe: {  	[bflag:$0x0] =	sbarrier.arrive $0xFFFF;
	(pc) =	sbr.rel @p1 .LBB2_1-.Ltmp2, $4  }
0xbf: {  	[hbm:s13], [sflag:s6] =	dma.local [spmem:s15], $0x2800  }
0xc0: {  	_ =	swait.ge [sflag:s16], $0x2800  }
0xc1: {  	[sflag:s16] =	ssyncset.done $0x0  }
0xc2: {  	[sflag:s16] =	ssyncadd.s32 $0xFFFFD800  }
0xc3: {  	_ =	sfence.sel $0x180000  }
0xc4: {  	[bflag:$0x0] =	sbarrier.arrive $0xFFFF  }
0xc5: {  	_ =	strace $0x9000004A  }
0xc6: {  	s0 =	stileid.u32;
	[bflag:$0x2] =	sbarrier.arrive $0xFFFF  }
0xc7: {  	p0 =	sne.s32 s0, $0x0;
	s0 =	rddreg [dreg:$0x3]  }
0xc8: {  	s0 =	sadd.s32 @!p0 $0x100000, s0  }
0xc9: {  	[sflag:s0] =	ssyncadd.tile.s32 @!p0 $0x1;
	_ =	shalt  }
.Lfunc_end2:
_tile_overlayer_lowered:
.L_overlay_start_2:
0xca: {  	(tag) =	ssettag $0x2  }
0xcb: {  	s0 =	rddreg [dreg:$0x0];
	s2 =	stileid.u32  }
0xcc: {  	s1 =	rddreg [dreg:$0x1];
	p0 =	sne.s32 s2, $0x0  }
0xcd: {  	s3 =	rddreg [dreg:$0x2];
	[bflag:$0x3] =	sbarrier.arrive $0xFFFF;
	s2 =	simm.s32 @!p0 $0x1C03  }
0xce: {  	[timem:s3], [sflag:s2] =	dma.local @!p0 [hbm:s0], s1  }
0xcf: {  	s0 =	simm.s32 @!p0 $0x3  }
0xd0: {  	_ =	swait.ge @!p0 [sflag:s0], s1  }
0xd1: {  	s1 =	ssub.s32 @!p0 $0x0, s1;
	[sflag:s0] =	ssyncset.done @!p0 $0x0  }
0xd2: {  	[sflag:s0] =	ssyncadd.s32 @!p0 s1  }
0xd3: {  	[bflag:$0x3] =	sbarrier.arrive $0xFFFF  }
0xd4: {  	_ =	shalt  }

// kernel: kernel.15.cloned.1.call-start
scs
__scs_entry_jumppad:
0x0: {  	(pc) =	sbr.rel $0x88, $3  }
0x1: {  	(tag) =	ssettag $0x0;
	lr =	simm.s32 $0x1  }
0x2: {  	[smem:$0x3F72] =	sst lr;
	_ =	strace $0xD0000000  }
0x3: {  	_ = 	snop  }
0x4: {  	_ = 	snop  }
0x5: {  	_ = 	snop  }
0x6: {  	_ = 	snop  }
0x7: {  	_ = 	snop  }
__scs_overlays_trampoline_lowered:
0x8: {  	[smem:$0x3F81] =	sst s0  }
0x9: {  	[smem:$0x3F82] =	sst s1  }
0xa: {  	[smem:$0x3F83] =	sst s2  }
0xb: {  	[smem:$0x3F84] =	sst s3  }
0xc: {  	[smem:$0x3F85] =	sst s4  }
0xd: {  	[smem:$0x3F86] =	sst s5  }
0xe: {  	[smem:$0x3F87] =	sst s6  }
0xf: {  	[smem:$0x3F88] =	sst s7  }
0x10: {  	[smem:$0x3F89] =	sst s8  }
0x11: {  	[smem:$0x3F8A] =	sst s9;
	s0 =	simm.s32 @!p0 $0x0  }
0x12: {  	s1 =	sld [smem:$0x3F70];
	s0 =	simm.s32 @p0 $0x1  }
0x13: {  	[smem:$0x3F8B] =	sst s0;
	s0 =	simm.s32 @!p1 $0x0  }
0x14: {  	s2 =	sld [smem:$0x3F6F];
	s0 =	simm.s32 @p1 $0x1  }
0x15: {  	[smem:$0x3F8C] =	sst s0;
	s0 =	simm.s32 @!p2 $0x0  }
0x16: {  	s3 =	sld [smem:$0x3FDB];
	s0 =	simm.s32 @p2 $0x1  }
0x17: {  	s4 =	simm.s32 $0x1BF5;
	[smem:$0x3F8E] =	sst s0  }
0x18: {  	s0 =	sld [smem:$0x3F71];
	_ =	swait.ge [sflag:s4], $0x0  }
0x19: {  	s7 =	sld [smem:$0x3F72]  }
0x1a: {  	s8 =	sadd.s32 $0xFFFFE003, lr  }
0x1b: {  	s9 =	sadd.s32 $0xFFFFFEF7, lr;
	s5 =	simm.s32 $0xFFFFFFFF;
	p2 =	slt.u32 s8, $0xFFFFF086  }
0x1c: {  	p1 =	slt.u32 s9, $0xF7A;
	s5 =	simm.s32 @!p2 $0x0  }
0x1d: {  	s5 =	simm.s32 @p1 $0x1;
	p0 =	seq.s32 s7, s2  }
0x1e: {  	s7 =	smul.u32 @!p0 $0xF7A, s2;
	p2 =	seq.s32 @!p0 s5, $0x0  }
0x1f: {  	s9 =	smul.u32 $0xF7A, s1;
	s8 =	simm.s32 @!p0 $0x1BF5;
	p2 =	por !p2, p0  }
0x20: {  	[sflag:s8] =	ssyncset.s32 @!p0 $0xFFFFF086;
	s6 =	sadd.s32 @!p0 s3, s7;
	s7 =	simm.s32 @!p0 $0x108  }
0x21: {  	s3 =	sadd.s32 s3, s9;
	s6 =	sadd.s32 @!p0 $0x88, s6;
	s7 =	simm.s32 @p2 $0x1082  }
0x22: {  	[simem:s7], [sflag:s8] =	dma.local @!p0 [hbm:s6], $0xF7A  }
0x23: {  	s9 =	sor.u32 $0xD0000000, s2;
	s6 =	simm.s32 $0x108;
	_ =	swait.ge @!p0 [sflag:s8], $0x0  }
0x24: {  	s3 =	sadd.s32 $0x88, s3;
	s6 =	simm.s32 @!p1 $0x1082;
	[sflag:s4] =	ssyncset.s32 $0xFFFFF086  }
0x25: {  	[simem:s6], [sflag:s4] =	dma.local [hbm:s3], $0xF7A  }
0x26: {  	[smem:$0x3F72] =	sst s1;
	(tag) =	ssettag s2;
	_ =	strace s9  }
0x27: {  	s1 =	sld [smem:$0x3F82]  }
0x28: {  	s2 =	sld [smem:$0x3F83]  }
0x29: {  	s4 =	sld [smem:$0x3F85]  }
0x2a: {  	p0 =	seq.s32 s5, $0x0;
	s5 =	sld [smem:$0x3F86]  }
0x2b: {  	s6 =	sld [smem:$0x3F87]  }
0x2c: {  	s7 =	sld [smem:$0x3F88]  }
0x2d: {  	s3 =	simm.s32 $0x108;
	s8 =	sld [smem:$0x3F89]  }
0x2e: {  	s3 =	simm.s32 @!p0 $0x1082;
	s9 =	sld [smem:$0x3F8A]  }
0x2f: {  	lr =	sadd.s32 s0, s3;
	s0 =	sld [smem:$0x3F81]  }
0x30: {  	s3 =	sld [smem:$0x3F84]  }
0x31: {  	[smem:$0x3F8D] =	sst s10  }
0x32: {  	s10 =	sld [smem:$0x3F8B];
	_ =	sdelay $0x3  }
0x33: {  	p0 =	seq.s32 s10, $0x1;
	s10 =	sld [smem:$0x3F8D];
	_ =	sdelay $0x3  }
0x34: {  	[smem:$0x3F8D] =	sst s10  }
0x35: {  	s10 =	sld [smem:$0x3F8C];
	_ =	sdelay $0x3  }
0x36: {  	p1 =	seq.s32 s10, $0x1;
	s10 =	sld [smem:$0x3F8D];
	_ =	sdelay $0x3  }
0x37: {  	[smem:$0x3F8D] =	sst s10  }
0x38: {  	s10 =	sld [smem:$0x3F8E]  }
0x39: {  	_ = 	snop;
	(pc) =	sbr.ind lr, $3  }
0x3a: {  	_ = 	snop  }
0x3b: {  	_ = 	snop  }
0x3c: {  	p2 =	seq.s32 s10, $0x1;
	s10 =	sld [smem:$0x3F8D]  }
0x3d: {  	_ =	shalt  }
0x3e: {  	_ =	shalt  }
0x3f: {  	_ =	shalt  }
0x40: {  	_ =	shalt  }
0x41: {  	_ =	shalt  }
0x42: {  	_ =	shalt  }
0x43: {  	_ =	shalt  }
0x44: {  	_ =	shalt  }
0x45: {  	_ =	shalt  }
0x46: {  	_ =	shalt  }
0x47: {  	_ =	shalt  }
0x48: {  	_ =	shalt  }
0x49: {  	_ =	shalt  }
0x4a: {  	_ =	shalt  }
0x4b: {  	_ =	shalt  }
0x4c: {  	_ =	shalt  }
0x4d: {  	_ =	shalt  }
0x4e: {  	_ =	shalt  }
0x4f: {  	_ =	shalt  }
0x50: {  	_ =	shalt  }
0x51: {  	_ =	shalt  }
0x52: {  	_ =	shalt  }
0x53: {  	_ =	shalt  }
0x54: {  	_ =	shalt  }
0x55: {  	_ =	shalt  }
0x56: {  	_ =	shalt  }
0x57: {  	_ =	shalt  }
0x58: {  	_ =	shalt  }
0x59: {  	_ =	shalt  }
0x5a: {  	_ =	shalt  }
0x5b: {  	_ =	shalt  }
0x5c: {  	_ =	shalt  }
0x5d: {  	_ =	shalt  }
0x5e: {  	_ =	shalt  }
0x5f: {  	_ =	shalt  }
0x60: {  	_ =	shalt  }
0x61: {  	_ =	shalt  }
0x62: {  	_ =	shalt  }
0x63: {  	_ =	shalt  }
0x64: {  	_ =	shalt  }
0x65: {  	_ =	shalt  }
0x66: {  	_ =	shalt  }
0x67: {  	_ =	shalt  }
0x68: {  	_ =	shalt  }
0x69: {  	_ =	shalt  }
0x6a: {  	_ =	shalt  }
0x6b: {  	_ =	shalt  }
0x6c: {  	_ =	shalt  }
0x6d: {  	_ =	shalt  }
0x6e: {  	_ =	shalt  }
0x6f: {  	_ =	shalt  }
0x70: {  	_ =	shalt  }
0x71: {  	_ =	shalt  }
0x72: {  	_ =	shalt  }
0x73: {  	_ =	shalt  }
0x74: {  	_ =	shalt  }
0x75: {  	_ =	shalt  }
0x76: {  	_ =	shalt  }
0x77: {  	_ =	shalt  }
0x78: {  	_ =	shalt  }
0x79: {  	_ =	shalt  }
0x7a: {  	_ =	shalt  }
0x7b: {  	_ =	shalt  }
0x7c: {  	_ =	shalt  }
0x7d: {  	_ =	shalt  }
0x7e: {  	_ =	shalt  }
0x7f: {  	_ =	shalt  }
0x80: {  	_ =	shalt  }
0x81: {  	_ =	shalt  }
0x82: {  	_ =	shalt  }
0x83: {  	_ =	shalt  }
0x84: {  	_ =	shalt  }
0x85: {  	_ =	shalt  }
0x86: {  	_ =	shalt  }
0x87: {  	_ =	shalt  }
.Lfunc_end0:
.L_simem_size_0:
called_computation.2_lowered:
.L_overlay_start_0:
0x88: {  	s2 =	sld [smem:$0x3FD9]  }
0x89: {  	s3 =	sld [smem:$0x3FFE];
	_ =	sdelay $0x1  }
0x8a: {  	s1 =	srdreg.scid  }
0x8b: {  	s0 =	sand.u32 $0x1, s1  }
0x8c: {  	s16 =	sshll.u32 s0, $0xA;
	s2 =	sadd.s32 s3, s2  }
0x8d: {  	s2 =	sadd.s32 s2, s16  }
0x8e: {  	[smem:$0x3F99] =	sst s2  }
0x8f: {  	_ = 	snop  }
0x90: {  	(tm) =	ssettm $0x1  }
0x91: {  	s17 =	sld [smem:$0x3FFB];
	_ =	sdelay $0x3  }
0x92: {  	_ =	strace s17  }
0x93: {  	s2 =	sld [smem:$0x3FFC];
	_ =	sdelay $0x3  }
0x94: {  	_ =	strace s2  }
0x95: {  	s2 =	sld [smem:$0x3FFD];
	_ =	sdelay $0x3  }
0x96: {  	_ =	strace s2  }
0x97: {  	_ =	strace $0x8FFFFFFF  }
0x98: {  	s18 =	sld [smem:$0x3FDB];
	_ =	sdelay $0x1  }
0x99: {  	s19 =	simm.s32 $_scs_section_size  }
0x9a: {  	s4 =	simm.s32 $_size__tile_overlayer_lowered;
	s5 =	simm.s32 $_tile_overlayer_lowered  }
0x9b: {  	s22 =	simm.s32 $0x1BFF;
	s21 =	sshll.u32 s5, $0x1;
	s2 =	sadd.s32 s19, s18  }
0x9c: {  	s6 =	simm.s32 $0x0;
	s20 =	sshll.u32 s4, $0x1;
	s4 =	sadd.s32 s21, s2  }
0x9d: {  	[timem:s6], [sflag:s22] =	dma.local [hbm:s4], s20  }
0x9e: {  	_ =	swait.ge [sflag:s22], s20  }
0x9f: {  	s3 =	ssub.s32 $0x0, s20;
	[sflag:s22] =	ssyncset.done $0x0  }
0xa0: {  	[sflag:s22] =	ssyncadd.s32 s3;
	_ =	sdelay $0x1  }
0xa1: {  	s23 =	simm.s32 $0x1B8B  }
0xa2: {  	_ =	swait.ge [sflag:s23], $0x1  }
0xa3: {  	[sflag:s23] =	ssyncset.done $0x0  }
0xa4: {  	s25 =	simm.s32 $0x1B8E;
	s24 =	sld [smem:$0x3FFE];
	[sflag:s23] =	ssyncadd.s32 $0xFFFFFFFF  }
0xa5: {  	s26 =	simm.s32 $execute0_lowered;
	[smem:$0x3FD2] =	sst s25  }
0xa6: {  	s4 =	sshll.u32 s26, $0x1;
	_ =	strace $0x8000004C;
	[dreg:$0x1] =	wrdreg $0xFFFFFFFF  }
0xa7: {  	s28 =	simm.s32 $_size_execute0_lowered;
	s2 =	sadd.s32 s2, s4;
	[dreg:$0x0] =	wrdreg $0x0  }
0xa8: {  	s4 =	sshll.u32 s28, $0x1;
	[dreg:$0x2] =	wrdreg s2  }
0xa9: {  	[dreg:$0x3] =	wrdreg s4  }
0xaa: {  	[dreg:$0x4] =	wrdreg $0xC0  }
0xab: {  	_ =	task [dreg:s6], $0x5FFFF  }
0xac: {  	[dreg:$0x1] =	wrdreg $0xFFFFFFFF  }
0xad: {  	[dreg:$0x0] =	wrdreg $0x60  }
0xae: {  	[dreg:$0x2] =	wrdreg s24  }
0xaf: {  	[dreg:$0x3] =	wrdreg $0xA8000  }
0xb0: {  	[dreg:$0x4] =	wrdreg $0x9  }
0xb1: {  	_ =	task.clear_ibuf [dreg:s6], $0x5FFFF;
	_ =	strace $0x9000004C  }
0xb2: {  	s29 =	simm.s32 $0x9;
	_ =	strace $0x8000004E  }
0xb3: {  	_ =	swait.ge [sflag:s29], $0x1  }
0xb4: {  	[sflag:s29] =	ssyncadd.s32 $0xFFFFFFFF  }
0xb5: {  	_ =	strace $0x9000004E  }
0xb6: {  	_ =	sfence  }
0xb7: {  	s30 =	sld [smem:$0x0];
	_ =	sdelay $0x2  }
0xb8: {  	s31 =	sshll.u32 s1, $0xD;
	s1 =	sshrl.u32 s1, $0x2  }
0xb9: {  	s3 =	sand.u32 $0x4000, s31;
	s1 =	sadd.s32 s1, s30  }
0xba: {  	s0 =	sor.u32 s3, s0;
	s1 =	sshll.u32 s1, $0x11  }
0xbb: {  	s0 =	sor.u32 s1, s0  }
0xbc: {  	s0 =	sadd.s32 $0x8F2B, s0  }
0xbd: {  	[sflag:s0] =	ssyncadd.remote.s32 $0x1  }
0xbe: {  	_ =	sfence.sel $0xFFFF  }
0xbf: {  	[dreg:$0x0] =	wrdreg $0xFFFFFFFF;
	(pc) =	sbr.abs _section_cstart, $3  }
0xc0: {  	[dreg:$0x1] =	wrdreg $0xFFFFFFFF  }
0xc1: {  	_ =	task.clear_ibuf [dreg:s6], $0x2FFFF;
	_ =	strace $0x9FFFFFFF  }
0xc2: {  	(tm) =	ssettm $0x7FFFFFFF  }
0xc3: {  	_ =	shalt  }
tec
execute0_lowered:
.L_overlay_start_1:
0x0: {  	(tag) =	ssettag $0x1  }
0x1: {  	s0 =	rddreg [dreg:$0x0]  }
0x2: {  	s2 =	rddreg [dreg:$0x1]  }
0x3: {  	s3 =	simm.s32 $0x0;
	s4 =	srdreg.scid;
	s1 =	stileid.u32  }
0x4: {  	s16 =	simm.s32 $0x3;
	s17 =	simm.s32 $0x1400;
	s18 =	simm.s32 $0x80  }
0x5: {  	s19 =	simm.s32 $0x2800;
	s20 =	simm.s32 $0x6800;
	s21 =	simm.s32 $0x1  }
0x6: {  	s22 =	simm.s32 $0x2;
	s28 =	simm.s32 $0x2600;
	s29 =	simm.s32 $0x2680  }
0x7: {  	s30 =	simm.s32 $0x0;
	[smem:$0x7FF] =	sst s3;
	s5 =	sand.u32 $0x1, s4  }
0x8: {  	s6 =	smul.u32 $0x14000, s1;
	s4 =	sadd.s32 $0x15200, s0;
	s10 =	sadd.s32 $0x1800, s0  }
0x9: {  	s24 =	sshll.u32 s1, $0x6;
	s31 =	sshll.u32 s1, $0x4;
	_ =	strace $0x8000004D  }
0xa: {  	s7 =	smul.u32 $0x140000, s5;
	s8 =	sshll.u32 s5, $0x4;
	s9 =	ssub.s32 $0x2, s5  }
0xb: {  	s5 =	sadd.s32 $0x50C00, s0;
	s12 =	sadd.s32 s31, s10;
	s25 =	sor.u32 s1, s8  }
0xc: {  	s23 =	sshrl.u32 s9, $0x1;
	s15 =	sadd.s32 s6, s2;
	s7 =	sadd.s32 s6, s7  }
0xd: {  	s11 =	smul.u32 $0x2700, s25;
	s14 =	ssub.s32 s9, s23;
	s6 =	sor.u32 $0x1C03, s24  }
0xe: {  	s15 =	sshrl.u32 s15, $0x3;
	p0 =	sgt.u32 s25, $0x3;
	s7 =	sshrl.u32 s7, $0x3  }
0xf: {  	s25 =	simm.s32 $0x2780;
	s14 =	smax.u32 s14, $0x1;
	s0 =	sadd.s32 s7, s0  }
0x10: {  	s26 =	sshrl.u32 s11, $0x3;
	s11 =	sadd.s32 $0x13840, s12;
	s12 =	sadd.s32 $0x9C00, s12  }
0x11: {  	s7 =	sadd.s32 s10, s26;
	s13 =	sadd.s32 $0x7A600, s0;
	s26 =	simm.s32 $0x1280  }
0x12: {  	s8 =	sadd.s32 $0x9C40, s7;
	s9 =	sadd.s32 $0x9EC0, s7;
	s10 =	sadd.s32 $0x280, s7  }
.LBB2_1:
0x13: {  	[spmem:s15], [sflag:s6] =	dma.local [hbm:s5], $0x2800  }
0x14: {  	_ =	swait.ge [sflag:s16], $0x2800  }
0x15: {  	[sflag:s16] =	ssyncset.done $0x0  }
0x16: {  	[sflag:s16] =	ssyncadd.s32 $0xFFFFD800  }
0x17: {  	[bflag:$0x0] =	sbarrier.arrive $0xFFFF  }
0x18: {  	[tilespmem:s3], [sflag:$0x3] =	stream.linear.gather [hbm4b:s8+s3], $0x1400, $0x38;
	[tilespmem:$0x1E800] =	vst v63  }
0x19: {  	_ =	swait.ge [sflag:s16], $0x1400  }
0x1a: {  	[sflag:s16] =	ssyncset.done $0x0  }
0x1b: {  	[sflag:s16] =	ssyncadd.s32 $0xFFFFEC00  }
0x1c: {  	[tilespmem:s17], [sflag:$0x3] =	stream.linear.gather [hbm4b:s7+s3], $0x1400, $0x38;
	[tilespmem:$0x1E800] =	vst v63  }
0x1d: {  	_ =	swait.ge [sflag:s16], $0x1400  }
0x1e: {  	[sflag:s16] =	ssyncset.done $0x0  }
0x1f: {  	[sflag:s16] =	ssyncadd.s32 $0xFFFFEC00  }
0x20: {  	[tilespmem:s19], [sflag:$0x1] =	stream.indirect.gather [hbm4b:s4+s18], $0x80, s3, s18, $0xb8;
	[tilespmem:$0x1E800] =	vst v63  }
0x21: {  	s0 =	simm.s32 $0x80  }
0x22: {  	[tilespmem:s20], [sflag:$0x2] =	stream.indirect.gather [hbm4b:s4+s18], $0x80, s0, s18, $0xb8;
	[tilespmem:$0x1E800] =	vst v63  }
0x23: {  	_ =	swait.ge [sflag:s21], $0x4000  }
0x24: {  	[sflag:s21] =	ssyncset.done $0x0  }
0x25: {  	s1 =	simm.s32 $0x1400;
	[sflag:s21] =	ssyncadd.s32 $0xFFFFC000  }
0x26: {  	[spmem:s2] =	stream.indirect.scatter.add.f32 [tilespmem:s19], [sflag:$0x3], $0x80, s1, s18, $0xb8;
	[tilespmem:$0x1E800] =	vst v63  }
0x27: {  	_ =	swait.ge [sflag:s16], $0x4000  }
0x28: {  	[sflag:s16] =	ssyncset.done $0x0  }
0x29: {  	s23 =	simm.s32 $0x100;
	[sflag:s16] =	ssyncadd.s32 $0xFFFFC000  }
0x2a: {  	[tilespmem:s19], [sflag:$0x1] =	stream.indirect.gather [hbm4b:s4+s18], $0x80, s23, s18, $0xb8;
	[tilespmem:$0x1E800] =	vst v63  }
0x2b: {  	_ =	swait.ge [sflag:s22], $0x4000  }
0x2c: {  	[sflag:s22] =	ssyncset.done $0x0  }
0x2d: {  	s24 =	simm.s32 $0x1480;
	[sflag:s22] =	ssyncadd.s32 $0xFFFFC000  }
0x2e: {  	[spmem:s2] =	stream.indirect.scatter.add.f32 [tilespmem:s20], [sflag:$0x3], $0x80, s24, s18, $0xb8;
	[tilespmem:$0x1E800] =	vst v63  }
0x2f: {  	_ =	swait.ge [sflag:s16], $0x4000  }
0x30: {  	s31 =	simm.s32 $0x100;
	s0 =	simm.s32 $0x800;
	[sflag:s16] =	ssyncset.done $0x0  }
.LBB2_2:
0x31: {  	s1 =	sadd.s32 $0x80, s31  }
0x32: {  	[sflag:s16] =	ssyncadd.s32 $0xFFFFC000;
	s23 =	smov.u32 s0;
	s24 =	sadd.s32 $0x400, s0  }
0x33: {  	[tilespmem:s20], [sflag:$0x2] =	stream.indirect.gather [hbm4b:s4+s18], $0x80, s1, s18, $0xb8;
	[tilespmem:$0x1E800] =	vst v63  }
0x34: {  	p1 =	sne.s32 s0, $0x4800;
	_ =	swait.ge [sflag:s21], $0x4000  }
0x35: {  	[sflag:s21] =	ssyncset.done $0x0  }
0x36: {  	s0 =	sadd.s32 $0x1400, s31;
	[sflag:s21] =	ssyncadd.s32 $0xFFFFC000  }
0x37: {  	[spmem:s2] =	stream.indirect.scatter.add.f32 [tilespmem:s19], [sflag:$0x3], $0x80, s0, s18, $0xb8;
	[tilespmem:$0x1E800] =	vst v63  }
0x38: {  	_ =	swait.ge [sflag:s16], $0x4000  }
0x39: {  	[sflag:s16] =	ssyncset.done $0x0  }
0x3a: {  	s0 =	sadd.s32 $0x100, s31;
	[sflag:s16] =	ssyncadd.s32 $0xFFFFC000  }
0x3b: {  	[tilespmem:s19], [sflag:$0x1] =	stream.indirect.gather [hbm4b:s4+s18], $0x80, s0, s18, $0xb8;
	[tilespmem:$0x1E800] =	vst v63  }
0x3c: {  	_ =	swait.ge [sflag:s22], $0x4000  }
.Ltmp0:
0x3d: {  	[sflag:s22] =	ssyncset.done $0x0;
	(pc) =	sbr.rel @p1 .LBB2_2-.Ltmp0, $4  }
0x3e: {  	s0 =	sadd.s32 $0x1480, s31;
	[sflag:s22] =	ssyncadd.s32 $0xFFFFC000  }
0x3f: {  	[spmem:s2] =	stream.indirect.scatter.add.f32 [tilespmem:s20], [sflag:$0x3], $0x80, s0, s18, $0xb8;
	[tilespmem:$0x1E800] =	vst v63  }
0x40: {  	_ =	swait.ge [sflag:s16], $0x4000  }
0x41: {  	s31 =	sshra.s32 s23, $0x2;
	s0 =	smov.u32 s24;
	[sflag:s16] =	ssyncset.done $0x0  }
0x42: {  	s0 =	sadd.s32 $0x80, s31;
	[sflag:s16] =	ssyncadd.s32 $0xFFFFC000  }
0x43: {  	[tilespmem:s20], [sflag:$0x2] =	stream.indirect.gather [hbm4b:s4+s18], $0x80, s0, s18, $0xb8;
	[tilespmem:$0x1E800] =	vst v63  }
0x44: {  	_ =	swait.ge [sflag:s21], $0x4000  }
0x45: {  	[sflag:s21] =	ssyncset.done $0x0  }
0x46: {  	s24 =	sadd.s32 $0x1400, s31;
	[sflag:s21] =	ssyncadd.s32 $0xFFFFC000  }
0x47: {  	[spmem:s2] =	stream.indirect.scatter.add.f32 [tilespmem:s19], [sflag:$0x3], $0x80, s24, s18, $0xb8;
	[tilespmem:$0x1E800] =	vst v63  }
0x48: {  	_ =	swait.ge [sflag:s16], $0x4000  }
0x49: {  	[sflag:s16] =	ssyncset.done $0x0  }
0x4a: {  	s1 =	sadd.s32 $0x100, s31;
	[sflag:s16] =	ssyncadd.s32 $0xFFFFC000  }
0x4b: {  	[tilespmem:s19], [sflag:$0x1] =	stream.indirect.gather [hbm4b:s4+s18], $0x80, s1, s18, $0xb8;
	[tilespmem:$0x1E800] =	vst v63  }
0x4c: {  	_ =	swait.ge [sflag:s22], $0x4000  }
0x4d: {  	[sflag:s22] =	ssyncset.done $0x0  }
0x4e: {  	s23 =	sadd.s32 $0x1480, s31;
	[sflag:s22] =	ssyncadd.s32 $0xFFFFC000  }
0x4f: {  	[spmem:s2] =	stream.indirect.scatter.add.f32 [tilespmem:s20], [sflag:$0x3], $0x80, s23, s18, $0xb8;
	[tilespmem:$0x1E800] =	vst v63  }
0x50: {  	_ =	swait.ge [sflag:s16], $0x4000  }
0x51: {  	[sflag:s16] =	ssyncset.done $0x0  }
0x52: {  	s24 =	simm.s32 $0x1380;
	[sflag:s16] =	ssyncadd.s32 $0xFFFFC000  }
0x53: {  	[tilespmem:s20], [sflag:$0x2] =	stream.indirect.gather [hbm4b:s4+s18], $0x80, s24, s18, $0xb8;
	[tilespmem:$0x1E800] =	vst v63  }
0x54: {  	_ =	swait.ge [sflag:s21], $0x4000  }
0x55: {  	[sflag:s21] =	ssyncset.done $0x0  }
0x56: {  	s1 =	simm.s32 $0x2700;
	[sflag:s21] =	ssyncadd.s32 $0xFFFFC000  }
0x57: {  	[spmem:s2] =	stream.indirect.scatter.add.f32 [tilespmem:s19], [sflag:$0x3], $0x80, s1, s18, $0xb8;
	[tilespmem:$0x1E800] =	vst v63  }
0x58: {  	_ =	swait.ge [sflag:s16], $0x4000  }
0x59: {  	[sflag:s16] =	ssyncset.done $0x0  }
0x5a: {  	[sflag:s16] =	ssyncadd.s32 $0xFFFFC000  }
0x5b: {  	_ =	swait.ge [sflag:s22], $0x4000  }
0x5c: {  	[sflag:s22] =	ssyncset.done $0x0  }
0x5d: {  	[sflag:s22] =	ssyncadd.s32 $0xFFFFC000  }
0x5e: {  	[spmem:s2] =	stream.indirect.scatter.add.f32 [tilespmem:s20], [sflag:$0x3], $0x80, s25, s18, $0xb8;
	[tilespmem:$0x1E800] =	vst v63  }
0x5f: {  	_ =	swait.ge [sflag:s16], $0x4000  }
0x60: {  	[sflag:s16] =	ssyncset.done $0x0  }
0x61: {  	s23 =	simm.s32 $0x0;
	[sflag:s16] =	ssyncadd.s32 $0xFFFFC000  }
0x62: {  	[tilespmem:s23], [sflag:$0x3] =	stream.linear.gather [hbm4b:s9+s23], $0x1300, $0x38;
	[tilespmem:$0x1E800] =	vst v63  }
0x63: {  	_ =	swait.ge [sflag:s16], $0x1300  }
0x64: {  	[sflag:s16] =	ssyncset.done $0x0  }
0x65: {  	[sflag:s16] =	ssyncadd.s32 $0xFFFFED00  }
0x66: {  	[tilespmem:s17], [sflag:$0x3] =	stream.linear.gather [hbm4b:s10+s23], $0x1300, $0x38;
	[tilespmem:$0x1E800] =	vst v63  }
0x67: {  	_ =	swait.ge [sflag:s16], $0x1300  }
0x68: {  	[sflag:s16] =	ssyncset.done $0x0  }
0x69: {  	[sflag:s16] =	ssyncadd.s32 $0xFFFFED00  }
0x6a: {  	[tilespmem:s19], [sflag:$0x1] =	stream.indirect.gather [hbm4b:s4+s18], $0x80, s23, s18, $0xb8;
	[tilespmem:$0x1E800] =	vst v63  }
0x6b: {  	s24 =	simm.s32 $0x80  }
0x6c: {  	[tilespmem:s20], [sflag:$0x2] =	stream.indirect.gather [hbm4b:s4+s18], $0x80, s24, s18, $0xb8;
	[tilespmem:$0x1E800] =	vst v63  }
0x6d: {  	_ =	swait.ge [sflag:s21], $0x4000  }
0x6e: {  	[sflag:s21] =	ssyncset.done $0x0  }
0x6f: {  	s1 =	simm.s32 $0x1400;
	[sflag:s21] =	ssyncadd.s32 $0xFFFFC000  }
0x70: {  	[spmem:s2] =	stream.indirect.scatter.add.f32 [tilespmem:s19], [sflag:$0x3], $0x80, s1, s18, $0xb8;
	[tilespmem:$0x1E800] =	vst v63  }
0x71: {  	_ =	swait.ge [sflag:s16], $0x4000  }
0x72: {  	[sflag:s16] =	ssyncset.done $0x0  }
0x73: {  	s23 =	simm.s32 $0x100;
	[sflag:s16] =	ssyncadd.s32 $0xFFFFC000  }
0x74: {  	[tilespmem:s19], [sflag:$0x1] =	stream.indirect.gather [hbm4b:s4+s18], $0x80, s23, s18, $0xb8;
	[tilespmem:$0x1E800] =	vst v63  }
0x75: {  	_ =	swait.ge [sflag:s22], $0x4000  }
0x76: {  	[sflag:s22] =	ssyncset.done $0x0  }
0x77: {  	s24 =	simm.s32 $0x1480;
	[sflag:s22] =	ssyncadd.s32 $0xFFFFC000  }
0x78: {  	[spmem:s2] =	stream.indirect.scatter.add.f32 [tilespmem:s20], [sflag:$0x3], $0x80, s24, s18, $0xb8;
	[tilespmem:$0x1E800] =	vst v63  }
0x79: {  	_ =	swait.ge [sflag:s16], $0x4000  }
0x7a: {  	s31 =	simm.s32 $0x100;
	s0 =	simm.s32 $0x800;
	[sflag:s16] =	ssyncset.done $0x0  }
.LBB2_4:
0x7b: {  	s1 =	sadd.s32 $0x80, s31  }
0x7c: {  	[sflag:s16] =	ssyncadd.s32 $0xFFFFC000;
	s23 =	smov.u32 s0;
	s24 =	sadd.s32 $0x400, s0  }
0x7d: {  	[tilespmem:s20], [sflag:$0x2] =	stream.indirect.gather [hbm4b:s4+s18], $0x80, s1, s18, $0xb8;
	[tilespmem:$0x1E800] =	vst v63  }
0x7e: {  	p1 =	sne.s32 s0, $0x4400;
	_ =	swait.ge [sflag:s21], $0x4000  }
0x7f: {  	[sflag:s21] =	ssyncset.done $0x0  }
0x80: {  	s0 =	sadd.s32 $0x1400, s31;
	[sflag:s21] =	ssyncadd.s32 $0xFFFFC000  }
0x81: {  	[spmem:s2] =	stream.indirect.scatter.add.f32 [tilespmem:s19], [sflag:$0x3], $0x80, s0, s18, $0xb8;
	[tilespmem:$0x1E800] =	vst v63  }
0x82: {  	_ =	swait.ge [sflag:s16], $0x4000  }
0x83: {  	[sflag:s16] =	ssyncset.done $0x0  }
0x84: {  	s0 =	sadd.s32 $0x100, s31;
	[sflag:s16] =	ssyncadd.s32 $0xFFFFC000  }
0x85: {  	[tilespmem:s19], [sflag:$0x1] =	stream.indirect.gather [hbm4b:s4+s18], $0x80, s0, s18, $0xb8;
	[tilespmem:$0x1E800] =	vst v63  }
0x86: {  	_ =	swait.ge [sflag:s22], $0x4000  }
.Ltmp1:
0x87: {  	[sflag:s22] =	ssyncset.done $0x0;
	(pc) =	sbr.rel @p1 .LBB2_4-.Ltmp1, $4  }
0x88: {  	s0 =	sadd.s32 $0x1480, s31;
	[sflag:s22] =	ssyncadd.s32 $0xFFFFC000  }
0x89: {  	[spmem:s2] =	stream.indirect.scatter.add.f32 [tilespmem:s20], [sflag:$0x3], $0x80, s0, s18, $0xb8;
	[tilespmem:$0x1E800] =	vst v63  }
0x8a: {  	_ =	swait.ge [sflag:s16], $0x4000  }
0x8b: {  	s31 =	sshra.s32 s23, $0x2;
	s0 =	smov.u32 s24;
	[sflag:s16] =	ssyncset.done $0x0  }
0x8c: {  	s0 =	sadd.s32 $0x80, s31;
	[sflag:s16] =	ssyncadd.s32 $0xFFFFC000  }
0x8d: {  	[tilespmem:s20], [sflag:$0x2] =	stream.indirect.gather [hbm4b:s4+s18], $0x80, s0, s18, $0xb8;
	[tilespmem:$0x1E800] =	vst v63  }
0x8e: {  	_ =	swait.ge [sflag:s21], $0x4000  }
0x8f: {  	[sflag:s21] =	ssyncset.done $0x0  }
0x90: {  	s23 =	sadd.s32 $0x1400, s31;
	[sflag:s21] =	ssyncadd.s32 $0xFFFFC000  }
0x91: {  	[spmem:s2] =	stream.indirect.scatter.add.f32 [tilespmem:s19], [sflag:$0x3], $0x80, s23, s18, $0xb8;
	[tilespmem:$0x1E800] =	vst v63  }
0x92: {  	_ =	swait.ge [sflag:s16], $0x4000  }
0x93: {  	[sflag:s16] =	ssyncset.done $0x0  }
0x94: {  	s24 =	sadd.s32 $0x100, s31;
	[sflag:s16] =	ssyncadd.s32 $0xFFFFC000  }
0x95: {  	[tilespmem:s19], [sflag:$0x1] =	stream.indirect.gather [hbm4b:s4+s18], $0x80, s24, s18, $0xb8;
	[tilespmem:$0x1E800] =	vst v63  }
0x96: {  	_ =	swait.ge [sflag:s22], $0x4000  }
0x97: {  	[sflag:s22] =	ssyncset.done $0x0  }
0x98: {  	s31 =	sadd.s32 $0x1480, s31;
	[sflag:s22] =	ssyncadd.s32 $0xFFFFC000  }
0x99: {  	[spmem:s2] =	stream.indirect.scatter.add.f32 [tilespmem:s20], [sflag:$0x3], $0x80, s31, s18, $0xb8;
	[tilespmem:$0x1E800] =	vst v63  }
0x9a: {  	_ =	swait.ge [sflag:s16], $0x4000  }
0x9b: {  	[sflag:s16] =	ssyncset.done $0x0  }
0x9c: {  	[sflag:s16] =	ssyncadd.s32 $0xFFFFC000  }
0x9d: {  	[tilespmem:s20], [sflag:$0x2] =	stream.indirect.gather [hbm4b:s4+s18], $0x80, s26, s18, $0xb8;
	[tilespmem:$0x1E800] =	vst v63  }
0x9e: {  	_ =	swait.ge [sflag:s21], $0x4000  }
0x9f: {  	[sflag:s21] =	ssyncset.done $0x0  }
0xa0: {  	[sflag:s21] =	ssyncadd.s32 $0xFFFFC000  }
0xa1: {  	[spmem:s2] =	stream.indirect.scatter.add.f32 [tilespmem:s19], [sflag:$0x3], $0x80, s28, s18, $0xb8;
	[tilespmem:$0x1E800] =	vst v63  }
0xa2: {  	_ =	swait.ge [sflag:s16], $0x4000  }
0xa3: {  	[sflag:s16] =	ssyncset.done $0x0  }
0xa4: {  	[sflag:s16] =	ssyncadd.s32 $0xFFFFC000  }
0xa5: {  	_ =	swait.ge [sflag:s22], $0x4000  }
0xa6: {  	[sflag:s22] =	ssyncset.done $0x0  }
0xa7: {  	[sflag:s22] =	ssyncadd.s32 $0xFFFFC000  }
0xa8: {  	[spmem:s2] =	stream.indirect.scatter.add.f32 [tilespmem:s20], [sflag:$0x3], $0x80, s29, s18, $0xb8;
	[tilespmem:$0x1E800] =	vst v63  }
0xa9: {  	_ =	swait.ge [sflag:s16], $0x4000  }
0xaa: {  	[sflag:s16] =	ssyncset.done $0x0  }
0xab: {  	s1 =	simm.s32 @!p0 $0x3;
	s0 =	simm.s32 @!p0 $0x0;
	[sflag:s16] =	ssyncadd.s32 $0xFFFFC000  }
0xac: {  	[tilespmem:s0], [sflag:$0x3] =	stream.linear.gather @!p0 [hbm4b:s11+s0], $0x80, $0x38;
	[tilespmem:$0x1E800] =	vst v63  }
0xad: {  	_ =	swait.ge @!p0 [sflag:s1], $0x80  }
0xae: {  	[sflag:s1] =	ssyncset.done @!p0 $0x0  }
0xaf: {  	s23 =	simm.s32 @!p0 $0x1400;
	[sflag:s1] =	ssyncadd.s32 @!p0 $0xFFFFFF80  }
0xb0: {  	[tilespmem:s23], [sflag:$0x3] =	stream.linear.gather @!p0 [hbm4b:s12+s0], $0x80, $0x38;
	[tilespmem:$0x1E800] =	vst v63  }
0xb1: {  	_ =	swait.ge @!p0 [sflag:s1], $0x80  }
0xb2: {  	[sflag:s1] =	ssyncset.done @!p0 $0x0  }
0xb3: {  	s24 =	simm.s32 @!p0 $0x80;
	s31 =	simm.s32 @!p0 $0x2800;
	[sflag:s1] =	ssyncadd.s32 @!p0 $0xFFFFFF80  }
0xb4: {  	[tilespmem:s31], [sflag:$0x1] =	stream.indirect.gather @!p0 [hbm4b:s4+s24], $0x80, s0, s24, $0xb8;
	[tilespmem:$0x1E800] =	vst v63  }
0xb5: {  	s0 =	simm.s32 @!p0 $0x1  }
0xb6: {  	_ =	swait.ge @!p0 [sflag:s0], $0x4000  }
0xb7: {  	[sflag:s0] =	ssyncset.done @!p0 $0x0  }
0xb8: {  	[sflag:s0] =	ssyncadd.s32 @!p0 $0xFFFFC000  }
0xb9: {  	[spmem:s2] =	stream.indirect.scatter.add.f32 @!p0 [tilespmem:s31], [sflag:$0x3], $0x80, s23, s24, $0xb8;
	[tilespmem:$0x1E800] =	vst v63  }
0xba: {  	_ =	swait.ge @!p0 [sflag:s1], $0x4000  }
0xbb: {  	s30 =	sadd.s32 $0x1, s30;
	[sflag:s1] =	ssyncset.done @!p0 $0x0  }
0xbc: {  	p1 =	sne.s32 s30, s14;
	[sflag:s1] =	ssyncadd.s32 @!p0 $0xFFFFC000  }
.Ltmp2:
0xbd: {  	[bflag:$0x0] =	sbarrier.arrive $0xFFFF;
	(pc) =	sbr.rel @p1 .LBB2_1-.Ltmp2, $4  }
0xbe: {  	[hbm:s13], [sflag:s6] =	dma.local [spmem:s15], $0x2800  }
0xbf: {  	_ =	swait.ge [sflag:s16], $0x2800  }
0xc0: {  	[sflag:s16] =	ssyncset.done $0x0  }
0xc1: {  	[sflag:s16] =	ssyncadd.s32 $0xFFFFD800  }
0xc2: {  	_ =	sfence.sel $0x180000  }
0xc3: {  	[bflag:$0x0] =	sbarrier.arrive $0xFFFF  }
0xc4: {  	_ =	strace $0x9000004D  }
0xc5: {  	s0 =	stileid.u32;
	[bflag:$0x2] =	sbarrier.arrive $0xFFFF  }
0xc6: {  	p0 =	sne.s32 s0, $0x0;
	s0 =	rddreg [dreg:$0x2]  }
0xc7: {  	s0 =	sadd.s32 @!p0 $0x100000, s0  }
0xc8: {  	[sflag:s0] =	ssyncadd.tile.s32 @!p0 $0x1;
	_ =	shalt  }
.Lfunc_end2:
_tile_overlayer_lowered:
.L_overlay_start_2:
0xc9: {  	(tag) =	ssettag $0x2  }
0xca: {  	s0 =	rddreg [dreg:$0x0];
	s2 =	stileid.u32  }
0xcb: {  	s1 =	rddreg [dreg:$0x1];
	p0 =	sne.s32 s2, $0x0  }
0xcc: {  	s3 =	rddreg [dreg:$0x2];
	[bflag:$0x3] =	sbarrier.arrive $0xFFFF;
	s2 =	simm.s32 @!p0 $0x1C03  }
0xcd: {  	[timem:s3], [sflag:s2] =	dma.local @!p0 [hbm:s0], s1  }
0xce: {  	s0 =	simm.s32 @!p0 $0x3  }
0xcf: {  	_ =	swait.ge @!p0 [sflag:s0], s1  }
0xd0: {  	s1 =	ssub.s32 @!p0 $0x0, s1;
	[sflag:s0] =	ssyncset.done @!p0 $0x0  }
0xd1: {  	[sflag:s0] =	ssyncadd.s32 @!p0 s1  }
0xd2: {  	[bflag:$0x3] =	sbarrier.arrive $0xFFFF  }
0xd3: {  	_ =	shalt  }

// kernel: kernel.9.cloned.1.call-start
scs
__scs_entry_jumppad:
0x0: {  	(pc) =	sbr.rel $0x88, $3  }
0x1: {  	(tag) =	ssettag $0x0;
	lr =	simm.s32 $0x1  }
0x2: {  	[smem:$0x3F72] =	sst lr;
	_ =	strace $0xD0000000  }
0x3: {  	_ = 	snop  }
0x4: {  	_ = 	snop  }
0x5: {  	_ = 	snop  }
0x6: {  	_ = 	snop  }
0x7: {  	_ = 	snop  }
__scs_overlays_trampoline_lowered:
0x8: {  	[smem:$0x3F81] =	sst s0  }
0x9: {  	[smem:$0x3F82] =	sst s1  }
0xa: {  	[smem:$0x3F83] =	sst s2  }
0xb: {  	[smem:$0x3F84] =	sst s3  }
0xc: {  	[smem:$0x3F85] =	sst s4  }
0xd: {  	[smem:$0x3F86] =	sst s5  }
0xe: {  	[smem:$0x3F87] =	sst s6  }
0xf: {  	[smem:$0x3F88] =	sst s7  }
0x10: {  	[smem:$0x3F89] =	sst s8  }
0x11: {  	[smem:$0x3F8A] =	sst s9;
	s0 =	simm.s32 @!p0 $0x0  }
0x12: {  	s1 =	sld [smem:$0x3F70];
	s0 =	simm.s32 @p0 $0x1  }
0x13: {  	[smem:$0x3F8B] =	sst s0;
	s0 =	simm.s32 @!p1 $0x0  }
0x14: {  	s2 =	sld [smem:$0x3F6F];
	s0 =	simm.s32 @p1 $0x1  }
0x15: {  	[smem:$0x3F8C] =	sst s0;
	s0 =	simm.s32 @!p2 $0x0  }
0x16: {  	s3 =	sld [smem:$0x3FDB];
	s0 =	simm.s32 @p2 $0x1  }
0x17: {  	s4 =	simm.s32 $0x1BF5;
	[smem:$0x3F8E] =	sst s0  }
0x18: {  	s0 =	sld [smem:$0x3F71];
	_ =	swait.ge [sflag:s4], $0x0  }
0x19: {  	s7 =	sld [smem:$0x3F72]  }
0x1a: {  	s8 =	sadd.s32 $0xFFFFE003, lr  }
0x1b: {  	s9 =	sadd.s32 $0xFFFFFEF7, lr;
	s5 =	simm.s32 $0xFFFFFFFF;
	p2 =	slt.u32 s8, $0xFFFFF086  }
0x1c: {  	p1 =	slt.u32 s9, $0xF7A;
	s5 =	simm.s32 @!p2 $0x0  }
0x1d: {  	s5 =	simm.s32 @p1 $0x1;
	p0 =	seq.s32 s7, s2  }
0x1e: {  	s7 =	smul.u32 @!p0 $0xF7A, s2;
	p2 =	seq.s32 @!p0 s5, $0x0  }
0x1f: {  	s9 =	smul.u32 $0xF7A, s1;
	s8 =	simm.s32 @!p0 $0x1BF5;
	p2 =	por !p2, p0  }
0x20: {  	[sflag:s8] =	ssyncset.s32 @!p0 $0xFFFFF086;
	s6 =	sadd.s32 @!p0 s3, s7;
	s7 =	simm.s32 @!p0 $0x108  }
0x21: {  	s3 =	sadd.s32 s3, s9;
	s6 =	sadd.s32 @!p0 $0x88, s6;
	s7 =	simm.s32 @p2 $0x1082  }
0x22: {  	[simem:s7], [sflag:s8] =	dma.local @!p0 [hbm:s6], $0xF7A  }
0x23: {  	s9 =	sor.u32 $0xD0000000, s2;
	s6 =	simm.s32 $0x108;
	_ =	swait.ge @!p0 [sflag:s8], $0x0  }
0x24: {  	s3 =	sadd.s32 $0x88, s3;
	s6 =	simm.s32 @!p1 $0x1082;
	[sflag:s4] =	ssyncset.s32 $0xFFFFF086  }
0x25: {  	[simem:s6], [sflag:s4] =	dma.local [hbm:s3], $0xF7A  }
0x26: {  	[smem:$0x3F72] =	sst s1;
	(tag) =	ssettag s2;
	_ =	strace s9  }
0x27: {  	s1 =	sld [smem:$0x3F82]  }
0x28: {  	s2 =	sld [smem:$0x3F83]  }
0x29: {  	s4 =	sld [smem:$0x3F85]  }
0x2a: {  	p0 =	seq.s32 s5, $0x0;
	s5 =	sld [smem:$0x3F86]  }
0x2b: {  	s6 =	sld [smem:$0x3F87]  }
0x2c: {  	s7 =	sld [smem:$0x3F88]  }
0x2d: {  	s3 =	simm.s32 $0x108;
	s8 =	sld [smem:$0x3F89]  }
0x2e: {  	s3 =	simm.s32 @!p0 $0x1082;
	s9 =	sld [smem:$0x3F8A]  }
0x2f: {  	lr =	sadd.s32 s0, s3;
	s0 =	sld [smem:$0x3F81]  }
0x30: {  	s3 =	sld [smem:$0x3F84]  }
0x31: {  	[smem:$0x3F8D] =	sst s10  }
0x32: {  	s10 =	sld [smem:$0x3F8B];
	_ =	sdelay $0x3  }
0x33: {  	p0 =	seq.s32 s10, $0x1;
	s10 =	sld [smem:$0x3F8D];
	_ =	sdelay $0x3  }
0x34: {  	[smem:$0x3F8D] =	sst s10  }
0x35: {  	s10 =	sld [smem:$0x3F8C];
	_ =	sdelay $0x3  }
0x36: {  	p1 =	seq.s32 s10, $0x1;
	s10 =	sld [smem:$0x3F8D];
	_ =	sdelay $0x3  }
0x37: {  	[smem:$0x3F8D] =	sst s10  }
0x38: {  	s10 =	sld [smem:$0x3F8E]  }
0x39: {  	_ = 	snop;
	(pc) =	sbr.ind lr, $3  }
0x3a: {  	_ = 	snop  }
0x3b: {  	_ = 	snop  }
0x3c: {  	p2 =	seq.s32 s10, $0x1;
	s10 =	sld [smem:$0x3F8D]  }
0x3d: {  	_ =	shalt  }
0x3e: {  	_ =	shalt  }
0x3f: {  	_ =	shalt  }
0x40: {  	_ =	shalt  }
0x41: {  	_ =	shalt  }
0x42: {  	_ =	shalt  }
0x43: {  	_ =	shalt  }
0x44: {  	_ =	shalt  }
0x45: {  	_ =	shalt  }
0x46: {  	_ =	shalt  }
0x47: {  	_ =	shalt  }
0x48: {  	_ =	shalt  }
0x49: {  	_ =	shalt  }
0x4a: {  	_ =	shalt  }
0x4b: {  	_ =	shalt  }
0x4c: {  	_ =	shalt  }
0x4d: {  	_ =	shalt  }
0x4e: {  	_ =	shalt  }
0x4f: {  	_ =	shalt  }
0x50: {  	_ =	shalt  }
0x51: {  	_ =	shalt  }
0x52: {  	_ =	shalt  }
0x53: {  	_ =	shalt  }
0x54: {  	_ =	shalt  }
0x55: {  	_ =	shalt  }
0x56: {  	_ =	shalt  }
0x57: {  	_ =	shalt  }
0x58: {  	_ =	shalt  }
0x59: {  	_ =	shalt  }
0x5a: {  	_ =	shalt  }
0x5b: {  	_ =	shalt  }
0x5c: {  	_ =	shalt  }
0x5d: {  	_ =	shalt  }
0x5e: {  	_ =	shalt  }
0x5f: {  	_ =	shalt  }
0x60: {  	_ =	shalt  }
0x61: {  	_ =	shalt  }
0x62: {  	_ =	shalt  }
0x63: {  	_ =	shalt  }
0x64: {  	_ =	shalt  }
0x65: {  	_ =	shalt  }
0x66: {  	_ =	shalt  }
0x67: {  	_ =	shalt  }
0x68: {  	_ =	shalt  }
0x69: {  	_ =	shalt  }
0x6a: {  	_ =	shalt  }
0x6b: {  	_ =	shalt  }
0x6c: {  	_ =	shalt  }
0x6d: {  	_ =	shalt  }
0x6e: {  	_ =	shalt  }
0x6f: {  	_ =	shalt  }
0x70: {  	_ =	shalt  }
0x71: {  	_ =	shalt  }
0x72: {  	_ =	shalt  }
0x73: {  	_ =	shalt  }
0x74: {  	_ =	shalt  }
0x75: {  	_ =	shalt  }
0x76: {  	_ =	shalt  }
0x77: {  	_ =	shalt  }
0x78: {  	_ =	shalt  }
0x79: {  	_ =	shalt  }
0x7a: {  	_ =	shalt  }
0x7b: {  	_ =	shalt  }
0x7c: {  	_ =	shalt  }
0x7d: {  	_ =	shalt  }
0x7e: {  	_ =	shalt  }
0x7f: {  	_ =	shalt  }
0x80: {  	_ =	shalt  }
0x81: {  	_ =	shalt  }
0x82: {  	_ =	shalt  }
0x83: {  	_ =	shalt  }
0x84: {  	_ =	shalt  }
0x85: {  	_ =	shalt  }
0x86: {  	_ =	shalt  }
0x87: {  	_ =	shalt  }
.Lfunc_end0:
.L_simem_size_0:
called_computation_lowered:
.L_overlay_start_0:
0x88: {  	s2 =	sld [smem:$0x3FD9]  }
0x89: {  	s3 =	sld [smem:$0x3FFE];
	_ =	sdelay $0x1  }
0x8a: {  	s1 =	srdreg.scid  }
0x8b: {  	s0 =	sand.u32 $0x1, s1  }
0x8c: {  	s16 =	sshll.u32 s0, $0xA;
	s2 =	sadd.s32 s3, s2  }
0x8d: {  	s2 =	sadd.s32 s2, s16  }
0x8e: {  	[smem:$0x3F99] =	sst s2  }
0x8f: {  	_ = 	snop  }
0x90: {  	(tm) =	ssettm $0x1  }
0x91: {  	s17 =	sld [smem:$0x3FFB];
	_ =	sdelay $0x3  }
0x92: {  	_ =	strace s17  }
0x93: {  	s2 =	sld [smem:$0x3FFC];
	_ =	sdelay $0x3  }
0x94: {  	_ =	strace s2  }
0x95: {  	s2 =	sld [smem:$0x3FFD];
	_ =	sdelay $0x3  }
0x96: {  	_ =	strace s2  }
0x97: {  	_ =	strace $0x8FFFFFFF  }
0x98: {  	s18 =	sld [smem:$0x3FDB];
	_ =	sdelay $0x1  }
0x99: {  	s19 =	simm.s32 $_scs_section_size  }
0x9a: {  	s4 =	simm.s32 $_size__tile_overlayer_lowered;
	s5 =	simm.s32 $_tile_overlayer_lowered  }
0x9b: {  	s22 =	simm.s32 $0x1BFF;
	s21 =	sshll.u32 s5, $0x1;
	s2 =	sadd.s32 s19, s18  }
0x9c: {  	s6 =	simm.s32 $0x0;
	s20 =	sshll.u32 s4, $0x1;
	s4 =	sadd.s32 s21, s2  }
0x9d: {  	[timem:s6], [sflag:s22] =	dma.local [hbm:s4], s20  }
0x9e: {  	_ =	swait.ge [sflag:s22], s20  }
0x9f: {  	s3 =	ssub.s32 $0x0, s20;
	[sflag:s22] =	ssyncset.done $0x0  }
0xa0: {  	[sflag:s22] =	ssyncadd.s32 s3;
	_ =	sdelay $0x1  }
0xa1: {  	s23 =	simm.s32 $0x1B8B  }
0xa2: {  	_ =	swait.ge [sflag:s23], $0x1  }
0xa3: {  	[sflag:s23] =	ssyncset.done $0x0  }
0xa4: {  	s25 =	simm.s32 $0x1B8E;
	s24 =	sld [smem:$0x3FFE];
	[sflag:s23] =	ssyncadd.s32 $0xFFFFFFFF  }
0xa5: {  	s26 =	simm.s32 $execute0_lowered;
	[smem:$0x3FD2] =	sst s25  }
0xa6: {  	s4 =	sshll.u32 s26, $0x1;
	_ =	strace $0x80000046;
	[dreg:$0x1] =	wrdreg $0xFFFFFFFF  }
0xa7: {  	s28 =	simm.s32 $_size_execute0_lowered;
	s2 =	sadd.s32 s2, s4;
	[dreg:$0x0] =	wrdreg $0x0  }
0xa8: {  	s4 =	sshll.u32 s28, $0x1;
	[dreg:$0x2] =	wrdreg s2  }
0xa9: {  	[dreg:$0x3] =	wrdreg s4  }
0xaa: {  	[dreg:$0x4] =	wrdreg $0xC0  }
0xab: {  	_ =	task [dreg:s6], $0x5FFFF  }
0xac: {  	[dreg:$0x1] =	wrdreg $0xFFFFFFFF  }
0xad: {  	[dreg:$0x0] =	wrdreg $0x60  }
0xae: {  	[dreg:$0x2] =	wrdreg s24  }
0xaf: {  	[dreg:$0x3] =	wrdreg $0x3F000  }
0xb0: {  	[dreg:$0x4] =	wrdreg $0x67000  }
0xb1: {  	[dreg:$0x5] =	wrdreg $0x9  }
0xb2: {  	_ =	task.clear_ibuf [dreg:s6], $0x6FFFF;
	_ =	strace $0x90000046  }
0xb3: {  	s29 =	simm.s32 $0x9;
	_ =	strace $0x80000048  }
0xb4: {  	_ =	swait.ge [sflag:s29], $0x1  }
0xb5: {  	[sflag:s29] =	ssyncadd.s32 $0xFFFFFFFF  }
0xb6: {  	_ =	strace $0x90000048  }
0xb7: {  	_ =	sfence  }
0xb8: {  	s30 =	sld [smem:$0x0];
	_ =	sdelay $0x2  }
0xb9: {  	s31 =	sshll.u32 s1, $0xD;
	s1 =	sshrl.u32 s1, $0x2  }
0xba: {  	s3 =	sand.u32 $0x4000, s31;
	s1 =	sadd.s32 s1, s30  }
0xbb: {  	s0 =	sor.u32 s3, s0;
	s1 =	sshll.u32 s1, $0x11  }
0xbc: {  	s0 =	sor.u32 s1, s0  }
0xbd: {  	s0 =	sadd.s32 $0x8F2B, s0  }
0xbe: {  	[sflag:s0] =	ssyncadd.remote.s32 $0x1  }
0xbf: {  	_ =	sfence.sel $0xFFFF  }
0xc0: {  	[dreg:$0x0] =	wrdreg $0xFFFFFFFF;
	(pc) =	sbr.abs _section_cstart, $3  }
0xc1: {  	[dreg:$0x1] =	wrdreg $0xFFFFFFFF  }
0xc2: {  	_ =	task.clear_ibuf [dreg:s6], $0x2FFFF;
	_ =	strace $0x9FFFFFFF  }
0xc3: {  	(tm) =	ssettm $0x7FFFFFFF  }
tec
execute0_lowered:
.L_overlay_start_1:
0x0: {  	(tag) =	ssettag $0x1  }
0x1: {  	s0 =	rddreg [dreg:$0x0]  }
0x2: {  	s1 =	rddreg [dreg:$0x1]  }
0x3: {  	s3 =	rddreg [dreg:$0x2]  }
0x4: {  	s4 =	simm.s32 $0x0;
	s5 =	srdreg.scid;
	s2 =	stileid.u32  }
0x5: {  	s28 =	simm.s32 $0x2680;
	s29 =	simm.s32 $0x0;
	[smem:$0x7FF] =	sst s4  }
0x6: {  	s10 =	sand.u32 $0x1, s5;
	s8 =	smul.u32 $0x2800, s2;
	s13 =	sadd.s32 $0x4F7200, s0  }
0x7: {  	s11 =	sadd.s32 $0x1800, s0;
	s20 =	sadd.s32 $0x15200, s0;
	s6 =	sadd.s32 $0x15400, s0  }
0x8: {  	s21 =	sshll.u32 s2, $0x6;
	s24 =	sshll.u32 s2, $0x7;
	s18 =	smul.u32 $0x4E00, s2  }
0x9: {  	_ =	strace $0x80000047;
	s7 =	smul.u32 $0x28000, s10;
	[dreg:$0x4] =	wrdreg s20  }
0xa: {  	s9 =	ssub.s32 $0x2, s10;
	s14 =	sshll.u32 s10, $0x4;
	s16 =	smul.u32 $0x4E000, s10  }
0xb: {  	s20 =	simm.s32 $0x2700;
	s12 =	sshrl.u32 s9, $0x1;
	s25 =	sor.u32 s2, s14  }
0xc: {  	s17 =	sadd.s32 s8, s1;
	s19 =	sadd.s32 s8, s3;
	s14 =	sor.u32 $0x4E000, s24  }
0xd: {  	s24 =	simm.s32 $0x80;
	s7 =	sadd.s32 s8, s7;
	s22 =	smul.u32 $0x4E0, s25  }
0xe: {  	s15 =	ssub.s32 s9, s12;
	s23 =	smul.u32 $0x4E00, s25;
	s26 =	sshrl.u32 s14, $0x3  }
0xf: {  	s30 =	sshll.u32 s14, $0x1;
	s16 =	sadd.s32 s16, s13;
	s17 =	sshrl.u32 s17, $0x3  }
0x10: {  	s19 =	sshrl.u32 s19, $0x3;
	p0 =	sgt.u32 s25, $0x3;
	s25 =	simm.s32 $0x2  }
0x11: {  	s7 =	sshrl.u32 s7, $0x3;
	s10 =	sadd.s32 s11, s26;
	s14 =	smax.u32 s15, $0x1  }
0x12: {  	s31 =	sadd.s32 s18, s16;
	s18 =	simm.s32 $0x3;
	s26 =	simm.s32 $0x2600  }
0x13: {  	s0 =	sadd.s32 s7, s0;
	s7 =	sor.u32 $0x1C03, s21;
	s8 =	sadd.s32 s11, s22  }
0x14: {  	s9 =	sadd.s32 s13, s23;
	s11 =	sadd.s32 s13, s30;
	s16 =	sadd.s32 $0x200, s31  }
0x15: {  	s21 =	simm.s32 $0x2F00;
	s22 =	simm.s32 $0x3700;
	s23 =	simm.s32 $0x1  }
0x16: {  	s12 =	sadd.s32 $0x15A00, s0;
	s13 =	sadd.s32 $0x1FA00, s0;
	s15 =	sadd.s32 $0x4D00, s9  }
.LBB2_1:
0x17: {  	[spmem:s17], [sflag:s7] =	dma.local [hbm:s6], $0x500  }
0x18: {  	_ =	swait.ge [sflag:s18], $0x500  }
0x19: {  	[sflag:s18] =	ssyncset.done $0x0  }
0x1a: {  	[sflag:s18] =	ssyncadd.s32 $0xFFFFFB00  }
0x1b: {  	[spmem:s19], [sflag:s7] =	dma.local [hbm:s6], $0x500  }
0x1c: {  	_ =	swait.ge [sflag:s18], $0x500  }
0x1d: {  	[sflag:s18] =	ssyncset.done $0x0  }
0x1e: {  	s0 =	rddreg [dreg:$0x4];
	[sflag:s18] =	ssyncadd.s32 $0xFFFFFB00  }
0x1f: {  	[tilespmem:s20], [sflag:$0x3] =	stream.linear.gather [hbm4b:s0+s4], $0x800, $0x38;
	[tilespmem:$0x8F00] =	vst v63  }
0x20: {  	_ =	swait.ge [sflag:s18], $0x800  }
0x21: {  	[sflag:s18] =	ssyncset.done $0x0  }
0x22: {  	[sflag:s18] =	ssyncadd.s32 $0xFFFFF800  }
0x23: {  	[tilespmem:s4], [sflag:$0x3] =	stream.linear.gather [hbm4b:s8+s4], $0x2700, $0x38;
	[tilespmem:$0x8F00] =	vst v63  }
0x24: {  	_ =	swait.ge [sflag:s18], $0x2700  }
0x25: {  	[sflag:s18] =	ssyncset.done $0x0  }
0x26: {  	[sflag:s18] =	ssyncadd.s32 $0xFFFFD900  }
0x27: {  	[bflag:$0x0] =	sbarrier.arrive $0xFFFF  }
0x28: {  	[tilespmem:s21], [sflag:$0x1] =	stream.linear.gather [hbm4b:s9+s4], $0x800, $0x38;
	[tilespmem:$0x8F00] =	vst v63  }
0x29: {  	s5 =	sadd.s32 $0xFFFFFF00, s16  }
0x2a: {  	[tilespmem:s22], [sflag:$0x2] =	stream.linear.gather [hbm4b:s5+s4], $0x800, $0x38;
	[tilespmem:$0x8F00] =	vst v63  }
0x2b: {  	_ =	swait.ge [sflag:s23], $0x800  }
0x2c: {  	[sflag:s23] =	ssyncset.done $0x0  }
0x2d: {  	s2 =	simm.s32 $0x0;
	[sflag:s23] =	ssyncadd.s32 $0xFFFFF800  }
0x2e: {  	[spmem:s1] =	stream.indirect.scatter.add.f32 [tilespmem:s21], [sflag:$0x3], $0x10, s2, s24, $0xb8;
	[tilespmem:$0x8F00] =	vst v63  }
0x2f: {  	_ =	swait.ge [sflag:s18], $0x800  }
0x30: {  	[sflag:s18] =	ssyncset.done $0x0  }
0x31: {  	[sflag:s18] =	ssyncadd.s32 $0xFFFFF800  }
0x32: {  	[spmem:s3] =	stream.indirect.scatter.add.f32 [tilespmem:s20], [sflag:$0x3], $0x10, s2, s24, $0xb8;
	[tilespmem:$0x8F00] =	vst v63  }
0x33: {  	_ =	swait.ge [sflag:s18], $0x800  }
0x34: {  	[sflag:s18] =	ssyncset.done $0x0  }
0x35: {  	[sflag:s18] =	ssyncadd.s32 $0xFFFFF800  }
0x36: {  	[tilespmem:s21], [sflag:$0x1] =	stream.linear.gather [hbm4b:s16+s4], $0x800, $0x38;
	[tilespmem:$0x8F00] =	vst v63  }
0x37: {  	_ =	swait.ge [sflag:s25], $0x800  }
0x38: {  	[sflag:s25] =	ssyncset.done $0x0  }
0x39: {  	s5 =	simm.s32 $0x80;
	[sflag:s25] =	ssyncadd.s32 $0xFFFFF800  }
0x3a: {  	[spmem:s1] =	stream.indirect.scatter.add.f32 [tilespmem:s22], [sflag:$0x3], $0x10, s5, s24, $0xb8;
	[tilespmem:$0x8F00] =	vst v63  }
0x3b: {  	_ =	swait.ge [sflag:s18], $0x800  }
0x3c: {  	[sflag:s18] =	ssyncset.done $0x0  }
0x3d: {  	[sflag:s18] =	ssyncadd.s32 $0xFFFFF800  }
0x3e: {  	[spmem:s3] =	stream.indirect.scatter.add.f32 [tilespmem:s20], [sflag:$0x3], $0x10, s5, s24, $0xb8;
	[tilespmem:$0x8F00] =	vst v63  }
0x3f: {  	s31 =	simm.s32 $0x400;
	_ =	swait.ge [sflag:s18], $0x800  }
0x40: {  	s30 =	sadd.s32 $0x200, s16;
	s0 =	simm.s32 $0x800;
	[sflag:s18] =	ssyncset.done $0x0  }
.LBB2_2:
0x41: {  	p1 =	sne.s32 s0, $0x9400;
	s2 =	sadd.s32 $0xFFFFFF00, s30;
	[sflag:s18] =	ssyncadd.s32 $0xFFFFF800  }
0x42: {  	[tilespmem:s22], [sflag:$0x2] =	stream.linear.gather [hbm4b:s2+s4], $0x800, $0x38;
	[tilespmem:$0x8F00] =	vst v63  }
0x43: {  	s2 =	smov.u32 s0;
	s0 =	sadd.s32 $0x400, s0;
	_ =	swait.ge [sflag:s23], $0x800  }
0x44: {  	[sflag:s23] =	ssyncset.done $0x0  }
0x45: {  	s5 =	sshra.s32 s31, $0x2;
	s31 =	smov.u32 s2;
	[sflag:s23] =	ssyncadd.s32 $0xFFFFF800  }
0x46: {  	[spmem:s1] =	stream.indirect.scatter.add.f32 [tilespmem:s21], [sflag:$0x3], $0x10, s5, s24, $0xb8;
	[tilespmem:$0x8F00] =	vst v63  }
0x47: {  	_ =	swait.ge [sflag:s18], $0x800  }
0x48: {  	[sflag:s18] =	ssyncset.done $0x0  }
0x49: {  	[sflag:s18] =	ssyncadd.s32 $0xFFFFF800  }
0x4a: {  	[spmem:s3] =	stream.indirect.scatter.add.f32 [tilespmem:s20], [sflag:$0x3], $0x10, s5, s24, $0xb8;
	[tilespmem:$0x8F00] =	vst v63  }
0x4b: {  	_ =	swait.ge [sflag:s18], $0x800  }
0x4c: {  	[sflag:s18] =	ssyncset.done $0x0  }
0x4d: {  	[sflag:s18] =	ssyncadd.s32 $0xFFFFF800  }
0x4e: {  	[tilespmem:s21], [sflag:$0x1] =	stream.linear.gather [hbm4b:s30+s4], $0x800, $0x38;
	[tilespmem:$0x8F00] =	vst v63  }
0x4f: {  	_ =	swait.ge [sflag:s25], $0x800  }
0x50: {  	[sflag:s25] =	ssyncset.done $0x0  }
0x51: {  	s2 =	sadd.s32 $0x80, s5;
	[sflag:s25] =	ssyncadd.s32 $0xFFFFF800  }
0x52: {  	[spmem:s1] =	stream.indirect.scatter.add.f32 [tilespmem:s22], [sflag:$0x3], $0x10, s2, s24, $0xb8;
	[tilespmem:$0x8F00] =	vst v63  }
0x53: {  	_ =	swait.ge [sflag:s18], $0x800  }
.Ltmp0:
0x54: {  	[sflag:s18] =	ssyncset.done $0x0;
	(pc) =	sbr.rel @p1 .LBB2_2-.Ltmp0, $4  }
0x55: {  	[sflag:s18] =	ssyncadd.s32 $0xFFFFF800  }
0x56: {  	[spmem:s3] =	stream.indirect.scatter.add.f32 [tilespmem:s20], [sflag:$0x3], $0x10, s2, s24, $0xb8;
	[tilespmem:$0x8F00] =	vst v63  }
0x57: {  	_ =	swait.ge [sflag:s18], $0x800  }
0x58: {  	s30 =	sadd.s32 $0x200, s30;
	[sflag:s18] =	ssyncset.done $0x0  }
0x59: {  	s0 =	sadd.s32 $0xFFFFFF00, s30;
	[sflag:s18] =	ssyncadd.s32 $0xFFFFF800  }
0x5a: {  	[tilespmem:s22], [sflag:$0x2] =	stream.linear.gather [hbm4b:s0+s4], $0x800, $0x38;
	[tilespmem:$0x8F00] =	vst v63  }
0x5b: {  	_ =	swait.ge [sflag:s23], $0x800  }
0x5c: {  	[sflag:s23] =	ssyncset.done $0x0  }
0x5d: {  	s31 =	sshra.s32 s31, $0x2;
	[sflag:s23] =	ssyncadd.s32 $0xFFFFF800  }
0x5e: {  	[spmem:s1] =	stream.indirect.scatter.add.f32 [tilespmem:s21], [sflag:$0x3], $0x10, s31, s24, $0xb8;
	[tilespmem:$0x8F00] =	vst v63  }
0x5f: {  	_ =	swait.ge [sflag:s18], $0x800  }
0x60: {  	[sflag:s18] =	ssyncset.done $0x0  }
0x61: {  	[sflag:s18] =	ssyncadd.s32 $0xFFFFF800  }
0x62: {  	[spmem:s3] =	stream.indirect.scatter.add.f32 [tilespmem:s20], [sflag:$0x3], $0x10, s31, s24, $0xb8;
	[tilespmem:$0x8F00] =	vst v63  }
0x63: {  	_ =	swait.ge [sflag:s18], $0x800  }
0x64: {  	[sflag:s18] =	ssyncset.done $0x0  }
0x65: {  	[sflag:s18] =	ssyncadd.s32 $0xFFFFF800  }
0x66: {  	[tilespmem:s21], [sflag:$0x1] =	stream.linear.gather [hbm4b:s30+s4], $0x800, $0x38;
	[tilespmem:$0x8F00] =	vst v63  }
0x67: {  	_ =	swait.ge [sflag:s25], $0x800  }
0x68: {  	[sflag:s25] =	ssyncset.done $0x0  }
0x69: {  	s0 =	sadd.s32 $0x80, s31;
	[sflag:s25] =	ssyncadd.s32 $0xFFFFF800  }
0x6a: {  	[spmem:s1] =	stream.indirect.scatter.add.f32 [tilespmem:s22], [sflag:$0x3], $0x10, s0, s24, $0xb8;
	[tilespmem:$0x8F00] =	vst v63  }
0x6b: {  	_ =	swait.ge [sflag:s18], $0x800  }
0x6c: {  	[sflag:s18] =	ssyncset.done $0x0  }
0x6d: {  	[sflag:s18] =	ssyncadd.s32 $0xFFFFF800  }
0x6e: {  	[spmem:s3] =	stream.indirect.scatter.add.f32 [tilespmem:s20], [sflag:$0x3], $0x10, s0, s24, $0xb8;
	[tilespmem:$0x8F00] =	vst v63  }
0x6f: {  	_ =	swait.ge [sflag:s18], $0x800  }
0x70: {  	[sflag:s18] =	ssyncset.done $0x0  }
0x71: {  	[sflag:s18] =	ssyncadd.s32 $0xFFFFF800  }
0x72: {  	[tilespmem:s22], [sflag:$0x2] =	stream.linear.gather [hbm4b:s15+s4], $0x800, $0x38;
	[tilespmem:$0x8F00] =	vst v63  }
0x73: {  	_ =	swait.ge [sflag:s23], $0x800  }
0x74: {  	[sflag:s23] =	ssyncset.done $0x0  }
0x75: {  	[sflag:s23] =	ssyncadd.s32 $0xFFFFF800  }
0x76: {  	[spmem:s1] =	stream.indirect.scatter.add.f32 [tilespmem:s21], [sflag:$0x3], $0x10, s26, s24, $0xb8;
	[tilespmem:$0x8F00] =	vst v63  }
0x77: {  	_ =	swait.ge [sflag:s18], $0x800  }
0x78: {  	[sflag:s18] =	ssyncset.done $0x0  }
0x79: {  	[sflag:s18] =	ssyncadd.s32 $0xFFFFF800  }
0x7a: {  	[spmem:s3] =	stream.indirect.scatter.add.f32 [tilespmem:s20], [sflag:$0x3], $0x10, s26, s24, $0xb8;
	[tilespmem:$0x8F00] =	vst v63  }
0x7b: {  	_ =	swait.ge [sflag:s18], $0x800  }
0x7c: {  	[sflag:s18] =	ssyncset.done $0x0  }
0x7d: {  	[sflag:s18] =	ssyncadd.s32 $0xFFFFF800  }
0x7e: {  	_ =	swait.ge [sflag:s25], $0x800  }
0x7f: {  	[sflag:s25] =	ssyncset.done $0x0  }
0x80: {  	[sflag:s25] =	ssyncadd.s32 $0xFFFFF800  }
0x81: {  	[spmem:s1] =	stream.indirect.scatter.add.f32 [tilespmem:s22], [sflag:$0x3], $0x10, s28, s24, $0xb8;
	[tilespmem:$0x8F00] =	vst v63  }
0x82: {  	_ =	swait.ge [sflag:s18], $0x800  }
0x83: {  	[sflag:s18] =	ssyncset.done $0x0  }
0x84: {  	[sflag:s18] =	ssyncadd.s32 $0xFFFFF800  }
0x85: {  	[spmem:s3] =	stream.indirect.scatter.add.f32 [tilespmem:s20], [sflag:$0x3], $0x10, s28, s24, $0xb8;
	[tilespmem:$0x8F00] =	vst v63  }
0x86: {  	_ =	swait.ge [sflag:s18], $0x800  }
0x87: {  	[sflag:s18] =	ssyncset.done $0x0  }
0x88: {  	s2 =	simm.s32 @!p0 $0x3;
	s0 =	simm.s32 @!p0 $0x0;
	[sflag:s18] =	ssyncadd.s32 $0xFFFFF800  }
0x89: {  	[tilespmem:s0], [sflag:$0x3] =	stream.linear.gather @!p0 [hbm4b:s10+s0], $0x80, $0x38;
	[tilespmem:$0x8F00] =	vst v63  }
0x8a: {  	_ =	swait.ge @!p0 [sflag:s2], $0x80  }
0x8b: {  	[sflag:s2] =	ssyncset.done @!p0 $0x0  }
0x8c: {  	s5 =	simm.s32 @!p0 $0x2F00;
	s30 =	simm.s32 @!p0 $0x1;
	[sflag:s2] =	ssyncadd.s32 @!p0 $0xFFFFFF80  }
0x8d: {  	[tilespmem:s5], [sflag:$0x1] =	stream.linear.gather @!p0 [hbm4b:s11+s0], $0x800, $0x38;
	[tilespmem:$0x8F00] =	vst v63  }
0x8e: {  	_ =	swait.ge @!p0 [sflag:s30], $0x800  }
0x8f: {  	[sflag:s30] =	ssyncset.done @!p0 $0x0  }
0x90: {  	[sflag:s30] =	ssyncadd.s32 @!p0 $0xFFFFF800;
	s30 =	simm.s32 @!p0 $0x80  }
0x91: {  	[spmem:s1] =	stream.indirect.scatter.add.f32 @!p0 [tilespmem:s5], [sflag:$0x3], $0x10, s0, s30, $0xb8;
	[tilespmem:$0x8F00] =	vst v63  }
0x92: {  	_ =	swait.ge @!p0 [sflag:s2], $0x800  }
0x93: {  	[sflag:s2] =	ssyncset.done @!p0 $0x0  }
0x94: {  	s5 =	simm.s32 @!p0 $0x2700;
	[sflag:s2] =	ssyncadd.s32 @!p0 $0xFFFFF800  }
0x95: {  	[spmem:s3] =	stream.indirect.scatter.add.f32 @!p0 [tilespmem:s5], [sflag:$0x3], $0x10, s0, s30, $0xb8;
	[tilespmem:$0x8F00] =	vst v63  }
0x96: {  	_ =	swait.ge @!p0 [sflag:s2], $0x800  }
0x97: {  	[sflag:s2] =	ssyncset.done @!p0 $0x0  }
0x98: {  	[sflag:s2] =	ssyncadd.s32 @!p0 $0xFFFFF800  }
0x99: {  	[bflag:$0x0] =	sbarrier.arrive $0xFFFF  }
0x9a: {  	[hbm:s12], [sflag:s7] =	dma.local [spmem:s17], $0x500  }
0x9b: {  	s29 =	sadd.s32 $0x1, s29;
	_ =	swait.ge [sflag:s18], $0x500  }
0x9c: {  	p1 =	sne.s32 s29, s14;
	[sflag:s18] =	ssyncset.done $0x0  }
.Ltmp1:
0x9d: {  	[sflag:s18] =	ssyncadd.s32 $0xFFFFFB00;
	(pc) =	sbr.rel @p1 .LBB2_1-.Ltmp1, $4  }
0x9e: {  	[hbm:s13], [sflag:s7] =	dma.local [spmem:s19], $0x500  }
0x9f: {  	_ =	swait.ge [sflag:s18], $0x500  }
0xa0: {  	[sflag:s18] =	ssyncset.done $0x0  }
0xa1: {  	[sflag:s18] =	ssyncadd.s32 $0xFFFFFB00  }
0xa2: {  	_ =	sfence.sel $0x180000  }
0xa3: {  	[bflag:$0x0] =	sbarrier.arrive $0xFFFF  }
0xa4: {  	_ =	strace $0x90000047  }
0xa5: {  	s0 =	stileid.u32;
	[bflag:$0x2] =	sbarrier.arrive $0xFFFF  }
0xa6: {  	p0 =	sne.s32 s0, $0x0;
	s0 =	rddreg [dreg:$0x3]  }
0xa7: {  	s0 =	sadd.s32 @!p0 $0x100000, s0  }
0xa8: {  	[sflag:s0] =	ssyncadd.tile.s32 @!p0 $0x1;
	_ =	shalt  }
.Lfunc_end2:
_tile_overlayer_lowered:
.L_overlay_start_2:
0xa9: {  	(tag) =	ssettag $0x2  }
0xaa: {  	s0 =	rddreg [dreg:$0x0];
	s2 =	stileid.u32  }
0xab: {  	s1 =	rddreg [dreg:$0x1];
	p0 =	sne.s32 s2, $0x0  }
0xac: {  	s3 =	rddreg [dreg:$0x2];
	[bflag:$0x3] =	sbarrier.arrive $0xFFFF;
	s2 =	simm.s32 @!p0 $0x1C03  }
0xad: {  	[timem:s3], [sflag:s2] =	dma.local @!p0 [hbm:s0], s1  }
0xae: {  	s0 =	simm.s32 @!p0 $0x3  }
0xaf: {  	_ =	swait.ge @!p0 [sflag:s0], s1  }
0xb0: {  	s1 =	ssub.s32 @!p0 $0x0, s1;
	[sflag:s0] =	ssyncset.done @!p0 $0x0  }
0xb1: {  	[sflag:s0] =	ssyncadd.s32 @!p0 s1  }
0xb2: {  	[bflag:$0x3] =	sbarrier.arrive $0xFFFF  }
0xb3: {  	_ =	shalt  }

</sc_bundles>
